<compile_context>
chip_gen: v7x
topology: tpu7x:2x2x1
jax: 0.10.2.dev20260603
libtpu: 0.0.44.dev20260713+nightly
codegen_flags: <defaults>
</compile_context>

<pallas_src>
import functools

import jax
import jax.numpy as jnp
from jax import lax
from jax.experimental import pallas as pl
from jax.experimental.pallas import tpu as pltpu
from jax.experimental.pallas import tpu_sc as plsc

N = 10000
E = 320000
F = 128
NC = 2
NS = 16
NW = NC * NS
EPW = E // NW
L = 16
UNROLL = 5
UNROLL_E = 125
EW = EPW + 112


@functools.cache
def _sc_mesh():
    return plsc.VectorSubcoreMesh(core_axis_name="c", subcore_axis_name="s",
                                  num_cores=NC, num_subcores=NS)


@functools.cache
def _hist_sc_kernel():
    return pl.kernel(
        _hist_sc_body,
        out_type=jax.ShapeDtypeStruct((NW, N), jnp.float32),
        mesh=_sc_mesh(),
        scratch_types=[
            pltpu.VMEM((2, EW), jnp.int32),
            pltpu.VMEM((N,), jnp.float32),
            pltpu.SemaphoreType.DMA,
        ],
        compiler_params=pltpu.CompilerParams(needs_layout_passes=False),
    )


def _hist_sc_body(ei_hbm, out_hbm, ei_v, hist_v, sem):
    wid = lax.axis_index("s") * NC + lax.axis_index("c")
    start = wid * EPW
    base = start // 128 * 128
    off = start - base
    cp = pltpu.async_copy(ei_hbm.at[:, pl.ds(base, EW)], ei_v, sem)

    z16 = jnp.zeros((L,), jnp.float32)

    @plsc.parallel_loop(0, N // L, unroll=UNROLL)
    def _(i):
        hist_v[pl.ds(i * L, L)] = z16

    cp.wait()
    ones = jnp.ones((L,), jnp.float32)

    @plsc.parallel_loop(0, EPW // L, unroll=UNROLL_E)
    def _(i):
        t = ei_v[1, pl.ds(off + i * L, L)]
        plsc.addupdate_scatter(hist_v, [t], ones)

    pltpu.sync_copy(hist_v, out_hbm.at[wid])


@functools.cache
def _msg_sc_kernel():
    return pl.kernel(
        _msg_sc_body,
        out_type=jax.ShapeDtypeStruct((NW * 3, N), jnp.float32),
        mesh=_sc_mesh(),
        scratch_types=[
            pltpu.VMEM((2, EW), jnp.int32),
            pltpu.VMEM((3 * N,), jnp.float32),
            pltpu.VMEM((N,), jnp.float32),
            pltpu.VMEM((N,), jnp.float32),
            pltpu.VMEM((N,), jnp.float32),
            pltpu.SemaphoreType.DMA,
            pltpu.SemaphoreType.DMA,
        ],
        compiler_params=pltpu.CompilerParams(needs_layout_passes=False),
    )


def _msg_sc_body(ei_hbm, y_hbm, out_hbm,
                 ei_v, y_v, a0, a1, a2, sem0, sem1):
    wid = lax.axis_index("s") * NC + lax.axis_index("c")
    start = wid * EPW
    base = start // 128 * 128
    off = start - base
    cp0 = pltpu.async_copy(ei_hbm.at[:, pl.ds(base, EW)], ei_v, sem0)
    cp1 = pltpu.async_copy(y_hbm, y_v, sem1)

    z16 = jnp.zeros((L,), jnp.float32)

    @plsc.parallel_loop(0, N // L, unroll=UNROLL)
    def _(i):
        a0[pl.ds(i * L, L)] = z16
        a1[pl.ds(i * L, L)] = z16
        a2[pl.ds(i * L, L)] = z16

    cp0.wait()
    cp1.wait()

    n1 = jnp.full((L,), N, jnp.int32)
    n2 = jnp.full((L,), 2 * N, jnp.int32)

    @plsc.parallel_loop(0, EPW // L, unroll=UNROLL_E)
    def _(i):
        s = ei_v[0, pl.ds(off + i * L, L)]
        t = ei_v[1, pl.ds(off + i * L, L)]
        plsc.addupdate_scatter(a0, [t], plsc.load_gather(y_v, [s]))
        plsc.addupdate_scatter(a1, [t], plsc.load_gather(y_v, [s + n1]))
        plsc.addupdate_scatter(a2, [t], plsc.load_gather(y_v, [s + n2]))

    pltpu.sync_copy(a0, out_hbm.at[wid * 3 + 0])
    pltpu.sync_copy(a1, out_hbm.at[wid * 3 + 1])
    pltpu.sync_copy(a2, out_hbm.at[wid * 3 + 2])


def _xw_tc_body(x_ref, w8_ref, xwT_ref):
    xw = jnp.dot(x_ref[...], w8_ref[...],
                 preferred_element_type=jnp.float32)
    xwT_ref[...] = xw.T[0:3, :]


_xw_tc = pl.pallas_call(
    _xw_tc_body,
    out_shape=jax.ShapeDtypeStruct((3, N), jnp.float32),
)


def _mid_tc_body(hp_ref, xwT_ref, y_ref, yf_ref, d_ref):
    deg = jnp.sum(hp_ref[...], axis=0) + 1.0
    dv = lax.rsqrt(deg)
    yT = xwT_ref[...] * dv[None, :]
    y_ref[...] = yT
    yf_ref[pl.ds(0, N)] = yT[0]
    yf_ref[pl.ds(N, N)] = yT[1]
    yf_ref[pl.ds(2 * N, N)] = yT[2]
    d_ref[...] = dv[None, :]


_mid_tc = pl.pallas_call(
    _mid_tc_body,
    out_shape=(jax.ShapeDtypeStruct((3, N), jnp.float32),
               jax.ShapeDtypeStruct((3 * N,), jnp.float32),
               jax.ShapeDtypeStruct((1, N), jnp.float32)),
)


def _fin_tc_body(ap_ref, sel_ref, y_ref, d_ref, b3_ref, wo_ref, bo_ref,
                 h_ref, z_ref):
    acc = jnp.dot(sel_ref[...], ap_ref[...],
                  preferred_element_type=jnp.float32)
    tot = (acc + y_ref[...]) * d_ref[...]
    hT = jnp.maximum(tot + b3_ref[...], 0.0)
    h_ref[...] = hT
    z_ref[...] = jnp.dot(wo_ref[...], hT,
                         preferred_element_type=jnp.float32) + bo_ref[...]


_fin_tc = pl.pallas_call(
    _fin_tc_body,
    out_shape=(jax.ShapeDtypeStruct((3, N), jnp.float32),
               jax.ShapeDtypeStruct((7, N), jnp.float32)),
)


def kernel(x, edge_index, W_gcn, b_gcn, W_out, b_out):
    w8 = jnp.zeros((F, 8), jnp.float32).at[:, :3].set(W_gcn)

    hp = _hist_sc_kernel()(edge_index)
    xwT = _xw_tc(x, w8)
    yT3, yf, drow = _mid_tc(hp, xwT)
    ap = _msg_sc_kernel()(edge_index, yf)
    sel = jnp.tile(jnp.eye(3, dtype=jnp.float32), (1, NW))
    hT, zT = _fin_tc(ap, sel, yT3, drow,
                     b_gcn.reshape(3, 1), W_out.T, b_out.reshape(7, 1))
    return hT.T, zT.T

# --- scband reference (transcript-rebuilt; emitter-appended) ---
"""Pipeline reference for scband-gcn-39960375722198 (READ-ONLY COPY).

The authoritative reference and input builder live on the scoring server;
editing this copy changes nothing except your own understanding.
"""

import jax, jax.numpy as jnp
import numpy as np

N = 10000
E = 320000
F = 128
H = 3
C = 7


def setup_inputs(seed: int = 0) -> dict:
    key = jax.random.key(seed)
    k1, k2, k3, k4, k5, k6 = jax.random.split(key, 6)
    x = jax.random.normal(k1, (N, F), dtype=jnp.float32)
    edge_index = jax.random.randint(k2, (2, E), 0, N, dtype=jnp.int32)
    W_gcn = jax.random.normal(k3, (F, H), dtype=jnp.float32) / np.sqrt(F)
    b_gcn = jnp.zeros((H,), dtype=jnp.float32)
    W_out = jax.random.normal(k4, (H, C), dtype=jnp.float32) / np.sqrt(H)
    b_out = jnp.zeros((C,), dtype=jnp.float32)
    return {"x": x, "edge_index": edge_index, "W_gcn": W_gcn, "b_gcn": b_gcn, "W_out": W_out, "b_out": b_out}


def reference(x, edge_index, W_gcn, b_gcn, W_out, b_out):
    # GCNConv: x' = D^{-1/2} (A + I) D^{-1/2} X W + b
    n = x.shape[0]
    src = edge_index[0]
    dst = edge_index[1]
    loop = jnp.arange(n, dtype=src.dtype)
    row = jnp.concatenate([src, loop])  # message source
    col = jnp.concatenate([dst, loop])  # message destination
    # linear transform first (out dim is small)
    xw = x @ W_gcn
    # symmetric normalization based on in-degree including self loops
    deg = jnp.zeros((n,), dtype=xw.dtype).at[col].add(1.0)
    deg_inv_sqrt = jnp.where(deg > 0, jax.lax.rsqrt(jnp.maximum(deg, 1e-12)), 0.0)
    norm = deg_inv_sqrt[row] * deg_inv_sqrt[col]
    # gather messages from source, scale, scatter-add to destination
    msgs = xw[row] * norm[:, None]
    agg = jnp.zeros((n, xw.shape[1]), dtype=xw.dtype).at[col].add(msgs)
    h_pre = agg + b_gcn
    h = jax.nn.relu(h_pre)
    z = h @ W_out + b_out
    return (h, z)

if __name__ == "__main__":
    import jax
    _d = setup_inputs()
    print(jax.jit(kernel)(*tuple(_d.values())))

</pallas_src>

<mosaic_0001>
#map = affine_map<(d0, d1) -> (0, 0)>
module attributes {stable_mosaic.version = 14 : i64} {
  func.func @_hist_sc_body(%arg0: i32, %arg1: i32, %arg2: memref<2x320000xi32, #tpu.memory_space<hbm>>, %arg3: memref<32x10000xf32, #tpu.memory_space<hbm>>, %arg4: memref<2x10112xi32, #tpu.memory_space<vmem>>, %arg5: memref<10000xf32, #tpu.memory_space<vmem>>, %arg6: memref<!tpu.dma_semaphore, #tpu.memory_space<semaphore_mem>>) attributes {dimension_semantics = [#tpu.dimension_semantics<core_parallel>, #tpu.dimension_semantics<subcore_parallel>], iteration_bounds = array<i64: 2, 16>, scalar_prefetch = 0 : i64, scratch_operands = 3 : i64, tpu.core_type = #tpu.core_type<sc_vector_subcore>, window_params = [{transform_indices = #map}, {transform_indices = #map}]} {
    %mul3A = arith.constant 2 : i32
    %mul3A_0 = arith.muli %arg1, %mul3A : i32
    %add3A = arith.addi %mul3A_0, %arg0 : i32
    %mul3A_1 = arith.constant 10000 : i32
    %mul3A_2 = arith.muli %add3A, %mul3A_1 : i32
    %jit3A = arith.constant 128 : i32
    %div3A = arith.divsi %mul3A_2, %jit3A : i32
    %sign3A = arith.constant 0 : i32
    %sign3A_3 = arith.cmpi sgt, %mul3A_2, %sign3A : i32
    %sign3A_4 = arith.extui %sign3A_3 : i1 to i32
    %sign3A_5 = arith.constant 0 : i32
    %sign3A_6 = arith.cmpi slt, %mul3A_2, %sign3A_5 : i32
    %sign3A_7 = arith.extui %sign3A_6 : i1 to i32
    %sign3A_8 = arith.subi %sign3A_4, %sign3A_7 : i32
    %sign3A_9 = arith.constant 0 : i32
    %sign3A_10 = arith.cmpi sgt, %jit3A, %sign3A_9 : i32
    %sign3A_11 = arith.extui %sign3A_10 : i1 to i32
    %sign3A_12 = arith.constant 0 : i32
    %sign3A_13 = arith.cmpi slt, %jit3A, %sign3A_12 : i32
    %sign3A_14 = arith.extui %sign3A_13 : i1 to i32
    %sign3A_15 = arith.subi %sign3A_11, %sign3A_14 : i32
    %ne3A = arith.cmpi ne, %sign3A_8, %sign3A_15 : i32
    %rem3A = arith.remsi %mul3A_2, %jit3A : i32
    %ne3A_16 = arith.constant 0 : i32
    %ne3A_17 = arith.cmpi ne, %rem3A, %ne3A_16 : i32
    %and3A = arith.andi %ne3A, %ne3A_17 : i1
    %sub3A = arith.constant 1 : i32
    %sub3A_18 = arith.subi %div3A, %sub3A : i32
    %select_n3A = arith.select %and3A, %sub3A_18, %div3A : i32
    %mul3A_19 = arith.constant 128 : i32
    %mul3A_20 = arith.muli %select_n3A, %mul3A_19 : i32
    %sub3A_21 = arith.subi %mul3A_2, %mul3A_20 : i32
    %dma_start3A = arith.constant 0 : i32
    %dma_start3A_22 = tpu.memref_slice %arg2[%dma_start3A, %mul3A_20] : memref<2x320000xi32, #tpu.memory_space<hbm>> -> memref<2x10112xi32, #tpu.memory_space<hbm>>
    %dma_start3A_23 = arith.constant 0 : i32
    %dma_start3A_24 = tpu.memref_slice %arg2[%dma_start3A_23, %mul3A_20] : memref<2x320000xi32, #tpu.memory_space<hbm>> -> memref<2x10112xi32, #tpu.memory_space<hbm>>
    tpu.enqueue_dma source(%dma_start3A_24 : memref<2x10112xi32, #tpu.memory_space<hbm>>) target(%arg4 : memref<2x10112xi32, #tpu.memory_space<vmem>>) target_semaphore(%arg6 : memref<!tpu.dma_semaphore, #tpu.memory_space<semaphore_mem>>)
    %broadcast_in_dim3A = arith.constant 0.000000e+00 : f32
    %broadcast_in_dim3A_25 = vector.broadcast %broadcast_in_dim3A : f32 to vector<16xf32>
    %parallel_loop3A = arith.constant 0 : i32
    %parallel_loop3A_26 = arith.constant 625 : i32
    %parallel_loop3A_27 = arith.constant 1 : i32
    scf.for %parallel_loop3A_36 = %parallel_loop3A to %parallel_loop3A_26 step %parallel_loop3A_27  : i32 {
      %parallel_loop3A_37 = arith.constant 16 : i32
      %parallel_loop3A_38 = arith.muli %parallel_loop3A_36, %parallel_loop3A_37 : i32
      %parallel_loop3A_39 = arith.index_cast %parallel_loop3A_38 : i32 to index
      %parallel_loop3A_40 = tpu.vector_load %arg5[%parallel_loop3A_39] {strides = array<i32>} : memref<10000xf32, #tpu.memory_space<vmem>>, vector<16xf32>,
      tpu.vector_store %arg5[%parallel_loop3A_39], %broadcast_in_dim3A_25 {strides = array<i32>} : memref<10000xf32, #tpu.memory_space<vmem>>, vector<16xf32>,
    } {sc.loop_unroll_factor = 5 : i64, sc.parallel_access}
    %dma_wait3A = arith.constant 0 : i32
    %dma_wait3A_28 = tpu.memref_slice %arg2[%dma_wait3A, %mul3A_20] : memref<2x320000xi32, #tpu.memory_space<hbm>> -> memref<2x10112xi32, #tpu.memory_space<hbm>>
    %dma_wait3A_29 = arith.constant 0 : i32
    %dma_wait3A_30 = tpu.memref_slice %arg2[%dma_wait3A_29, %mul3A_20] : memref<2x320000xi32, #tpu.memory_space<hbm>> -> memref<2x10112xi32, #tpu.memory_space<hbm>>
    tpu.wait_dma2 semaphore(%arg6 : memref<!tpu.dma_semaphore, #tpu.memory_space<semaphore_mem>>) src(%dma_wait3A_30 : memref<2x10112xi32, #tpu.memory_space<hbm>>) dst(%arg4 : memref<2x10112xi32, #tpu.memory_space<vmem>>)
    %broadcast_in_dim3A_31 = arith.constant 1.000000e+00 : f32
    %broadcast_in_dim3A_32 = vector.broadcast %broadcast_in_dim3A_31 : f32 to vector<16xf32>
    %parallel_loop3A_33 = arith.constant 0 : i32
    %parallel_loop3A_34 = arith.constant 625 : i32
    %parallel_loop3A_35 = arith.constant 1 : i32
    scf.for %parallel_loop3A_36 = %parallel_loop3A_33 to %parallel_loop3A_34 step %parallel_loop3A_35  : i32 {
      %parallel_loop3A_37 = arith.constant 16 : i32
      %parallel_loop3A_38 = arith.muli %parallel_loop3A_36, %parallel_loop3A_37 : i32
      %parallel_loop3A_39 = arith.addi %sub3A_21, %parallel_loop3A_38 : i32
      %parallel_loop3A_40 = arith.constant 1 : i32
      %parallel_loop3A_41 = arith.index_cast %parallel_loop3A_40 : i32 to index
      %parallel_loop3A_42 = arith.index_cast %parallel_loop3A_39 : i32 to index
      %parallel_loop3A_43 = tpu.vector_load %arg4[%parallel_loop3A_41, %parallel_loop3A_42] {strides = array<i32>} : memref<2x10112xi32, #tpu.memory_space<vmem>>, vector<16xi32>,
      tpu.vector_store_idx %arg5[%parallel_loop3A_43], %broadcast_in_dim3A_32 {add = true} : memref<10000xf32, #tpu.memory_space<vmem>>[vector<16xi32>], vector<16xf32>,
    } {sc.loop_unroll_factor = 125 : i64, sc.parallel_access}
    "tpu.region"() ({
      %run_scoped3A = tpu.sem_alloc : memref<!tpu.dma_semaphore, #tpu.memory_space<semaphore_mem>>
      %dma_start3A_36 = arith.constant 0 : i32
      %dma_start3A_37 = tpu.memref_slice %arg3[%add3A, %dma_start3A_36] : memref<32x10000xf32, #tpu.memory_space<hbm>> -> memref<1x10000xf32, #tpu.memory_space<hbm>>
      %dma_start3A_38 = tpu.memref_squeeze %dma_start3A_37 : memref<1x10000xf32, #tpu.memory_space<hbm>> -> memref<10000xf32, #tpu.memory_space<hbm>>
      %dma_start3A_39 = arith.constant 0 : i32
      %dma_start3A_40 = tpu.memref_slice %arg3[%add3A, %dma_start3A_39] : memref<32x10000xf32, #tpu.memory_space<hbm>> -> memref<1x10000xf32, #tpu.memory_space<hbm>>
      %dma_start3A_41 = tpu.memref_squeeze %dma_start3A_40 : memref<1x10000xf32, #tpu.memory_space<hbm>> -> memref<10000xf32, #tpu.memory_space<hbm>>
      tpu.enqueue_dma source(%arg5 : memref<10000xf32, #tpu.memory_space<vmem>>) target(%dma_start3A_41 : memref<10000xf32, #tpu.memory_space<hbm>>) target_semaphore(%run_scoped3A : memref<!tpu.dma_semaphore, #tpu.memory_space<semaphore_mem>>)
      %dma_wait3A_42 = arith.constant 0 : i32
      %dma_wait3A_43 = tpu.memref_slice %arg3[%add3A, %dma_wait3A_42] : memref<32x10000xf32, #tpu.memory_space<hbm>> -> memref<1x10000xf32, #tpu.memory_space<hbm>>
      %dma_wait3A_44 = tpu.memref_squeeze %dma_wait3A_43 : memref<1x10000xf32, #tpu.memory_space<hbm>> -> memref<10000xf32, #tpu.memory_space<hbm>>
      %dma_wait3A_45 = arith.constant 0 : i32
      %dma_wait3A_46 = tpu.memref_slice %arg3[%add3A, %dma_wait3A_45] : memref<32x10000xf32, #tpu.memory_space<hbm>> -> memref<1x10000xf32, #tpu.memory_space<hbm>>
      %dma_wait3A_47 = tpu.memref_squeeze %dma_wait3A_46 : memref<1x10000xf32, #tpu.memory_space<hbm>> -> memref<10000xf32, #tpu.memory_space<hbm>>
      tpu.wait_dma2 semaphore(%run_scoped3A : memref<!tpu.dma_semaphore, #tpu.memory_space<semaphore_mem>>) src(%arg5 : memref<10000xf32, #tpu.memory_space<vmem>>) dst(%dma_wait3A_47 : memref<10000xf32, #tpu.memory_space<hbm>>)
      tpu.yield
    }) : () -> ()
    return
  }
}

#map = affine_map<(d0, d1) -> (0, 0)>
#map1 = affine_map<(d0, d1) -> (0)>
module attributes {stable_mosaic.version = 14 : i64} {
  func.func @_msg_sc_body(%arg0: i32, %arg1: i32, %arg2: memref<2x320000xi32, #tpu.memory_space<hbm>>, %arg3: memref<30000xf32, #tpu.memory_space<hbm>>, %arg4: memref<96x10000xf32, #tpu.memory_space<hbm>>, %arg5: memref<2x10112xi32, #tpu.memory_space<vmem>>, %arg6: memref<30000xf32, #tpu.memory_space<vmem>>, %arg7: memref<10000xf32, #tpu.memory_space<vmem>>, %arg8: memref<10000xf32, #tpu.memory_space<vmem>>, %arg9: memref<10000xf32, #tpu.memory_space<vmem>>, %arg10: memref<!tpu.dma_semaphore, #tpu.memory_space<semaphore_mem>>, %arg11: memref<!tpu.dma_semaphore, #tpu.memory_space<semaphore_mem>>) attributes {dimension_semantics = [#tpu.dimension_semantics<core_parallel>, #tpu.dimension_semantics<subcore_parallel>], iteration_bounds = array<i64: 2, 16>, scalar_prefetch = 0 : i64, scratch_operands = 7 : i64, tpu.core_type = #tpu.core_type<sc_vector_subcore>, window_params = [{transform_indices = #map}, {transform_indices = #map1}, {transform_indices = #map}]} {
    %mul3A = arith.constant 2 : i32
    %mul3A_0 = arith.muli %arg1, %mul3A : i32
    %add3A = arith.addi %mul3A_0, %arg0 : i32
    %mul3A_1 = arith.constant 10000 : i32
    %mul3A_2 = arith.muli %add3A, %mul3A_1 : i32
    %jit3A = arith.constant 128 : i32
    %div3A = arith.divsi %mul3A_2, %jit3A : i32
    %sign3A = arith.constant 0 : i32
    %sign3A_3 = arith.cmpi sgt, %mul3A_2, %sign3A : i32
    %sign3A_4 = arith.extui %sign3A_3 : i1 to i32
    %sign3A_5 = arith.constant 0 : i32
    %sign3A_6 = arith.cmpi slt, %mul3A_2, %sign3A_5 : i32
    %sign3A_7 = arith.extui %sign3A_6 : i1 to i32
    %sign3A_8 = arith.subi %sign3A_4, %sign3A_7 : i32
    %sign3A_9 = arith.constant 0 : i32
    %sign3A_10 = arith.cmpi sgt, %jit3A, %sign3A_9 : i32
    %sign3A_11 = arith.extui %sign3A_10 : i1 to i32
    %sign3A_12 = arith.constant 0 : i32
    %sign3A_13 = arith.cmpi slt, %jit3A, %sign3A_12 : i32
    %sign3A_14 = arith.extui %sign3A_13 : i1 to i32
    %sign3A_15 = arith.subi %sign3A_11, %sign3A_14 : i32
    %ne3A = arith.cmpi ne, %sign3A_8, %sign3A_15 : i32
    %rem3A = arith.remsi %mul3A_2, %jit3A : i32
    %ne3A_16 = arith.constant 0 : i32
    %ne3A_17 = arith.cmpi ne, %rem3A, %ne3A_16 : i32
    %and3A = arith.andi %ne3A, %ne3A_17 : i1
    %sub3A = arith.constant 1 : i32
    %sub3A_18 = arith.subi %div3A, %sub3A : i32
    %select_n3A = arith.select %and3A, %sub3A_18, %div3A : i32
    %mul3A_19 = arith.constant 128 : i32
    %mul3A_20 = arith.muli %select_n3A, %mul3A_19 : i32
    %sub3A_21 = arith.subi %mul3A_2, %mul3A_20 : i32
    %dma_start3A = arith.constant 0 : i32
    %dma_start3A_22 = tpu.memref_slice %arg2[%dma_start3A, %mul3A_20] : memref<2x320000xi32, #tpu.memory_space<hbm>> -> memref<2x10112xi32, #tpu.memory_space<hbm>>
    %dma_start3A_23 = arith.constant 0 : i32
    %dma_start3A_24 = tpu.memref_slice %arg2[%dma_start3A_23, %mul3A_20] : memref<2x320000xi32, #tpu.memory_space<hbm>> -> memref<2x10112xi32, #tpu.memory_space<hbm>>
    tpu.enqueue_dma source(%dma_start3A_24 : memref<2x10112xi32, #tpu.memory_space<hbm>>) target(%arg5 : memref<2x10112xi32, #tpu.memory_space<vmem>>) target_semaphore(%arg10 : memref<!tpu.dma_semaphore, #tpu.memory_space<semaphore_mem>>)
    tpu.enqueue_dma source(%arg3 : memref<30000xf32, #tpu.memory_space<hbm>>) target(%arg6 : memref<30000xf32, #tpu.memory_space<vmem>>) target_semaphore(%arg11 : memref<!tpu.dma_semaphore, #tpu.memory_space<semaphore_mem>>)
    %broadcast_in_dim3A = arith.constant 0.000000e+00 : f32
    %broadcast_in_dim3A_25 = vector.broadcast %broadcast_in_dim3A : f32 to vector<16xf32>
    %parallel_loop3A = arith.constant 0 : i32
    %parallel_loop3A_26 = arith.constant 625 : i32
    %parallel_loop3A_27 = arith.constant 1 : i32
    scf.for %parallel_loop3A_50 = %parallel_loop3A to %parallel_loop3A_26 step %parallel_loop3A_27  : i32 {
      %parallel_loop3A_51 = arith.constant 16 : i32
      %parallel_loop3A_52 = arith.muli %parallel_loop3A_50, %parallel_loop3A_51 : i32
      %parallel_loop3A_53 = arith.index_cast %parallel_loop3A_52 : i32 to index
      %parallel_loop3A_54 = tpu.vector_load %arg7[%parallel_loop3A_53] {strides = array<i32>} : memref<10000xf32, #tpu.memory_space<vmem>>, vector<16xf32>,
      tpu.vector_store %arg7[%parallel_loop3A_53], %broadcast_in_dim3A_25 {strides = array<i32>} : memref<10000xf32, #tpu.memory_space<vmem>>, vector<16xf32>,
      %parallel_loop3A_55 = arith.constant 16 : i32
      %parallel_loop3A_56 = arith.muli %parallel_loop3A_50, %parallel_loop3A_55 : i32
      %parallel_loop3A_57 = arith.index_cast %parallel_loop3A_56 : i32 to index
      %parallel_loop3A_58 = tpu.vector_load %arg8[%parallel_loop3A_57] {strides = array<i32>} : memref<10000xf32, #tpu.memory_space<vmem>>, vector<16xf32>,
      tpu.vector_store %arg8[%parallel_loop3A_57], %broadcast_in_dim3A_25 {strides = array<i32>} : memref<10000xf32, #tpu.memory_space<vmem>>, vector<16xf32>,
      %parallel_loop3A_59 = arith.constant 16 : i32
      %parallel_loop3A_60 = arith.muli %parallel_loop3A_50, %parallel_loop3A_59 : i32
      %parallel_loop3A_61 = arith.index_cast %parallel_loop3A_60 : i32 to index
      %parallel_loop3A_62 = tpu.vector_load %arg9[%parallel_loop3A_61] {strides = array<i32>} : memref<10000xf32, #tpu.memory_space<vmem>>, vector<16xf32>,
      tpu.vector_store %arg9[%parallel_loop3A_61], %broadcast_in_dim3A_25 {strides = array<i32>} : memref<10000xf32, #tpu.memory_space<vmem>>, vector<16xf32>,
    } {sc.loop_unroll_factor = 5 : i64, sc.parallel_access}
    %dma_wait3A = arith.constant 0 : i32
    %dma_wait3A_28 = tpu.memref_slice %arg2[%dma_wait3A, %mul3A_20] : memref<2x320000xi32, #tpu.memory_space<hbm>> -> memref<2x10112xi32, #tpu.memory_space<hbm>>
    %dma_wait3A_29 = arith.constant 0 : i32
    %dma_wait3A_30 = tpu.memref_slice %arg2[%dma_wait3A_29, %mul3A_20] : memref<2x320000xi32, #tpu.memory_space<hbm>> -> memref<2x10112xi32, #tpu.memory_space<hbm>>
    tpu.wait_dma2 semaphore(%arg10 : memref<!tpu.dma_semaphore, #tpu.memory_space<semaphore_mem>>) src(%dma_wait3A_30 : memref<2x10112xi32, #tpu.memory_space<hbm>>) dst(%arg5 : memref<2x10112xi32, #tpu.memory_space<vmem>>)
    tpu.wait_dma2 semaphore(%arg11 : memref<!tpu.dma_semaphore, #tpu.memory_space<semaphore_mem>>) src(%arg3 : memref<30000xf32, #tpu.memory_space<hbm>>) dst(%arg6 : memref<30000xf32, #tpu.memory_space<vmem>>)
    %broadcast_in_dim3A_31 = arith.constant 10000 : i32
    %broadcast_in_dim3A_32 = vector.broadcast %broadcast_in_dim3A_31 : i32 to vector<16xi32>
    %broadcast_in_dim3A_33 = arith.constant 20000 : i32
    %broadcast_in_dim3A_34 = vector.broadcast %broadcast_in_dim3A_33 : i32 to vector<16xi32>
    %parallel_loop3A_35 = arith.constant 0 : i32
    %parallel_loop3A_36 = arith.constant 625 : i32
    %parallel_loop3A_37 = arith.constant 1 : i32
    scf.for %parallel_loop3A_50 = %parallel_loop3A_35 to %parallel_loop3A_36 step %parallel_loop3A_37  : i32 {
      %parallel_loop3A_51 = arith.constant 16 : i32
      %parallel_loop3A_52 = arith.muli %parallel_loop3A_50, %parallel_loop3A_51 : i32
      %parallel_loop3A_53 = arith.addi %sub3A_21, %parallel_loop3A_52 : i32
      %parallel_loop3A_54 = arith.constant 0 : i32
      %parallel_loop3A_55 = arith.index_cast %parallel_loop3A_54 : i32 to index
      %parallel_loop3A_56 = arith.index_cast %parallel_loop3A_53 : i32 to index
      %parallel_loop3A_57 = tpu.vector_load %arg5[%parallel_loop3A_55, %parallel_loop3A_56] {strides = array<i32>} : memref<2x10112xi32, #tpu.memory_space<vmem>>, vector<16xi32>,
      %parallel_loop3A_58 = arith.constant 16 : i32
      %parallel_loop3A_59 = arith.muli %parallel_loop3A_50, %parallel_loop3A_58 : i32
      %parallel_loop3A_60 = arith.addi %sub3A_21, %parallel_loop3A_59 : i32
      %parallel_loop3A_61 = arith.constant 1 : i32
      %parallel_loop3A_62 = arith.index_cast %parallel_loop3A_61 : i32 to index
      %parallel_loop3A_63 = arith.index_cast %parallel_loop3A_60 : i32 to index
      %parallel_loop3A_64 = tpu.vector_load %arg5[%parallel_loop3A_62, %parallel_loop3A_63] {strides = array<i32>} : memref<2x10112xi32, #tpu.memory_space<vmem>>, vector<16xi32>,
      %parallel_loop3A_65 = tpu.vector_load_idx %arg6[%parallel_loop3A_57] : memref<30000xf32, #tpu.memory_space<vmem>>[vector<16xi32>], vector<16xf32>,
      tpu.vector_store_idx %arg7[%parallel_loop3A_64], %parallel_loop3A_65 {add = true} : memref<10000xf32, #tpu.memory_space<vmem>>[vector<16xi32>], vector<16xf32>,
      %parallel_loop3A_66 = arith.addi %parallel_loop3A_57, %broadcast_in_dim3A_32 : vector<16xi32>
      %parallel_loop3A_67 = tpu.vector_load_idx %arg6[%parallel_loop3A_66] : memref<30000xf32, #tpu.memory_space<vmem>>[vector<16xi32>], vector<16xf32>,
      tpu.vector_store_idx %arg8[%parallel_loop3A_64], %parallel_loop3A_67 {add = true} : memref<10000xf32, #tpu.memory_space<vmem>>[vector<16xi32>], vector<16xf32>,
      %parallel_loop3A_68 = arith.addi %parallel_loop3A_57, %broadcast_in_dim3A_34 : vector<16xi32>
      %parallel_loop3A_69 = tpu.vector_load_idx %arg6[%parallel_loop3A_68] : memref<30000xf32, #tpu.memory_space<vmem>>[vector<16xi32>], vector<16xf32>,
      tpu.vector_store_idx %arg9[%parallel_loop3A_64], %parallel_loop3A_69 {add = true} : memref<10000xf32, #tpu.memory_space<vmem>>[vector<16xi32>], vector<16xf32>,
    } {sc.loop_unroll_factor = 125 : i64, sc.parallel_access}
    %mul3A_38 = arith.constant 3 : i32
    %mul3A_39 = arith.muli %add3A, %mul3A_38 : i32
    %add3A_40 = arith.constant 0 : i32
    %add3A_41 = arith.addi %mul3A_39, %add3A_40 : i32
    "tpu.region"() ({
      %run_scoped3A = tpu.sem_alloc : memref<!tpu.dma_semaphore, #tpu.memory_space<semaphore_mem>>
      %dma_start3A_50 = arith.constant 0 : i32
      %dma_start3A_51 = tpu.memref_slice %arg4[%add3A_41, %dma_start3A_50] : memref<96x10000xf32, #tpu.memory_space<hbm>> -> memref<1x10000xf32, #tpu.memory_space<hbm>>
      %dma_start3A_52 = tpu.memref_squeeze %dma_start3A_51 : memref<1x10000xf32, #tpu.memory_space<hbm>> -> memref<10000xf32, #tpu.memory_space<hbm>>
      %dma_start3A_53 = arith.constant 0 : i32
      %dma_start3A_54 = tpu.memref_slice %arg4[%add3A_41, %dma_start3A_53] : memref<96x10000xf32, #tpu.memory_space<hbm>> -> memref<1x10000xf32, #tpu.memory_space<hbm>>
      %dma_start3A_55 = tpu.memref_squeeze %dma_start3A_54 : memref<1x10000xf32, #tpu.memory_space<hbm>> -> memref<10000xf32, #tpu.memory_space<hbm>>
      tpu.enqueue_dma source(%arg7 : memref<10000xf32, #tpu.memory_space<vmem>>) target(%dma_start3A_55 : memref<10000xf32, #tpu.memory_space<hbm>>) target_semaphore(%run_scoped3A : memref<!tpu.dma_semaphore, #tpu.memory_space<semaphore_mem>>)
      %dma_wait3A_56 = arith.constant 0 : i32
      %dma_wait3A_57 = tpu.memref_slice %arg4[%add3A_41, %dma_wait3A_56] : memref<96x10000xf32, #tpu.memory_space<hbm>> -> memref<1x10000xf32, #tpu.memory_space<hbm>>
      %dma_wait3A_58 = tpu.memref_squeeze %dma_wait3A_57 : memref<1x10000xf32, #tpu.memory_space<hbm>> -> memref<10000xf32, #tpu.memory_space<hbm>>
      %dma_wait3A_59 = arith.constant 0 : i32
      %dma_wait3A_60 = tpu.memref_slice %arg4[%add3A_41, %dma_wait3A_59] : memref<96x10000xf32, #tpu.memory_space<hbm>> -> memref<1x10000xf32, #tpu.memory_space<hbm>>
      %dma_wait3A_61 = tpu.memref_squeeze %dma_wait3A_60 : memref<1x10000xf32, #tpu.memory_space<hbm>> -> memref<10000xf32, #tpu.memory_space<hbm>>
      tpu.wait_dma2 semaphore(%run_scoped3A : memref<!tpu.dma_semaphore, #tpu.memory_space<semaphore_mem>>) src(%arg7 : memref<10000xf32, #tpu.memory_space<vmem>>) dst(%dma_wait3A_61 : memref<10000xf32, #tpu.memory_space<hbm>>)
      tpu.yield
    }) : () -> ()
    %mul3A_42 = arith.constant 3 : i32
    %mul3A_43 = arith.muli %add3A, %mul3A_42 : i32
    %add3A_44 = arith.constant 1 : i32
    %add3A_45 = arith.addi %mul3A_43, %add3A_44 : i32
    "tpu.region"() ({
      %run_scoped3A = tpu.sem_alloc : memref<!tpu.dma_semaphore, #tpu.memory_space<semaphore_mem>>
      %dma_start3A_50 = arith.constant 0 : i32
      %dma_start3A_51 = tpu.memref_slice %arg4[%add3A_45, %dma_start3A_50] : memref<96x10000xf32, #tpu.memory_space<hbm>> -> memref<1x10000xf32, #tpu.memory_space<hbm>>
      %dma_start3A_52 = tpu.memref_squeeze %dma_start3A_51 : memref<1x10000xf32, #tpu.memory_space<hbm>> -> memref<10000xf32, #tpu.memory_space<hbm>>
      %dma_start3A_53 = arith.constant 0 : i32
      %dma_start3A_54 = tpu.memref_slice %arg4[%add3A_45, %dma_start3A_53] : memref<96x10000xf32, #tpu.memory_space<hbm>> -> memref<1x10000xf32, #tpu.memory_space<hbm>>
      %dma_start3A_55 = tpu.memref_squeeze %dma_start3A_54 : memref<1x10000xf32, #tpu.memory_space<hbm>> -> memref<10000xf32, #tpu.memory_space<hbm>>
      tpu.enqueue_dma source(%arg8 : memref<10000xf32, #tpu.memory_space<vmem>>) target(%dma_start3A_55 : memref<10000xf32, #tpu.memory_space<hbm>>) target_semaphore(%run_scoped3A : memref<!tpu.dma_semaphore, #tpu.memory_space<semaphore_mem>>)
      %dma_wait3A_56 = arith.constant 0 : i32
      %dma_wait3A_57 = tpu.memref_slice %arg4[%add3A_45, %dma_wait3A_56] : memref<96x10000xf32, #tpu.memory_space<hbm>> -> memref<1x10000xf32, #tpu.memory_space<hbm>>
      %dma_wait3A_58 = tpu.memref_squeeze %dma_wait3A_57 : memref<1x10000xf32, #tpu.memory_space<hbm>> -> memref<10000xf32, #tpu.memory_space<hbm>>
      %dma_wait3A_59 = arith.constant 0 : i32
      %dma_wait3A_60 = tpu.memref_slice %arg4[%add3A_45, %dma_wait3A_59] : memref<96x10000xf32, #tpu.memory_space<hbm>> -> memref<1x10000xf32, #tpu.memory_space<hbm>>
      %dma_wait3A_61 = tpu.memref_squeeze %dma_wait3A_60 : memref<1x10000xf32, #tpu.memory_space<hbm>> -> memref<10000xf32, #tpu.memory_space<hbm>>
      tpu.wait_dma2 semaphore(%run_scoped3A : memref<!tpu.dma_semaphore, #tpu.memory_space<semaphore_mem>>) src(%arg8 : memref<10000xf32, #tpu.memory_space<vmem>>) dst(%dma_wait3A_61 : memref<10000xf32, #tpu.memory_space<hbm>>)
      tpu.yield
    }) : () -> ()
    %mul3A_46 = arith.constant 3 : i32
    %mul3A_47 = arith.muli %add3A, %mul3A_46 : i32
    %add3A_48 = arith.constant 2 : i32
    %add3A_49 = arith.addi %mul3A_47, %add3A_48 : i32
    "tpu.region"() ({
      %run_scoped3A = tpu.sem_alloc : memref<!tpu.dma_semaphore, #tpu.memory_space<semaphore_mem>>
      %dma_start3A_50 = arith.constant 0 : i32
      %dma_start3A_51 = tpu.memref_slice %arg4[%add3A_49, %dma_start3A_50] : memref<96x10000xf32, #tpu.memory_space<hbm>> -> memref<1x10000xf32, #tpu.memory_space<hbm>>
      %dma_start3A_52 = tpu.memref_squeeze %dma_start3A_51 : memref<1x10000xf32, #tpu.memory_space<hbm>> -> memref<10000xf32, #tpu.memory_space<hbm>>
      %dma_start3A_53 = arith.constant 0 : i32
      %dma_start3A_54 = tpu.memref_slice %arg4[%add3A_49, %dma_start3A_53] : memref<96x10000xf32, #tpu.memory_space<hbm>> -> memref<1x10000xf32, #tpu.memory_space<hbm>>
      %dma_start3A_55 = tpu.memref_squeeze %dma_start3A_54 : memref<1x10000xf32, #tpu.memory_space<hbm>> -> memref<10000xf32, #tpu.memory_space<hbm>>
      tpu.enqueue_dma source(%arg9 : memref<10000xf32, #tpu.memory_space<vmem>>) target(%dma_start3A_55 : memref<10000xf32, #tpu.memory_space<hbm>>) target_semaphore(%run_scoped3A : memref<!tpu.dma_semaphore, #tpu.memory_space<semaphore_mem>>)
      %dma_wait3A_56 = arith.constant 0 : i32
      %dma_wait3A_57 = tpu.memref_slice %arg4[%add3A_49, %dma_wait3A_56] : memref<96x10000xf32, #tpu.memory_space<hbm>> -> memref<1x10000xf32, #tpu.memory_space<hbm>>
      %dma_wait3A_58 = tpu.memref_squeeze %dma_wait3A_57 : memref<1x10000xf32, #tpu.memory_space<hbm>> -> memref<10000xf32, #tpu.memory_space<hbm>>
      %dma_wait3A_59 = arith.constant 0 : i32
      %dma_wait3A_60 = tpu.memref_slice %arg4[%add3A_49, %dma_wait3A_59] : memref<96x10000xf32, #tpu.memory_space<hbm>> -> memref<1x10000xf32, #tpu.memory_space<hbm>>
      %dma_wait3A_61 = tpu.memref_squeeze %dma_wait3A_60 : memref<1x10000xf32, #tpu.memory_space<hbm>> -> memref<10000xf32, #tpu.memory_space<hbm>>
      tpu.wait_dma2 semaphore(%run_scoped3A : memref<!tpu.dma_semaphore, #tpu.memory_space<semaphore_mem>>) src(%arg9 : memref<10000xf32, #tpu.memory_space<vmem>>) dst(%dma_wait3A_61 : memref<10000xf32, #tpu.memory_space<hbm>>)
      tpu.yield
    }) : () -> ()
    return
  }
}

module attributes {stable_mosaic.version = 14 : i64} {
  func.func @_xw_tc_body(%arg0: memref<10000x128xf32, #tpu.memory_space<vmem>>, %arg1: memref<128x8xf32, #tpu.memory_space<vmem>>, %arg2: memref<3x10000xf32, #tpu.memory_space<vmem>>) attributes {dimension_semantics = [], scalar_prefetch = 0 : i64, scratch_operands = 0 : i64, tpu.core_type = #tpu.core_type<tc>} {
    %get3A = arith.constant 0 : index
    %get3A_0 = arith.constant 0 : index
    %get3A_1 = vector.load %arg0[%get3A, %get3A_0] : memref<10000x128xf32, #tpu.memory_space<vmem>>, vector<10000x128xf32>
    %get3A_2 = arith.constant 0 : index
    %get3A_3 = arith.constant 0 : index
    %get3A_4 = vector.load %arg1[%get3A_2, %get3A_3] : memref<128x8xf32, #tpu.memory_space<vmem>>, vector<128x8xf32>
    %dot_general3A = arith.constant dense<0.000000e+00> : vector<10000x8xf32>
    %dot_general3A_5 = tpu.matmul %get3A_1, %get3A_4, %dot_general3A {dimension_numbers = #tpu.dot_dimension_numbers<[1], [0], [0], [1], [0, 0, 1, 1], [], []>, transpose_lhs_hint = false} : vector<10000x128xf32>, vector<128x8xf32>, vector<10000x8xf32> -> vector<10000x8xf32>
    %transpose3A = tpu.transpose %dot_general3A_5, [1, 0] : vector<10000x8xf32> -> vector<8x10000xf32>
    %slice3A = vector.extract_strided_slice %transpose3A {offsets = [0, 0], sizes = [3, 10000], strides = [1, 1]} : vector<8x10000xf32> to vector<3x10000xf32>
    %swap3A = arith.constant 0 : index
    %swap3A_6 = arith.constant 0 : index
    %swap3A_7 = vector.load %arg2[%swap3A, %swap3A_6] : memref<3x10000xf32, #tpu.memory_space<vmem>>, vector<3x10000xf32>
    tpu.vector_store %arg2[%swap3A, %swap3A_6], %slice3A {strides = array<i32>} : memref<3x10000xf32, #tpu.memory_space<vmem>>, vector<3x10000xf32>,
    return
  }
}

module attributes {stable_mosaic.version = 14 : i64} {
  func.func @_mid_tc_body(%arg0: memref<32x10000xf32, #tpu.memory_space<vmem>>, %arg1: memref<3x10000xf32, #tpu.memory_space<vmem>>, %arg2: memref<3x10000xf32, #tpu.memory_space<vmem>>, %arg3: memref<30000xf32, #tpu.memory_space<vmem>>, %arg4: memref<1x10000xf32, #tpu.memory_space<vmem>>) attributes {dimension_semantics = [], scalar_prefetch = 0 : i64, scratch_operands = 0 : i64, tpu.core_type = #tpu.core_type<tc>} {
    %get3A = arith.constant 0 : index
    %get3A_0 = arith.constant 0 : index
    %get3A_1 = vector.load %arg0[%get3A, %get3A_0] : memref<32x10000xf32, #tpu.memory_space<vmem>>, vector<32x10000xf32>
    %reduce_sum3A = arith.constant dense<0.000000e+00> : vector<10000xf32>
    %reduce_sum3A_2 = vector.multi_reduction <add>, %get3A_1, %reduce_sum3A [0] : vector<32x10000xf32> to vector<10000xf32>
    %add3A = arith.constant 1.000000e+00 : f32
    %add3A_3 = vector.broadcast %add3A : f32 to vector<10000xf32>
    %add3A_4 = arith.addf %reduce_sum3A_2, %add3A_3 : vector<10000xf32>
    %rsqrt3A = math.rsqrt %add3A_4 : vector<10000xf32>
    %get3A_5 = arith.constant 0 : index
    %get3A_6 = arith.constant 0 : index
    %get3A_7 = vector.load %arg1[%get3A_5, %get3A_6] : memref<3x10000xf32, #tpu.memory_space<vmem>>, vector<3x10000xf32>
    %broadcast_in_dim3A = vector.shape_cast %rsqrt3A : vector<10000xf32> to vector<1x10000xf32>
    %mul3A = vector.broadcast %broadcast_in_dim3A : vector<1x10000xf32> to vector<3x10000xf32>
    %mul3A_8 = arith.mulf %get3A_7, %mul3A : vector<3x10000xf32>
    %swap3A = arith.constant 0 : index
    %swap3A_9 = arith.constant 0 : index
    %swap3A_10 = vector.load %arg2[%swap3A, %swap3A_9] : memref<3x10000xf32, #tpu.memory_space<vmem>>, vector<3x10000xf32>
    tpu.vector_store %arg2[%swap3A, %swap3A_9], %mul3A_8 {strides = array<i32>} : memref<3x10000xf32, #tpu.memory_space<vmem>>, vector<3x10000xf32>,
    %slice3A = vector.extract_strided_slice %mul3A_8 {offsets = [0, 0], sizes = [1, 10000], strides = [1, 1]} : vector<3x10000xf32> to vector<1x10000xf32>
    %squeeze3A = vector.shape_cast %slice3A : vector<1x10000xf32> to vector<10000xf32>
    %swap3A_11 = arith.constant 0 : index
    %swap3A_12 = vector.load %arg3[%swap3A_11] : memref<30000xf32, #tpu.memory_space<vmem>>, vector<10000xf32>
    tpu.vector_store %arg3[%swap3A_11], %squeeze3A {strides = array<i32>} : memref<30000xf32, #tpu.memory_space<vmem>>, vector<10000xf32>,
    %slice3A_13 = vector.extract_strided_slice %mul3A_8 {offsets = [1, 0], sizes = [1, 10000], strides = [1, 1]} : vector<3x10000xf32> to vector<1x10000xf32>
    %squeeze3A_14 = vector.shape_cast %slice3A_13 : vector<1x10000xf32> to vector<10000xf32>
    %swap3A_15 = arith.constant 10000 : index
    %swap3A_16 = vector.load %arg3[%swap3A_15] : memref<30000xf32, #tpu.memory_space<vmem>>, vector<10000xf32>
    tpu.vector_store %arg3[%swap3A_15], %squeeze3A_14 {strides = array<i32>} : memref<30000xf32, #tpu.memory_space<vmem>>, vector<10000xf32>,
    %slice3A_17 = vector.extract_strided_slice %mul3A_8 {offsets = [2, 0], sizes = [1, 10000], strides = [1, 1]} : vector<3x10000xf32> to vector<1x10000xf32>
    %squeeze3A_18 = vector.shape_cast %slice3A_17 : vector<1x10000xf32> to vector<10000xf32>
    %swap3A_19 = arith.constant 20000 : index
    %swap3A_20 = vector.load %arg3[%swap3A_19] : memref<30000xf32, #tpu.memory_space<vmem>>, vector<10000xf32>
    tpu.vector_store %arg3[%swap3A_19], %squeeze3A_18 {strides = array<i32>} : memref<30000xf32, #tpu.memory_space<vmem>>, vector<10000xf32>,
    %broadcast_in_dim3A_21 = vector.shape_cast %rsqrt3A : vector<10000xf32> to vector<1x10000xf32>
    %swap3A_22 = arith.constant 0 : index
    %swap3A_23 = arith.constant 0 : index
    %swap3A_24 = vector.load %arg4[%swap3A_22, %swap3A_23] : memref<1x10000xf32, #tpu.memory_space<vmem>>, vector<1x10000xf32>
    tpu.vector_store %arg4[%swap3A_22, %swap3A_23], %broadcast_in_dim3A_21 {strides = array<i32>} : memref<1x10000xf32, #tpu.memory_space<vmem>>, vector<1x10000xf32>,
    return
  }
}

module attributes {stable_mosaic.version = 14 : i64} {
  func.func @_fin_tc_body(%arg0: memref<96x10000xf32, #tpu.memory_space<vmem>>, %arg1: memref<3x96xf32, #tpu.memory_space<vmem>>, %arg2: memref<3x10000xf32, #tpu.memory_space<vmem>>, %arg3: memref<1x10000xf32, #tpu.memory_space<vmem>>, %arg4: memref<3x1xf32, #tpu.memory_space<vmem>>, %arg5: memref<7x3xf32, #tpu.memory_space<vmem>>, %arg6: memref<7x1xf32, #tpu.memory_space<vmem>>, %arg7: memref<3x10000xf32, #tpu.memory_space<vmem>>, %arg8: memref<7x10000xf32, #tpu.memory_space<vmem>>) attributes {dimension_semantics = [], scalar_prefetch = 0 : i64, scratch_operands = 0 : i64, tpu.core_type = #tpu.core_type<tc>} {
    %get3A = arith.constant 0 : index
    %get3A_0 = arith.constant 0 : index
    %get3A_1 = vector.load %arg1[%get3A, %get3A_0] : memref<3x96xf32, #tpu.memory_space<vmem>>, vector<3x96xf32>
    %get3A_2 = arith.constant 0 : index
    %get3A_3 = arith.constant 0 : index
    %get3A_4 = vector.load %arg0[%get3A_2, %get3A_3] : memref<96x10000xf32, #tpu.memory_space<vmem>>, vector<96x10000xf32>
    %dot_general3A = arith.constant dense<0.000000e+00> : vector<3x10000xf32>
    %dot_general3A_5 = tpu.matmul %get3A_1, %get3A_4, %dot_general3A {dimension_numbers = #tpu.dot_dimension_numbers<[1], [0], [0], [1], [0, 0, 1, 1], [], []>, transpose_lhs_hint = false} : vector<3x96xf32>, vector<96x10000xf32>, vector<3x10000xf32> -> vector<3x10000xf32>
    %get3A_6 = arith.constant 0 : index
    %get3A_7 = arith.constant 0 : index
    %get3A_8 = vector.load %arg2[%get3A_6, %get3A_7] : memref<3x10000xf32, #tpu.memory_space<vmem>>, vector<3x10000xf32>
    %add3A = arith.addf %dot_general3A_5, %get3A_8 : vector<3x10000xf32>
    %get3A_9 = arith.constant 0 : index
    %get3A_10 = arith.constant 0 : index
    %get3A_11 = vector.load %arg3[%get3A_9, %get3A_10] : memref<1x10000xf32, #tpu.memory_space<vmem>>, vector<1x10000xf32>
    %mul3A = vector.broadcast %get3A_11 : vector<1x10000xf32> to vector<3x10000xf32>
    %mul3A_12 = arith.mulf %add3A, %mul3A : vector<3x10000xf32>
    %get3A_13 = arith.constant 0 : index
    %get3A_14 = arith.constant 0 : index
    %get3A_15 = vector.load %arg4[%get3A_13, %get3A_14] : memref<3x1xf32, #tpu.memory_space<vmem>>, vector<3x1xf32>
    %add3A_16 = vector.broadcast %get3A_15 : vector<3x1xf32> to vector<3x10000xf32>
    %add3A_17 = arith.addf %mul3A_12, %add3A_16 : vector<3x10000xf32>
    %max3A = arith.constant 0.000000e+00 : f32
    %max3A_18 = vector.broadcast %max3A : f32 to vector<3x10000xf32>
    %max3A_19 = arith.maximumf %add3A_17, %max3A_18 : vector<3x10000xf32>
    %swap3A = arith.constant 0 : index
    %swap3A_20 = arith.constant 0 : index
    %swap3A_21 = vector.load %arg7[%swap3A, %swap3A_20] : memref<3x10000xf32, #tpu.memory_space<vmem>>, vector<3x10000xf32>
    tpu.vector_store %arg7[%swap3A, %swap3A_20], %max3A_19 {strides = array<i32>} : memref<3x10000xf32, #tpu.memory_space<vmem>>, vector<3x10000xf32>,
    %get3A_22 = arith.constant 0 : index
    %get3A_23 = arith.constant 0 : index
    %get3A_24 = vector.load %arg5[%get3A_22, %get3A_23] : memref<7x3xf32, #tpu.memory_space<vmem>>, vector<7x3xf32>
    %dot_general3A_25 = arith.constant dense<0.000000e+00> : vector<7x10000xf32>
    %dot_general3A_26 = tpu.matmul %get3A_24, %max3A_19, %dot_general3A_25 {dimension_numbers = #tpu.dot_dimension_numbers<[1], [0], [0], [1], [0, 0, 1, 1], [], []>, transpose_lhs_hint = false} : vector<7x3xf32>, vector<3x10000xf32>, vector<7x10000xf32> -> vector<7x10000xf32>
    %get3A_27 = arith.constant 0 : index
    %get3A_28 = arith.constant 0 : index
    %get3A_29 = vector.load %arg6[%get3A_27, %get3A_28] : memref<7x1xf32, #tpu.memory_space<vmem>>, vector<7x1xf32>
    %add3A_30 = vector.broadcast %get3A_29 : vector<7x1xf32> to vector<7x10000xf32>
    %add3A_31 = arith.addf %dot_general3A_26, %add3A_30 : vector<7x10000xf32>
    %swap3A_32 = arith.constant 0 : index
    %swap3A_33 = arith.constant 0 : index
    %swap3A_34 = vector.load %arg8[%swap3A_32, %swap3A_33] : memref<7x10000xf32, #tpu.memory_space<vmem>>, vector<7x10000xf32>
    tpu.vector_store %arg8[%swap3A_32, %swap3A_33], %add3A_31 {strides = array<i32>} : memref<7x10000xf32, #tpu.memory_space<vmem>>, vector<7x10000xf32>,
    return
  }
}

</mosaic_0001>

<sc_bundles>
// kernel: kernel.10.cloned.1.call-start
scs
__scs_entry_jumppad:
0x0: {  	(pc) =	sbr.rel $0x88, $3  }
0x1: {  	(tag) =	ssettag $0x0;
	lr =	simm.s32 $0x1  }
0x2: {  	[smem:$0x3F9B] =	sst lr;
	_ =	strace $0xD0000000  }
0x3: {  	_ = 	snop  }
0x4: {  	_ = 	snop  }
0x5: {  	_ = 	snop  }
0x6: {  	_ = 	snop  }
0x7: {  	_ = 	snop  }
__scs_overlays_trampoline_lowered:
0x8: {  	[smem:$0x3FAA] =	sst s0  }
0x9: {  	[smem:$0x3FAB] =	sst s1  }
0xa: {  	[smem:$0x3FAC] =	sst s2  }
0xb: {  	[smem:$0x3FAD] =	sst s3  }
0xc: {  	[smem:$0x3FAE] =	sst s4  }
0xd: {  	[smem:$0x3FAF] =	sst s5  }
0xe: {  	[smem:$0x3FB0] =	sst s6  }
0xf: {  	[smem:$0x3FB1] =	sst s7  }
0x10: {  	[smem:$0x3FB2] =	sst s8  }
0x11: {  	[smem:$0x3FB3] =	sst s9;
	s0 =	simm.s32 @!p0 $0x0  }
0x12: {  	s1 =	sld [smem:$0x3F99];
	s0 =	simm.s32 @p0 $0x1  }
0x13: {  	[smem:$0x3FB4] =	sst s0;
	s0 =	simm.s32 @!p1 $0x0  }
0x14: {  	s2 =	sld [smem:$0x3F98];
	s0 =	simm.s32 @p1 $0x1  }
0x15: {  	[smem:$0x3FB5] =	sst s0;
	s0 =	simm.s32 @!p2 $0x0  }
0x16: {  	s3 =	sld [smem:$0x3FDB];
	s0 =	simm.s32 @p2 $0x1  }
0x17: {  	s4 =	simm.s32 $0x1BF5;
	[smem:$0x3FB7] =	sst s0  }
0x18: {  	s0 =	sld [smem:$0x3F9A];
	_ =	swait.ge [sflag:s4], $0x0  }
0x19: {  	s7 =	sld [smem:$0x3F9B]  }
0x1a: {  	s8 =	sadd.s32 $0xFFFFE003, lr  }
0x1b: {  	s9 =	sadd.s32 $0xFFFFFEF7, lr;
	s5 =	simm.s32 $0xFFFFFFFF;
	p2 =	slt.u32 s8, $0xFFFFF086  }
0x1c: {  	p1 =	slt.u32 s9, $0xF7A;
	s5 =	simm.s32 @!p2 $0x0  }
0x1d: {  	s5 =	simm.s32 @p1 $0x1;
	p0 =	seq.s32 s7, s2  }
0x1e: {  	s7 =	smul.u32 @!p0 $0xF7A, s2;
	p2 =	seq.s32 @!p0 s5, $0x0  }
0x1f: {  	s9 =	smul.u32 $0xF7A, s1;
	s8 =	simm.s32 @!p0 $0x1BF5;
	p2 =	por !p2, p0  }
0x20: {  	[sflag:s8] =	ssyncset.s32 @!p0 $0xFFFFF086;
	s6 =	sadd.s32 @!p0 s3, s7;
	s7 =	simm.s32 @!p0 $0x108  }
0x21: {  	s3 =	sadd.s32 s3, s9;
	s6 =	sadd.s32 @!p0 $0x88, s6;
	s7 =	simm.s32 @p2 $0x1082  }
0x22: {  	[simem:s7], [sflag:s8] =	dma.local @!p0 [hbm:s6], $0xF7A  }
0x23: {  	s9 =	sor.u32 $0xD0000000, s2;
	s6 =	simm.s32 $0x108;
	_ =	swait.ge @!p0 [sflag:s8], $0x0  }
0x24: {  	s3 =	sadd.s32 $0x88, s3;
	s6 =	simm.s32 @!p1 $0x1082;
	[sflag:s4] =	ssyncset.s32 $0xFFFFF086  }
0x25: {  	[simem:s6], [sflag:s4] =	dma.local [hbm:s3], $0xF7A  }
0x26: {  	[smem:$0x3F9B] =	sst s1;
	(tag) =	ssettag s2;
	_ =	strace s9  }
0x27: {  	s1 =	sld [smem:$0x3FAB]  }
0x28: {  	s2 =	sld [smem:$0x3FAC]  }
0x29: {  	s4 =	sld [smem:$0x3FAE]  }
0x2a: {  	p0 =	seq.s32 s5, $0x0;
	s5 =	sld [smem:$0x3FAF]  }
0x2b: {  	s6 =	sld [smem:$0x3FB0]  }
0x2c: {  	s7 =	sld [smem:$0x3FB1]  }
0x2d: {  	s3 =	simm.s32 $0x108;
	s8 =	sld [smem:$0x3FB2]  }
0x2e: {  	s3 =	simm.s32 @!p0 $0x1082;
	s9 =	sld [smem:$0x3FB3]  }
0x2f: {  	lr =	sadd.s32 s0, s3;
	s0 =	sld [smem:$0x3FAA]  }
0x30: {  	s3 =	sld [smem:$0x3FAD]  }
0x31: {  	[smem:$0x3FB6] =	sst s10  }
0x32: {  	s10 =	sld [smem:$0x3FB4];
	_ =	sdelay $0x3  }
0x33: {  	p0 =	seq.s32 s10, $0x1;
	s10 =	sld [smem:$0x3FB6];
	_ =	sdelay $0x3  }
0x34: {  	[smem:$0x3FB6] =	sst s10  }
0x35: {  	s10 =	sld [smem:$0x3FB5];
	_ =	sdelay $0x3  }
0x36: {  	p1 =	seq.s32 s10, $0x1;
	s10 =	sld [smem:$0x3FB6];
	_ =	sdelay $0x3  }
0x37: {  	[smem:$0x3FB6] =	sst s10  }
0x38: {  	s10 =	sld [smem:$0x3FB7]  }
0x39: {  	_ = 	snop;
	(pc) =	sbr.ind lr, $3  }
0x3a: {  	_ = 	snop  }
0x3b: {  	_ = 	snop  }
0x3c: {  	p2 =	seq.s32 s10, $0x1;
	s10 =	sld [smem:$0x3FB6]  }
0x3d: {  	_ =	shalt  }
0x3e: {  	_ =	shalt  }
0x3f: {  	_ =	shalt  }
0x40: {  	_ =	shalt  }
0x41: {  	_ =	shalt  }
0x42: {  	_ =	shalt  }
0x43: {  	_ =	shalt  }
0x44: {  	_ =	shalt  }
0x45: {  	_ =	shalt  }
0x46: {  	_ =	shalt  }
0x47: {  	_ =	shalt  }
0x48: {  	_ =	shalt  }
0x49: {  	_ =	shalt  }
0x4a: {  	_ =	shalt  }
0x4b: {  	_ =	shalt  }
0x4c: {  	_ =	shalt  }
0x4d: {  	_ =	shalt  }
0x4e: {  	_ =	shalt  }
0x4f: {  	_ =	shalt  }
0x50: {  	_ =	shalt  }
0x51: {  	_ =	shalt  }
0x52: {  	_ =	shalt  }
0x53: {  	_ =	shalt  }
0x54: {  	_ =	shalt  }
0x55: {  	_ =	shalt  }
0x56: {  	_ =	shalt  }
0x57: {  	_ =	shalt  }
0x58: {  	_ =	shalt  }
0x59: {  	_ =	shalt  }
0x5a: {  	_ =	shalt  }
0x5b: {  	_ =	shalt  }
0x5c: {  	_ =	shalt  }
0x5d: {  	_ =	shalt  }
0x5e: {  	_ =	shalt  }
0x5f: {  	_ =	shalt  }
0x60: {  	_ =	shalt  }
0x61: {  	_ =	shalt  }
0x62: {  	_ =	shalt  }
0x63: {  	_ =	shalt  }
0x64: {  	_ =	shalt  }
0x65: {  	_ =	shalt  }
0x66: {  	_ =	shalt  }
0x67: {  	_ =	shalt  }
0x68: {  	_ =	shalt  }
0x69: {  	_ =	shalt  }
0x6a: {  	_ =	shalt  }
0x6b: {  	_ =	shalt  }
0x6c: {  	_ =	shalt  }
0x6d: {  	_ =	shalt  }
0x6e: {  	_ =	shalt  }
0x6f: {  	_ =	shalt  }
0x70: {  	_ =	shalt  }
0x71: {  	_ =	shalt  }
0x72: {  	_ =	shalt  }
0x73: {  	_ =	shalt  }
0x74: {  	_ =	shalt  }
0x75: {  	_ =	shalt  }
0x76: {  	_ =	shalt  }
0x77: {  	_ =	shalt  }
0x78: {  	_ =	shalt  }
0x79: {  	_ =	shalt  }
0x7a: {  	_ =	shalt  }
0x7b: {  	_ =	shalt  }
0x7c: {  	_ =	shalt  }
0x7d: {  	_ =	shalt  }
0x7e: {  	_ =	shalt  }
0x7f: {  	_ =	shalt  }
0x80: {  	_ =	shalt  }
0x81: {  	_ =	shalt  }
0x82: {  	_ =	shalt  }
0x83: {  	_ =	shalt  }
0x84: {  	_ =	shalt  }
0x85: {  	_ =	shalt  }
0x86: {  	_ =	shalt  }
0x87: {  	_ =	shalt  }
.Lfunc_end0:
.L_simem_size_0:
called_computation.1_lowered:
.L_overlay_start_0:
0x88: {  	s2 =	sld [smem:$0x3FD9]  }
0x89: {  	s3 =	sld [smem:$0x3FFE];
	_ =	sdelay $0x1  }
0x8a: {  	s1 =	srdreg.scid  }
0x8b: {  	s0 =	sand.u32 $0x1, s1  }
0x8c: {  	s14 =	sshll.u32 s0, $0xA;
	s2 =	sadd.s32 s3, s2  }
0x8d: {  	s2 =	sadd.s32 s2, s14  }
0x8e: {  	[smem:$0x3FC2] =	sst s2  }
0x8f: {  	_ = 	snop  }
0x90: {  	s2 =	sld [smem:$0x3FD0];
	_ =	sdelay $0x2  }
0x91: {  	s4 =	simm.s32 $0xA;
	s5 =	simm.s32 $0x10;
	s15 =	sld [smem:$0x3FC8]  }
0x92: {  	[smem:s5], [sflag:s4] =	dma.local [hbm:s2], $0x1  }
0x93: {  	_ =	swait.eq [sflag:s4], $0x1  }
0x94: {  	[sflag:s4] =	ssyncset.done $0x0  }
0x95: {  	[sflag:s4] =	ssyncadd.s32 $0xFFFFFFFF  }
0x96: {  	s16 =	sld [smem:$0x10];
	(tm) =	ssettm $0x1  }
0x97: {  	s17 =	sld [smem:$0x3FFB];
	_ =	sdelay $0x3  }
0x98: {  	_ =	strace s17  }
0x99: {  	s4 =	sld [smem:$0x3FFC];
	_ =	sdelay $0x3  }
0x9a: {  	_ =	strace s4  }
0x9b: {  	s4 =	sld [smem:$0x3FFD];
	_ =	sdelay $0x3  }
0x9c: {  	_ =	strace s4  }
0x9d: {  	_ =	strace $0x8FFFFFFF  }
0x9e: {  	s18 =	sld [smem:$0x3FDB];
	_ =	sdelay $0x1  }
0x9f: {  	s19 =	simm.s32 $_scs_section_size  }
0xa0: {  	s6 =	simm.s32 $_size__tile_overlayer_lowered;
	s7 =	simm.s32 $_tile_overlayer_lowered  }
0xa1: {  	s22 =	simm.s32 $0x1BFF;
	s21 =	sshll.u32 s7, $0x1;
	s4 =	sadd.s32 s19, s18  }
0xa2: {  	s8 =	simm.s32 $0x0;
	s20 =	sshll.u32 s6, $0x1;
	s6 =	sadd.s32 s21, s4  }
0xa3: {  	[timem:s8], [sflag:s22] =	dma.local [hbm:s6], s20  }
0xa4: {  	_ =	swait.ge [sflag:s22], s20  }
0xa5: {  	s5 =	ssub.s32 $0x0, s20;
	[sflag:s22] =	ssyncset.done $0x0  }
0xa6: {  	[sflag:s22] =	ssyncadd.s32 s5;
	_ =	sdelay $0x1  }
0xa7: {  	s23 =	simm.s32 $0x1B8B  }
0xa8: {  	_ =	swait.ge [sflag:s23], $0x1  }
0xa9: {  	[sflag:s23] =	ssyncset.done $0x0  }
0xaa: {  	s25 =	simm.s32 $0x1B8E;
	s24 =	sld [smem:$0x3FFE];
	[sflag:s23] =	ssyncadd.s32 $0xFFFFFFFF  }
0xab: {  	s26 =	simm.s32 $execute0_lowered;
	[smem:$0x3FD2] =	sst s25  }
0xac: {  	s6 =	sshll.u32 s26, $0x1;
	_ =	strace $0x80000049;
	[dreg:$0x1] =	wrdreg $0xFFFFFFFF  }
0xad: {  	s28 =	simm.s32 $_size_execute0_lowered;
	s4 =	sadd.s32 s4, s6;
	[dreg:$0x0] =	wrdreg $0x0  }
0xae: {  	s6 =	sshll.u32 s28, $0x1;
	[dreg:$0x2] =	wrdreg s4  }
0xaf: {  	[dreg:$0x3] =	wrdreg s6  }
0xb0: {  	[dreg:$0x4] =	wrdreg $0xC0  }
0xb1: {  	_ =	task [dreg:s8], $0x5FFFF  }
0xb2: {  	[dreg:$0x1] =	wrdreg $0xFFFFFFFF  }
0xb3: {  	[dreg:$0x0] =	wrdreg $0x60  }
0xb4: {  	[dreg:$0x2] =	wrdreg s15  }
0xb5: {  	[dreg:$0x3] =	wrdreg s16  }
0xb6: {  	[dreg:$0x4] =	wrdreg s24  }
0xb7: {  	[dreg:$0x5] =	wrdreg $0x9  }
0xb8: {  	_ =	task.clear_ibuf [dreg:s8], $0x6FFFF;
	_ =	strace $0x90000049  }
0xb9: {  	s29 =	simm.s32 $0x9;
	_ =	strace $0x8000004B  }
0xba: {  	_ =	swait.ge [sflag:s29], $0x1  }
0xbb: {  	[sflag:s29] =	ssyncadd.s32 $0xFFFFFFFF  }
0xbc: {  	_ =	strace $0x9000004B  }
0xbd: {  	_ =	sfence  }
0xbe: {  	s30 =	sld [smem:$0x0];
	_ =	sdelay $0x2  }
0xbf: {  	s31 =	sshll.u32 s1, $0xD;
	s1 =	sshrl.u32 s1, $0x2  }
0xc0: {  	s3 =	sand.u32 $0x4000, s31;
	s1 =	sadd.s32 s1, s30  }
0xc1: {  	s0 =	sor.u32 s3, s0;
	s1 =	sshll.u32 s1, $0x11  }
0xc2: {  	s0 =	sor.u32 s1, s0  }
0xc3: {  	s0 =	sadd.s32 $0x8F2B, s0  }
0xc4: {  	[sflag:s0] =	ssyncadd.remote.s32 $0x1  }
0xc5: {  	_ =	sfence.sel $0xFFFF  }
0xc6: {  	[dreg:$0x0] =	wrdreg $0xFFFFFFFF;
	(pc) =	sbr.abs _section_cstart, $3  }
0xc7: {  	[dreg:$0x1] =	wrdreg $0xFFFFFFFF  }
0xc8: {  	_ =	task.clear_ibuf [dreg:s8], $0x2FFFF;
	_ =	strace $0x9FFFFFFF  }
0xc9: {  	(tm) =	ssettm $0x7FFFFFFF  }
tec
execute0_lowered:
.L_overlay_start_1:
0x0: {  	(tag) =	ssettag $0x1  }
0x1: {  	s1 =	srdreg.scid;
	s0 =	stileid.u32  }
0x2: {  	s8 =	sand.u32 $0x1, s1;
	s21 =	sshll.u32 s0, $0x1  }
0x3: {  	s5 =	rddreg [dreg:$0x0];
	s6 =	sor.u32 s8, s21  }
0x4: {  	s2 =	rddreg [dreg:$0x1];
	s7 =	smul.u32 $0x2710, s6  }
0x5: {  	s9 =	rddreg [dreg:$0x2]  }
0x6: {  	s3 =	simm.s32 $0x0;
	s1 =	rddreg [dreg:$0x3];
	s4 =	sand.u32 $0x70, s7  }
0x7: {  	[smem:$0x7FF] =	sst s3;
	s10 =	sadd.s32 $0x10, s4  }
0x8: {  	_ =	strace $0x8000004A;
	s22 =	sadd.s32 $0x20, s4;
	[dreg:$0x4] =	wrdreg s10  }
0x9: {  	s23 =	sadd.s32 $0x30, s4;
	[dreg:$0x5] =	wrdreg s22  }
0xa: {  	s24 =	sadd.s32 $0x40, s4;
	[dreg:$0x6] =	wrdreg s23  }
0xb: {  	s25 =	sadd.s32 $0x50, s4;
	[dreg:$0x7] =	wrdreg s24  }
0xc: {  	s26 =	sadd.s32 $0x60, s4;
	[dreg:$0x8] =	wrdreg s25  }
0xd: {  	s28 =	sadd.s32 $0x70, s4;
	[dreg:$0x9] =	wrdreg s26  }
0xe: {  	s29 =	sor.u32 $0x80, s4;
	[dreg:$0xa] =	wrdreg s28  }
0xf: {  	s30 =	sadd.s32 $0x90, s4;
	[dreg:$0xb] =	wrdreg s29  }
0x10: {  	s31 =	sadd.s32 $0xA0, s4;
	[dreg:$0xc] =	wrdreg s30  }
0x11: {  	s11 =	sadd.s32 $0xB0, s4;
	[dreg:$0xd] =	wrdreg s31  }
0x12: {  	s12 =	sadd.s32 $0xC0, s4;
	[dreg:$0xe] =	wrdreg s11  }
0x13: {  	s13 =	sadd.s32 $0xD0, s4;
	[dreg:$0xf] =	wrdreg s12  }
0x14: {  	s14 =	sadd.s32 $0xE0, s4;
	[dreg:$0x10] =	wrdreg s13  }
0x15: {  	s15 =	sadd.s32 $0xF0, s4;
	[dreg:$0x11] =	wrdreg s14  }
0x16: {  	s16 =	sor.u32 $0x100, s4;
	[dreg:$0x12] =	wrdreg s15  }
0x17: {  	s17 =	sadd.s32 $0x110, s4;
	[dreg:$0x13] =	wrdreg s16  }
0x18: {  	s18 =	sadd.s32 $0x120, s4;
	[dreg:$0x14] =	wrdreg s17  }
0x19: {  	s19 =	sadd.s32 $0x130, s4;
	[dreg:$0x15] =	wrdreg s18  }
0x1a: {  	s20 =	sadd.s32 $0x140, s4;
	[dreg:$0x16] =	wrdreg s19  }
0x1b: {  	s21 =	sadd.s32 $0x150, s4;
	[dreg:$0x17] =	wrdreg s20  }
0x1c: {  	[dreg:$0x18] =	wrdreg s21;
	s22 =	sadd.s32 $0x160, s4  }
0x1d: {  	s23 =	sadd.s32 $0x170, s4;
	[dreg:$0x19] =	wrdreg s22  }
0x1e: {  	s24 =	sor.u32 $0x180, s4;
	[dreg:$0x1a] =	wrdreg s23  }
0x1f: {  	s25 =	sadd.s32 $0x190, s4;
	[dreg:$0x1b] =	wrdreg s24  }
0x20: {  	s26 =	sadd.s32 $0x1A0, s4;
	[dreg:$0x1c] =	wrdreg s25  }
0x21: {  	s28 =	sadd.s32 $0x1B0, s4;
	[dreg:$0x1d] =	wrdreg s26  }
0x22: {  	s29 =	sadd.s32 $0x1C0, s4;
	[dreg:$0x1e] =	wrdreg s28  }
0x23: {  	s30 =	sadd.s32 $0x1D0, s4;
	[dreg:$0x1f] =	wrdreg s29  }
0x24: {  	s31 =	sadd.s32 $0x1E0, s4;
	[smem:$0x79E] =	sst s30  }
0x25: {  	s11 =	sadd.s32 $0x1F0, s4;
	[smem:$0x79F] =	sst s31  }
0x26: {  	s12 =	sor.u32 $0x200, s4;
	[smem:$0x7A0] =	sst s11  }
0x27: {  	s13 =	sadd.s32 $0x210, s4;
	[smem:$0x7A1] =	sst s12  }
0x28: {  	s14 =	sadd.s32 $0x220, s4;
	[smem:$0x7A2] =	sst s13  }
0x29: {  	s15 =	sadd.s32 $0x230, s4;
	[smem:$0x7A3] =	sst s14  }
0x2a: {  	s16 =	sadd.s32 $0x240, s4;
	[smem:$0x7A4] =	sst s15  }
0x2b: {  	s17 =	sadd.s32 $0x250, s4;
	[smem:$0x7A5] =	sst s16  }
0x2c: {  	s18 =	sadd.s32 $0x260, s4;
	[smem:$0x7A6] =	sst s17  }
0x2d: {  	s19 =	sadd.s32 $0x270, s4;
	[smem:$0x7A7] =	sst s18  }
0x2e: {  	s20 =	sor.u32 $0x280, s4;
	[smem:$0x7A8] =	sst s19  }
0x2f: {  	s21 =	sadd.s32 $0x290, s4;
	[smem:$0x7A9] =	sst s20  }
0x30: {  	[smem:$0x7AA] =	sst s21;
	s22 =	sadd.s32 $0x2A0, s4  }
0x31: {  	s23 =	sadd.s32 $0x2B0, s4;
	[smem:$0x7AB] =	sst s22  }
0x32: {  	s24 =	sadd.s32 $0x2C0, s4;
	[smem:$0x7AC] =	sst s23  }
0x33: {  	s25 =	sadd.s32 $0x2D0, s4;
	[smem:$0x7AD] =	sst s24  }
0x34: {  	s26 =	sadd.s32 $0x2E0, s4;
	[smem:$0x7AE] =	sst s25  }
0x35: {  	s28 =	sadd.s32 $0x2F0, s4;
	[smem:$0x7AF] =	sst s26  }
0x36: {  	s29 =	sor.u32 $0x300, s4;
	[smem:$0x7B0] =	sst s28  }
0x37: {  	s30 =	sadd.s32 $0x310, s4;
	[smem:$0x7B1] =	sst s29  }
0x38: {  	s31 =	sadd.s32 $0x320, s4;
	[smem:$0x7B2] =	sst s30  }
0x39: {  	s11 =	sadd.s32 $0x330, s4;
	[smem:$0x7B3] =	sst s31  }
0x3a: {  	s12 =	sadd.s32 $0x340, s4;
	[smem:$0x7B4] =	sst s11  }
0x3b: {  	s13 =	sadd.s32 $0x350, s4;
	[smem:$0x7B5] =	sst s12  }
0x3c: {  	s14 =	sadd.s32 $0x360, s4;
	[smem:$0x7B6] =	sst s13  }
0x3d: {  	s15 =	sadd.s32 $0x370, s4;
	[smem:$0x7B7] =	sst s14  }
0x3e: {  	s16 =	sor.u32 $0x380, s4;
	[smem:$0x7B8] =	sst s15  }
0x3f: {  	s17 =	sadd.s32 $0x390, s4;
	[smem:$0x7B9] =	sst s16  }
0x40: {  	s18 =	sadd.s32 $0x3A0, s4;
	[smem:$0x7BA] =	sst s17  }
0x41: {  	s19 =	sadd.s32 $0x3B0, s4;
	[smem:$0x7BB] =	sst s18  }
0x42: {  	s20 =	sadd.s32 $0x3C0, s4;
	[smem:$0x7BC] =	sst s19  }
0x43: {  	s21 =	sadd.s32 $0x3D0, s4;
	[smem:$0x7BD] =	sst s20  }
0x44: {  	[smem:$0x7BE] =	sst s21;
	s22 =	sadd.s32 $0x3E0, s4  }
0x45: {  	s23 =	sadd.s32 $0x3F0, s4;
	[smem:$0x7BF] =	sst s22  }
0x46: {  	s24 =	sor.u32 $0x400, s4;
	[smem:$0x7C0] =	sst s23  }
0x47: {  	s25 =	sadd.s32 $0x410, s4;
	[smem:$0x7C1] =	sst s24  }
0x48: {  	s26 =	sadd.s32 $0x420, s4;
	[smem:$0x7C2] =	sst s25  }
0x49: {  	s28 =	sadd.s32 $0x430, s4;
	[smem:$0x7C3] =	sst s26  }
0x4a: {  	s29 =	sadd.s32 $0x440, s4;
	[smem:$0x7C4] =	sst s28  }
0x4b: {  	s30 =	sadd.s32 $0x450, s4;
	[smem:$0x7C5] =	sst s29  }
0x4c: {  	s31 =	sadd.s32 $0x460, s4;
	[smem:$0x7C6] =	sst s30  }
0x4d: {  	s11 =	sadd.s32 $0x470, s4;
	[smem:$0x7C7] =	sst s31  }
0x4e: {  	s12 =	sor.u32 $0x480, s4;
	[smem:$0x7C8] =	sst s11  }
0x4f: {  	s13 =	sadd.s32 $0x490, s4;
	[smem:$0x7C9] =	sst s12  }
0x50: {  	s14 =	sadd.s32 $0x4A0, s4;
	[smem:$0x7CA] =	sst s13  }
0x51: {  	s15 =	sadd.s32 $0x4B0, s4;
	[smem:$0x7CB] =	sst s14  }
0x52: {  	s16 =	sadd.s32 $0x4C0, s4;
	[smem:$0x7CC] =	sst s15  }
0x53: {  	s17 =	sadd.s32 $0x4D0, s4;
	[smem:$0x7CD] =	sst s16  }
0x54: {  	s18 =	sadd.s32 $0x4E0, s4;
	[smem:$0x7CE] =	sst s17  }
0x55: {  	s19 =	sadd.s32 $0x4F0, s4;
	[smem:$0x7CF] =	sst s18  }
0x56: {  	s20 =	sor.u32 $0x500, s4;
	[smem:$0x7D0] =	sst s19  }
0x57: {  	s21 =	sadd.s32 $0x510, s4;
	[smem:$0x7D1] =	sst s20  }
0x58: {  	[smem:$0x7D2] =	sst s21;
	s22 =	sadd.s32 $0x520, s4  }
0x59: {  	s23 =	sadd.s32 $0x530, s4;
	[smem:$0x7D3] =	sst s22  }
0x5a: {  	s24 =	sadd.s32 $0x540, s4;
	[smem:$0x7D4] =	sst s23  }
0x5b: {  	s25 =	sadd.s32 $0x550, s4;
	[smem:$0x7D5] =	sst s24  }
0x5c: {  	s26 =	sadd.s32 $0x560, s4;
	[smem:$0x7D6] =	sst s25  }
0x5d: {  	s28 =	sadd.s32 $0x570, s4;
	[smem:$0x7D7] =	sst s26  }
0x5e: {  	s29 =	sor.u32 $0x580, s4;
	[smem:$0x7D8] =	sst s28  }
0x5f: {  	s30 =	sadd.s32 $0x590, s4;
	[smem:$0x7D9] =	sst s29  }
0x60: {  	s31 =	sadd.s32 $0x5A0, s4;
	[smem:$0x7DA] =	sst s30  }
0x61: {  	s11 =	sadd.s32 $0x5B0, s4;
	[smem:$0x7DB] =	sst s31  }
0x62: {  	s12 =	sadd.s32 $0x5C0, s4;
	[smem:$0x7DC] =	sst s11  }
0x63: {  	s13 =	sadd.s32 $0x5D0, s4;
	[smem:$0x7DD] =	sst s12  }
0x64: {  	s14 =	sadd.s32 $0x5E0, s4;
	[smem:$0x7DE] =	sst s13  }
0x65: {  	s15 =	sadd.s32 $0x5F0, s4;
	[smem:$0x7DF] =	sst s14  }
0x66: {  	s16 =	sor.u32 $0x600, s4;
	[smem:$0x7E0] =	sst s15  }
0x67: {  	s17 =	sadd.s32 $0x610, s4;
	[smem:$0x7E1] =	sst s16  }
0x68: {  	s18 =	sadd.s32 $0x620, s4;
	[smem:$0x7E2] =	sst s17  }
0x69: {  	s19 =	sadd.s32 $0x630, s4;
	[smem:$0x7E3] =	sst s18  }
0x6a: {  	s20 =	sadd.s32 $0x640, s4;
	[smem:$0x7E4] =	sst s19  }
0x6b: {  	s21 =	sadd.s32 $0x650, s4;
	[smem:$0x7E5] =	sst s20  }
0x6c: {  	[smem:$0x7E6] =	sst s21;
	s22 =	sadd.s32 $0x660, s4  }
0x6d: {  	s23 =	sadd.s32 $0x670, s4;
	[smem:$0x7E7] =	sst s22  }
0x6e: {  	s24 =	sor.u32 $0x680, s4;
	[smem:$0x7E8] =	sst s23  }
0x6f: {  	s25 =	sadd.s32 $0x690, s4;
	[smem:$0x7E9] =	sst s24  }
0x70: {  	s26 =	sadd.s32 $0x6A0, s4;
	[smem:$0x7EA] =	sst s25  }
0x71: {  	s28 =	sadd.s32 $0x6B0, s4;
	[smem:$0x7EB] =	sst s26  }
0x72: {  	s29 =	sadd.s32 $0x6C0, s4;
	[smem:$0x7EC] =	sst s28  }
0x73: {  	s30 =	sadd.s32 $0x6D0, s4;
	[smem:$0x7ED] =	sst s29  }
0x74: {  	s31 =	sadd.s32 $0x6E0, s4;
	[smem:$0x7EE] =	sst s30  }
0x75: {  	s11 =	sadd.s32 $0x6F0, s4;
	[smem:$0x7EF] =	sst s31  }
0x76: {  	s12 =	sor.u32 $0x700, s4;
	[smem:$0x7F0] =	sst s11  }
0x77: {  	s13 =	sadd.s32 $0x710, s4;
	[smem:$0x7F1] =	sst s12  }
0x78: {  	s14 =	sadd.s32 $0x720, s4;
	[smem:$0x7F2] =	sst s13  }
0x79: {  	s15 =	sadd.s32 $0x730, s4;
	[smem:$0x7F3] =	sst s14  }
0x7a: {  	s16 =	sadd.s32 $0x740, s4;
	[smem:$0x7F4] =	sst s15  }
0x7b: {  	s17 =	sadd.s32 $0x750, s4;
	[smem:$0x7F5] =	sst s16  }
0x7c: {  	s9 =	sadd.s32 $0x1800, s9;
	s18 =	sadd.s32 $0x760, s4;
	[smem:$0x7F6] =	sst s17  }
0x7d: {  	s8 =	ssub.s32 $0x2, s8;
	s19 =	sadd.s32 $0x770, s4;
	[smem:$0x7F7] =	sst s18  }
0x7e: {  	s7 =	sshrl.u32 s7, $0x2;
	s20 =	sor.u32 $0x780, s4;
	[smem:$0x7F8] =	sst s19  }
0x7f: {  	s7 =	sand.u32 $0x1FFE0, s7;
	s21 =	sadd.s32 $0x790, s4;
	[smem:$0x7F9] =	sst s20  }
0x80: {  	s5 =	sadd.s32 s5, s7;
	s11 =	sshrl.u32 s8, $0x1;
	[smem:$0x7FA] =	sst s21  }
0x81: {  	s22 =	sadd.s32 $0x7A0, s4;
	s23 =	sadd.s32 $0x7B0, s4;
	s12 =	smul.u32 $0x3, s6  }
0x82: {  	s24 =	sadd.s32 $0x7C0, s4;
	s6 =	smul.u32 $0x180, s6;
	s14 =	simm.s32 $0xEC00  }
0x83: {  	s15 =	simm.s32 $0x11380;
	s16 =	simm.s32 $0x80;
	[smem:$0x7FB] =	sst s22  }
0x84: {  	s17 =	simm.s32 $0x400;
	s18 =	simm.s32 $0x3;
	[smem:$0x7FC] =	sst s23  }
0x85: {  	s19 =	simm.s32 $0x0;
	s11 =	ssub.s32 s8, s11;
	[smem:$0x7FD] =	sst s24  }
0x86: {  	s25 =	sshrl.u32 s12, $0x3;
	s28 =	sadd.s32 $0x1, s12;
	s6 =	sand.u32 $0x380, s6  }
0x87: {  	s12 =	sadd.s32 $0x2, s12;
	s26 =	smul.u32 $0x13C00, s25;
	s29 =	sshrl.u32 s28, $0x3  }
0x88: {  	s8 =	sshll.u32 s28, $0x7;
	s13 =	sshrl.u32 s12, $0x3;
	s10 =	smul.u32 $0x13C00, s29  }
0x89: {  	s12 =	sshll.u32 s12, $0x7;
	s8 =	sand.u32 $0x380, s8;
	s13 =	smul.u32 $0x13C00, s13  }
0x8a: {  	s31 =	sand.u32 $0x380, s12;
	s12 =	simm.s32 $0x2;
	s6 =	sor.u32 s6, s26  }
0x8b: {  	s30 =	sor.u32 s8, s10;
	s6 =	sshrl.u32 s6, $0x3;
	s8 =	sor.u32 s31, s13  }
0x8c: {  	s10 =	simm.s32 $0x4F00;
	s13 =	simm.s32 $0xC480;
	s7 =	sshrl.u32 s30, $0x3  }
0x8d: {  	s6 =	sadd.s32 s9, s6;
	s8 =	sshrl.u32 s8, $0x3;
	s7 =	sadd.s32 s9, s7  }
0x8e: {  	v0 =	vimm.f32 $0.0e+00;
	s8 =	sadd.s32 s9, s8;
	s9 =	smax.u32 s11, $0x1;
	s11 =	simm.s32 $0x1  }
.LBB2_1:
0x8f: {  	[tilespmem:s3], [sflag:$0x1] =	stream.linear.gather [hbm4b:s5+s3], $0x4F00, $0x38;
	[tilespmem:$0x13B00] =	vst v63  }
0x90: {  	s20 =	simm.s32 $0xC4A0  }
0x91: {  	[tilespmem:s10], [sflag:$0x2] =	stream.linear.gather [hbm4b:s2+s3], $0x7580, $0x38;
	[tilespmem:$0x13B00] =	vst v63  }
0x92: {  	[tilespmem:s20+$0x10] =	vst v0  }
0x93: {  	[tilespmem:s20+$0xFFFFFFF0] =	vst v0  }
0x94: {  	[tilespmem:s20+$0x20] =	vst v0  }
0x95: {  	[tilespmem:s20+$0xFFFFFFE0] =	vst v0  }
0x96: {  	s21 =	simm.s32 $0xEC20;
	[tilespmem:s20+$0x0] =	vst v0  }
0x97: {  	[tilespmem:s21+$0xFFFFFFE0] =	vst v0  }
0x98: {  	[tilespmem:s21+$0x20] =	vst v0  }
0x99: {  	[tilespmem:s21+$0x0] =	vst v0  }
0x9a: {  	[tilespmem:s21+$0xFFFFFFF0] =	vst v0  }
0x9b: {  	s22 =	simm.s32 $0x113A0;
	[tilespmem:s21+$0x10] =	vst v0  }
0x9c: {  	[tilespmem:s22+$0xFFFFFFE0] =	vst v0  }
0x9d: {  	[tilespmem:s22+$0x0] =	vst v0  }
0x9e: {  	[tilespmem:s22+$0xFFFFFFF0] =	vst v0  }
0x9f: {  	s23 =	simm.s32 $0x0;
	s24 =	simm.s32 $0x113F0;
	[tilespmem:s22+$0x10] =	vst v0  }
.LBB2_2:
0xa0: {  	s23 =	sadd.s32 $0x5, s23;
	[tilespmem:s22+$0x20] =	vst v0;
	s20 =	sadd.s32 $0x50, s20;
	s21 =	sadd.s32 $0x50, s21  }
0xa1: {  	s22 =	smov.u32 s24;
	[tilespmem:s20+$0x10] =	vst v0;
	p0 =	slt.u32 s23, $0x26C  }
0xa2: {  	[tilespmem:s20+$0xFFFFFFF0] =	vst v0  }
0xa3: {  	[tilespmem:s20+$0x20] =	vst v0  }
0xa4: {  	[tilespmem:s20+$0xFFFFFFE0] =	vst v0  }
0xa5: {  	[tilespmem:s21+$0xFFFFFFE0] =	vst v0  }
0xa6: {  	[tilespmem:s24+$0xFFFFFFE0] =	vst v0  }
0xa7: {  	[tilespmem:s21+$0x20] =	vst v0  }
0xa8: {  	[tilespmem:s20+$0x0] =	vst v0  }
0xa9: {  	[tilespmem:s21+$0x0] =	vst v0  }
.Ltmp0:
0xaa: {  	[tilespmem:s24+$0x0] =	vst v0;
	(pc) =	sbr.rel @p0 .LBB2_2-.Ltmp0, $4  }
0xab: {  	[tilespmem:s21+$0xFFFFFFF0] =	vst v0  }
0xac: {  	[tilespmem:s24+$0xFFFFFFF0] =	vst v0  }
0xad: {  	[tilespmem:s21+$0x10] =	vst v0  }
0xae: {  	s24 =	sadd.s32 $0x50, s24;
	[tilespmem:s22+$0x10] =	vst v0  }
0xaf: {  	[tilespmem:s22+$0x20] =	vst v0  }
0xb0: {  	_ =	swait.ge [sflag:s11], $0x4F00  }
0xb1: {  	[sflag:s11] =	ssyncset.done $0x0  }
0xb2: {  	[sflag:s11] =	ssyncadd.s32 $0xFFFFB100  }
0xb3: {  	_ =	swait.ge [sflag:s12], $0x7580  }
0xb4: {  	[sflag:s12] =	ssyncset.done $0x0  }
0xb5: {  	s20 =	simm.s32 $0x0;
	[sflag:s12] =	ssyncadd.s32 $0xFFFF8A80  }
.LBB2_4:
0xb6: {  	s21 =	sshll.u32 s20, $0x4  }
0xb7: {  	s22 =	sadd.s32 s4, s21  }
0xb8: {  	s23 =	sshll.u32 s22, $0x1  }
0xb9: {  	s24 =	rddreg [dreg:$0x4];
	s22 =	sand.u32 $0x70, s22;
	s23 =	sand.u32 $0xFF00, s23  }
0xba: {  	s26 =	sadd.s32 s21, s24;
	s22 =	sor.u32 s22, s23  }
0xbb: {  	s24 =	sshll.u32 s26, $0x1;
	v1 =	vld [tilespmem:s22+$0x0]  }
0xbc: {  	s28 =	rddreg [dreg:$0x5];
	s24 =	sand.u32 $0x1FF00, s24;
	s23 =	sand.u32 $0x70, s26  }
0xbd: {  	s23 =	sor.u32 s23, s24;
	v3 =	vld [tilespmem:s22+$0x80];
	s22 =	sadd.s32 s21, s28  }
0xbe: {  	v2 =	vld [tilespmem:s23+$0x0];
	s29 =	sshll.u32 s22, $0x1  }
0xbf: {  	s30 =	rddreg [dreg:$0x6];
	v5 =	vld [tilespmem:s23+$0x80];
	s22 =	sand.u32 $0x70, s22;
	s23 =	sand.u32 $0x1FF00, s29  }
0xc0: {  	s31 =	sadd.s32 s21, s30;
	s22 =	sor.u32 s22, s23  }
0xc1: {  	s23 =	sshll.u32 s31, $0x1;
	v8 =	vld [tilespmem:s22+$0x0]  }
0xc2: {  	s24 =	rddreg [dreg:$0x7];
	v23 =	vld [tilespmem:s22+$0x80];
	s22 =	sand.u32 $0x70, s31;
	s23 =	sand.u32 $0x1FF00, s23  }
0xc3: {  	s25 =	sadd.s32 s21, s24;
	s22 =	sor.u32 s22, s23;
	v4 =	vld.idx.msk [tilespmem:v1+s10+$0x0], $0xffff  }
0xc4: {  	v6 =	vadd.s32 $0x2710, v1;
	s23 =	sshll.u32 s25, $0x1;
	v9 =	vld [tilespmem:s22+$0x0]  }
0xc5: {  	v25 =	vld [tilespmem:s22+$0x80];
	s22 =	sand.u32 $0x70, s25;
	s23 =	sand.u32 $0x1FF00, s23  }
0xc6: {  	s22 =	sor.u32 s22, s23;
	v7 =	vld.idx.msk [tilespmem:v2+s10+$0x0], $0xffff  }
0xc7: {  	v22 =	vadd.s32 $0x2710, v2;
	v26 =	vld [tilespmem:s22+$0x0]  }
0xc8: {  	[tilespmem:v3+s13+$0x0] =	vst.idx.add.f32.msk $0xffff, v4  }
0xc9: {  	v6 =	vld.idx.msk [tilespmem:v6+s10+$0x0], $0xffff  }
0xca: {  	v1 =	vadd.s32 $0x4E20, v1;
	v24 =	vld.idx.msk [tilespmem:v8+s10+$0x0], $0xffff  }
0xcb: {  	[tilespmem:v5+s13+$0x0] =	vst.idx.add.f32.msk $0xffff, v7  }
0xcc: {  	v4 =	vld.idx.msk [tilespmem:v22+s10+$0x0], $0xffff  }
0xcd: {  	v28 =	vld [tilespmem:s22+$0x80];
	v2 =	vadd.s32 $0x4E20, v2  }
0xce: {  	v10 =	vadd.s32 $0x2710, v8;
	[tilespmem:v3+s14+$0x0] =	vst.idx.add.f32.msk $0xffff, v6  }
0xcf: {  	v1 =	vld.idx.msk [tilespmem:v1+s10+$0x0], $0xffff  }
0xd0: {  	[tilespmem:v23+s13+$0x0] =	vst.idx.add.f32.msk $0xffff, v24  }
0xd1: {  	s26 =	rddreg [dreg:$0x8];
	[tilespmem:v5+s14+$0x0] =	vst.idx.add.f32.msk $0xffff, v4  }
0xd2: {  	s28 =	sadd.s32 s21, s26;
	v2 =	vld.idx.msk [tilespmem:v2+s10+$0x0], $0xffff  }
0xd3: {  	s24 =	sshll.u32 s28, $0x1;
	v6 =	vld.idx.msk [tilespmem:v10+s10+$0x0], $0xffff  }
0xd4: {  	s24 =	sand.u32 $0x1FF00, s24;
	s23 =	sand.u32 $0x70, s28;
	[tilespmem:v3+s15+$0x0] =	vst.idx.add.f32.msk $0xffff, v1;
	v1 =	vadd.s32 $0x4E20, v8  }
0xd5: {  	s23 =	sor.u32 s23, s24;
	v3 =	vld.idx.msk [tilespmem:v9+s10+$0x0], $0xffff  }
0xd6: {  	v29 =	vld [tilespmem:s23+$0x80]  }
0xd7: {  	[tilespmem:v5+s15+$0x0] =	vst.idx.add.f32.msk $0xffff, v2;
	v2 =	vadd.s32 $0x2710, v9  }
0xd8: {  	s29 =	rddreg [dreg:$0x9];
	[tilespmem:v23+s14+$0x0] =	vst.idx.add.f32.msk $0xffff, v6  }
0xd9: {  	s22 =	sadd.s32 s21, s29;
	v1 =	vld.idx.msk [tilespmem:v1+s10+$0x0], $0xffff  }
0xda: {  	s30 =	sshll.u32 s22, $0x1;
	[tilespmem:v25+s13+$0x0] =	vst.idx.add.f32.msk $0xffff, v3  }
0xdb: {  	s22 =	sand.u32 $0x70, s22;
	v3 =	vld [tilespmem:s23+$0x0];
	s23 =	sand.u32 $0x1FF00, s30  }
0xdc: {  	v2 =	vld.idx.msk [tilespmem:v2+s10+$0x0], $0xffff;
	s22 =	sor.u32 s22, s23  }
0xdd: {  	s31 =	rddreg [dreg:$0xa];
	v31 =	vld [tilespmem:s22+$0x0]  }
0xde: {  	s24 =	sadd.s32 s21, s31;
	v33 =	vld [tilespmem:s22+$0x80]  }
0xdf: {  	s23 =	sshll.u32 s24, $0x1;
	[tilespmem:v23+s15+$0x0] =	vst.idx.add.f32.msk $0xffff, v1  }
0xe0: {  	s22 =	sand.u32 $0x70, s24;
	s23 =	sand.u32 $0x1FF00, s23;
	v1 =	vld.idx.msk [tilespmem:v26+s10+$0x0], $0xffff  }
0xe1: {  	s22 =	sor.u32 s22, s23;
	[tilespmem:v25+s14+$0x0] =	vst.idx.add.f32.msk $0xffff, v2;
	v2 =	vadd.s32 $0x2710, v26  }
0xe2: {  	s25 =	rddreg [dreg:$0xb];
	v34 =	vld [tilespmem:s22+$0x0]  }
0xe3: {  	s26 =	sadd.s32 s21, s25;
	v27 =	vadd.s32 $0x4E20, v9;
	v35 =	vld [tilespmem:s22+$0x80]  }
0xe4: {  	s24 =	sshll.u32 s26, $0x1;
	v30 =	vld.idx.msk [tilespmem:v3+s10+$0x0], $0xffff  }
0xe5: {  	s23 =	sand.u32 $0x70, s26;
	s24 =	sand.u32 $0x1FF00, s24;
	[tilespmem:v28+s13+$0x0] =	vst.idx.add.f32.msk $0xffff, v1;
	v1 =	vadd.s32 $0x2710, v3  }
0xe6: {  	s23 =	sor.u32 s23, s24;
	v2 =	vld.idx.msk [tilespmem:v2+s10+$0x0], $0xffff  }
0xe7: {  	v37 =	vld [tilespmem:s23+$0x80]  }
0xe8: {  	v6 =	vld.idx.msk [tilespmem:v27+s10+$0x0], $0xffff  }
0xe9: {  	[tilespmem:v29+s13+$0x0] =	vst.idx.add.f32.msk $0xffff, v30  }
0xea: {  	v32 =	vadd.s32 $0x4E20, v26;
	v1 =	vld.idx.msk [tilespmem:v1+s10+$0x0], $0xffff  }
0xeb: {  	[tilespmem:v28+s14+$0x0] =	vst.idx.add.f32.msk $0xffff, v2  }
0xec: {  	v2 =	vadd.s32 $0x4E20, v3;
	v3 =	vld.idx.msk [tilespmem:v31+s10+$0x0], $0xffff  }
0xed: {  	[tilespmem:v25+s15+$0x0] =	vst.idx.add.f32.msk $0xffff, v6  }
0xee: {  	v36 =	vld.idx.msk [tilespmem:v34+s10+$0x0], $0xffff  }
0xef: {  	v4 =	vld.idx.msk [tilespmem:v32+s10+$0x0], $0xffff  }
0xf0: {  	s28 =	rddreg [dreg:$0xc];
	[tilespmem:v29+s14+$0x0] =	vst.idx.add.f32.msk $0xffff, v1  }
0xf1: {  	s22 =	sadd.s32 s21, s28;
	v1 =	vadd.s32 $0x2710, v31;
	[tilespmem:v33+s13+$0x0] =	vst.idx.add.f32.msk $0xffff, v3  }
0xf2: {  	s29 =	sshll.u32 s22, $0x1;
	v3 =	vld [tilespmem:s23+$0x0]  }
0xf3: {  	s22 =	sand.u32 $0x70, s22;
	v2 =	vld.idx.msk [tilespmem:v2+s10+$0x0], $0xffff;
	s23 =	sand.u32 $0x1FF00, s29  }
0xf4: {  	[tilespmem:v35+s13+$0x0] =	vst.idx.add.f32.msk $0xffff, v36;
	s22 =	sor.u32 s22, s23  }
0xf5: {  	v40 =	vld [tilespmem:s22+$0x0]  }
0xf6: {  	v1 =	vld.idx.msk [tilespmem:v1+s10+$0x0], $0xffff  }
0xf7: {  	s30 =	rddreg [dreg:$0xd];
	[tilespmem:v28+s15+$0x0] =	vst.idx.add.f32.msk $0xffff, v4  }
0xf8: {  	s23 =	sadd.s32 s21, s30;
	[tilespmem:v29+s15+$0x0] =	vst.idx.add.f32.msk $0xffff, v2;
	v2 =	vadd.s32 $0x2710, v34  }
0xf9: {  	s31 =	sshll.u32 s23, $0x1;
	v41 =	vld [tilespmem:s22+$0x80]  }
0xfa: {  	s23 =	sand.u32 $0x70, s23;
	s25 =	sand.u32 $0x1FF00, s31;
	v38 =	vld.idx.msk [tilespmem:v3+s10+$0x0], $0xffff  }
0xfb: {  	s22 =	sor.u32 s23, s25;
	[tilespmem:v33+s14+$0x0] =	vst.idx.add.f32.msk $0xffff, v1;
	v1 =	vadd.s32 $0x4E20, v31  }
0xfc: {  	v39 =	vadd.s32 $0x2710, v3;
	v42 =	vld [tilespmem:s22+$0x80]  }
0xfd: {  	v2 =	vld.idx.msk [tilespmem:v2+s10+$0x0], $0xffff  }
0xfe: {  	v11 =	vld.idx.msk [tilespmem:v40+s10+$0x0], $0xffff  }
0xff: {  	[tilespmem:v37+s13+$0x0] =	vst.idx.add.f32.msk $0xffff, v38  }
0x100: {  	v6 =	vadd.s32 $0x4E20, v34;
	v1 =	vld.idx.msk [tilespmem:v1+s10+$0x0], $0xffff  }
0x101: {  	v12 =	vadd.s32 $0x2710, v40;
	v4 =	vld.idx.msk [tilespmem:v39+s10+$0x0], $0xffff  }
0x102: {  	[tilespmem:v35+s14+$0x0] =	vst.idx.add.f32.msk $0xffff, v2  }
0x103: {  	v2 =	vadd.s32 $0x4E20, v3;
	v3 =	vld [tilespmem:s22+$0x0]  }
0x104: {  	s26 =	rddreg [dreg:$0xe];
	[tilespmem:v41+s13+$0x0] =	vst.idx.add.f32.msk $0xffff, v11  }
0x105: {  	s22 =	sadd.s32 s21, s26;
	v6 =	vld.idx.msk [tilespmem:v6+s10+$0x0], $0xffff  }
0x106: {  	v11 =	vld.idx.msk [tilespmem:v12+s10+$0x0], $0xffff;
	s29 =	sshll.u32 s22, $0x1  }
0x107: {  	s22 =	sand.u32 $0x70, s22;
	s24 =	sand.u32 $0x1FF00, s29;
	[tilespmem:v37+s14+$0x0] =	vst.idx.add.f32.msk $0xffff, v4  }
0x108: {  	s28 =	rddreg [dreg:$0xf];
	s22 =	sor.u32 s22, s24;
	[tilespmem:v33+s15+$0x0] =	vst.idx.add.f32.msk $0xffff, v1  }
0x109: {  	s23 =	sadd.s32 s21, s28;
	v44 =	vld [tilespmem:s22+$0x0]  }
0x10a: {  	s25 =	rddreg [dreg:$0x10];
	s30 =	sshll.u32 s23, $0x1;
	v47 =	vld [tilespmem:s22+$0x80]  }
0x10b: {  	s23 =	sand.u32 $0x70, s23;
	s25 =	sadd.s32 s21, s25;
	s24 =	sand.u32 $0x1FF00, s30;
	v43 =	vld.idx.msk [tilespmem:v3+s10+$0x0], $0xffff  }
0x10c: {  	s31 =	sshll.u32 s25, $0x1;
	s23 =	sor.u32 s23, s24;
	v2 =	vld.idx.msk [tilespmem:v2+s10+$0x0], $0xffff;
	v1 =	vadd.s32 $0x2710, v3  }
0x10d: {  	s25 =	sand.u32 $0x70, s25;
	s24 =	sand.u32 $0x1FF00, s31;
	v45 =	vld [tilespmem:s23+$0x0]  }
0x10e: {  	s24 =	sor.u32 s25, s24;
	[tilespmem:v35+s15+$0x0] =	vst.idx.add.f32.msk $0xffff, v6  }
0x10f: {  	v46 =	vld [tilespmem:s24+$0x0]  }
0x110: {  	[tilespmem:v42+s13+$0x0] =	vst.idx.add.f32.msk $0xffff, v43  }
0x111: {  	v1 =	vld.idx.msk [tilespmem:v1+s10+$0x0], $0xffff  }
0x112: {  	[tilespmem:v41+s14+$0x0] =	vst.idx.add.f32.msk $0xffff, v11  }
0x113: {  	v50 =	vld [tilespmem:s24+$0x80]  }
0x114: {  	[tilespmem:v37+s15+$0x0] =	vst.idx.add.f32.msk $0xffff, v2  }
0x115: {  	v2 =	vadd.s32 $0x4E20, v40;
	v48 =	vld.idx.msk [tilespmem:v44+s10+$0x0], $0xffff  }
0x116: {  	[tilespmem:v42+s14+$0x0] =	vst.idx.add.f32.msk $0xffff, v1  }
0x117: {  	v49 =	vadd.s32 $0x2710, v44;
	v1 =	vadd.s32 $0x4E20, v3;
	v3 =	vld [tilespmem:s23+$0x80]  }
0x118: {  	v15 =	vld.idx.msk [tilespmem:v46+s10+$0x0], $0xffff  }
0x119: {  	v51 =	vadd.s32 $0x2710, v46;
	v13 =	vld.idx.msk [tilespmem:v45+s10+$0x0], $0xffff  }
0x11a: {  	v2 =	vld.idx.msk [tilespmem:v2+s10+$0x0], $0xffff  }
0x11b: {  	v14 =	vadd.s32 $0x2710, v45;
	[tilespmem:v47+s13+$0x0] =	vst.idx.add.f32.msk $0xffff, v48  }
0x11c: {  	v11 =	vld.idx.msk [tilespmem:v49+s10+$0x0], $0xffff  }
0x11d: {  	[tilespmem:v50+s13+$0x0] =	vst.idx.add.f32.msk $0xffff, v15  }
0x11e: {  	v5 =	vadd.s32 $0x4E20, v44;
	v10 =	vld.idx.msk [tilespmem:v51+s10+$0x0], $0xffff  }
0x11f: {  	[tilespmem:v3+s13+$0x0] =	vst.idx.add.f32.msk $0xffff, v13  }
0x120: {  	v13 =	vld.idx.msk [tilespmem:v14+s10+$0x0], $0xffff  }
0x121: {  	v6 =	vadd.s32 $0x4E20, v45;
	[tilespmem:v47+s14+$0x0] =	vst.idx.add.f32.msk $0xffff, v11  }
0x122: {  	v8 =	vadd.s32 $0x4E20, v46;
	v1 =	vld.idx.msk [tilespmem:v1+s10+$0x0], $0xffff  }
0x123: {  	v5 =	vld.idx.msk [tilespmem:v5+s10+$0x0], $0xffff  }
0x124: {  	[tilespmem:v50+s14+$0x0] =	vst.idx.add.f32.msk $0xffff, v10  }
0x125: {  	[tilespmem:v3+s14+$0x0] =	vst.idx.add.f32.msk $0xffff, v13  }
0x126: {  	v6 =	vld.idx.msk [tilespmem:v6+s10+$0x0], $0xffff  }
0x127: {  	v8 =	vld.idx.msk [tilespmem:v8+s10+$0x0], $0xffff  }
0x128: {  	[tilespmem:v41+s15+$0x0] =	vst.idx.add.f32.msk $0xffff, v2  }
0x129: {  	[tilespmem:v42+s15+$0x0] =	vst.idx.add.f32.msk $0xffff, v1  }
0x12a: {  	[tilespmem:v47+s15+$0x0] =	vst.idx.add.f32.msk $0xffff, v5  }
0x12b: {  	[tilespmem:v3+s15+$0x0] =	vst.idx.add.f32.msk $0xffff, v6  }
0x12c: {  	[tilespmem:v50+s15+$0x0] =	vst.idx.add.f32.msk $0xffff, v8  }
0x12d: {  	s24 =	rddreg [dreg:$0x11]  }
0x12e: {  	s22 =	sadd.s32 s21, s24  }
0x12f: {  	s25 =	sshll.u32 s22, $0x1  }
0x130: {  	s22 =	sand.u32 $0x70, s22;
	s23 =	sand.u32 $0x1FF00, s25  }
0x131: {  	s22 =	sor.u32 s22, s23  }
0x132: {  	v1 =	vld [tilespmem:s22+$0x0];
	_ =	sdelay $0x4  }
0x133: {  	s26 =	rddreg [dreg:$0x12];
	v2 =	vld [tilespmem:s22+$0x80]  }
0x134: {  	s28 =	sadd.s32 s21, s26  }
0x135: {  	s23 =	sshll.u32 s28, $0x1  }
0x136: {  	s22 =	sand.u32 $0x70, s28;
	s23 =	sand.u32 $0x1FF00, s23;
	v3 =	vld.idx.msk [tilespmem:v1+s10+$0x0], $0xffff  }
0x137: {  	s22 =	sor.u32 s22, s23  }
0x138: {  	v52 =	vld [tilespmem:s22+$0x0];
	v53 =	vadd.s32 $0x2710, v1  }
0x139: {  	s29 =	rddreg [dreg:$0x13]  }
0x13a: {  	s30 =	sadd.s32 s21, s29  }
0x13b: {  	s23 =	sshll.u32 s30, $0x1;
	[tilespmem:v2+s13+$0x0] =	vst.idx.add.f32.msk $0xffff, v3  }
0x13c: {  	s31 =	rddreg [dreg:$0x14];
	s23 =	sand.u32 $0x1FF00, s23;
	v3 =	vld [tilespmem:s22+$0x80];
	s22 =	sand.u32 $0x70, s30  }
0x13d: {  	s24 =	sadd.s32 s21, s31;
	s25 =	rddreg [dreg:$0x15];
	v5 =	vld.idx.msk [tilespmem:v53+s10+$0x0], $0xffff;
	s22 =	sor.u32 s22, s23  }
0x13e: {  	s26 =	sadd.s32 s21, s25;
	s23 =	sshll.u32 s24, $0x1;
	v55 =	vld [tilespmem:s22+$0x0]  }
0x13f: {  	v1 =	vadd.s32 $0x4E20, v1;
	v57 =	vld [tilespmem:s22+$0x80];
	s22 =	sand.u32 $0x70, s24;
	s23 =	sand.u32 $0x1FF00, s23;
	s24 =	sshll.u32 s26, $0x1  }
0x140: {  	v54 =	vld.idx.msk [tilespmem:v52+s10+$0x0], $0xffff;
	s22 =	sor.u32 s22, s23;
	s23 =	sand.u32 $0x70, s26;
	s24 =	sand.u32 $0x1FF00, s24  }
0x141: {  	s23 =	sor.u32 s23, s24;
	v60 =	vld [tilespmem:s22+$0x80]  }
0x142: {  	v56 =	vadd.s32 $0x2710, v52;
	v59 =	vld [tilespmem:s23+$0x0]  }
0x143: {  	[tilespmem:v2+s14+$0x0] =	vst.idx.add.f32.msk $0xffff, v5  }
0x144: {  	v1 =	vld.idx.msk [tilespmem:v1+s10+$0x0], $0xffff  }
0x145: {  	v61 =	vld [tilespmem:s23+$0x80]  }
0x146: {  	[tilespmem:v3+s13+$0x0] =	vst.idx.add.f32.msk $0xffff, v54  }
0x147: {  	v6 =	vld.idx.msk [tilespmem:v56+s10+$0x0], $0xffff  }
0x148: {  	v4 =	vadd.s32 $0x4E20, v52;
	v58 =	vld.idx.msk [tilespmem:v55+s10+$0x0], $0xffff  }
0x149: {  	[tilespmem:v2+s15+$0x0] =	vst.idx.add.f32.msk $0xffff, v1  }
0x14a: {  	s28 =	rddreg [dreg:$0x16];
	v2 =	vld [tilespmem:s22+$0x0]  }
0x14b: {  	v1 =	vadd.s32 $0x2710, v55;
	s22 =	sadd.s32 s21, s28;
	v62 =	vld.idx.msk [tilespmem:v59+s10+$0x0], $0xffff  }
0x14c: {  	s29 =	sshll.u32 s22, $0x1;
	[tilespmem:v3+s14+$0x0] =	vst.idx.add.f32.msk $0xffff, v6  }
0x14d: {  	s22 =	sand.u32 $0x70, s22;
	s23 =	sand.u32 $0x1FF00, s29;
	v4 =	vld.idx.msk [tilespmem:v4+s10+$0x0], $0xffff  }
0x14e: {  	[tilespmem:v57+s13+$0x0] =	vst.idx.add.f32.msk $0xffff, v58;
	s22 =	sor.u32 s22, s23  }
0x14f: {  	s30 =	rddreg [dreg:$0x17];
	v63 =	vld [tilespmem:s22+$0x0]  }
0x150: {  	s31 =	sadd.s32 s21, s30;
	v1 =	vld.idx.msk [tilespmem:v1+s10+$0x0], $0xffff  }
0x151: {  	s23 =	sshll.u32 s31, $0x1;
	v12 =	vld [tilespmem:s22+$0x80]  }
0x152: {  	s22 =	sand.u32 $0x70, s31;
	s23 =	sand.u32 $0x1FF00, s23;
	[tilespmem:v3+s15+$0x0] =	vst.idx.add.f32.msk $0xffff, v4  }
0x153: {  	s22 =	sor.u32 s22, s23;
	v3 =	vld.idx.msk [tilespmem:v2+s10+$0x0], $0xffff  }
0x154: {  	v14 =	vld [tilespmem:s22+$0x0]  }
0x155: {  	[tilespmem:v57+s14+$0x0] =	vst.idx.add.f32.msk $0xffff, v1;
	v1 =	vadd.s32 $0x2710, v2  }
0x156: {  	v7 =	vadd.s32 $0x4E20, v55  }
0x157: {  	[tilespmem:v61+s13+$0x0] =	vst.idx.add.f32.msk $0xffff, v62  }
0x158: {  	[tilespmem:v60+s13+$0x0] =	vst.idx.add.f32.msk $0xffff, v3;
	v3 =	vadd.s32 $0x2710, v59  }
0x159: {  	v13 =	vld.idx.msk [tilespmem:v63+s10+$0x0], $0xffff  }
0x15a: {  	v1 =	vld.idx.msk [tilespmem:v1+s10+$0x0], $0xffff  }
0x15b: {  	v15 =	vadd.s32 $0x2710, v63;
	v7 =	vld.idx.msk [tilespmem:v7+s10+$0x0], $0xffff  }
0x15c: {  	v2 =	vadd.s32 $0x4E20, v2;
	v16 =	vld.idx.msk [tilespmem:v14+s10+$0x0], $0xffff  }
0x15d: {  	v3 =	vld.idx.msk [tilespmem:v3+s10+$0x0], $0xffff  }
0x15e: {  	[tilespmem:v12+s13+$0x0] =	vst.idx.add.f32.msk $0xffff, v13  }
0x15f: {  	[tilespmem:v60+s14+$0x0] =	vst.idx.add.f32.msk $0xffff, v1;
	v1 =	vadd.s32 $0x4E20, v59  }
0x160: {  	s24 =	rddreg [dreg:$0x18];
	v6 =	vld.idx.msk [tilespmem:v15+s10+$0x0], $0xffff  }
0x161: {  	s25 =	sadd.s32 s21, s24;
	v2 =	vld.idx.msk [tilespmem:v2+s10+$0x0], $0xffff  }
0x162: {  	s23 =	sshll.u32 s25, $0x1;
	[tilespmem:v61+s14+$0x0] =	vst.idx.add.f32.msk $0xffff, v3  }
0x163: {  	s26 =	rddreg [dreg:$0x19];
	s23 =	sand.u32 $0x1FF00, s23;
	v3 =	vld [tilespmem:s22+$0x80];
	s22 =	sand.u32 $0x70, s25  }
0x164: {  	s28 =	sadd.s32 s21, s26;
	s22 =	sor.u32 s22, s23;
	v1 =	vld.idx.msk [tilespmem:v1+s10+$0x0], $0xffff  }
0x165: {  	s24 =	sshll.u32 s28, $0x1;
	v17 =	vld [tilespmem:s22+$0x0]  }
0x166: {  	s24 =	sand.u32 $0x1FF00, s24;
	s29 =	rddreg [dreg:$0x1a];
	s23 =	sand.u32 $0x70, s28;
	v19 =	vld [tilespmem:s22+$0x80]  }
0x167: {  	s23 =	sor.u32 s23, s24;
	s22 =	sadd.s32 s21, s29;
	[tilespmem:v60+s15+$0x0] =	vst.idx.add.f32.msk $0xffff, v2  }
0x168: {  	v2 =	vadd.s32 $0x4E20, v63;
	v18 =	vld [tilespmem:s23+$0x0];
	s30 =	sshll.u32 s22, $0x1  }
0x169: {  	v20 =	vld [tilespmem:s23+$0x80];
	s22 =	sand.u32 $0x70, s22;
	s23 =	sand.u32 $0x1FF00, s30  }
0x16a: {  	[tilespmem:v12+s14+$0x0] =	vst.idx.add.f32.msk $0xffff, v6;
	s22 =	sor.u32 s22, s23  }
0x16b: {  	s31 =	rddreg [dreg:$0x1b];
	v22 =	vld [tilespmem:s22+$0x0]  }
0x16c: {  	s24 =	sadd.s32 s21, s31;
	[tilespmem:v61+s15+$0x0] =	vst.idx.add.f32.msk $0xffff, v1;
	v1 =	vadd.s32 $0x2710, v14  }
0x16d: {  	s23 =	sshll.u32 s24, $0x1;
	v2 =	vld.idx.msk [tilespmem:v2+s10+$0x0], $0xffff  }
0x16e: {  	v23 =	vld [tilespmem:s22+$0x80];
	s22 =	sand.u32 $0x70, s24;
	s23 =	sand.u32 $0x1FF00, s23  }
0x16f: {  	s22 =	sor.u32 s22, s23;
	[tilespmem:v3+s13+$0x0] =	vst.idx.add.f32.msk $0xffff, v16  }
0x170: {  	v25 =	vld [tilespmem:s22+$0x0]  }
0x171: {  	v1 =	vld.idx.msk [tilespmem:v1+s10+$0x0], $0xffff  }
0x172: {  	[tilespmem:v12+s15+$0x0] =	vst.idx.add.f32.msk $0xffff, v2  }
0x173: {  	v2 =	vld.idx.msk [tilespmem:v17+s10+$0x0], $0xffff  }
0x174: {  	v21 =	vld.idx.msk [tilespmem:v18+s10+$0x0], $0xffff  }
0x175: {  	[tilespmem:v57+s15+$0x0] =	vst.idx.add.f32.msk $0xffff, v7;
	v7 =	vadd.s32 $0x4E20, v14  }
0x176: {  	v24 =	vld.idx.msk [tilespmem:v22+s10+$0x0], $0xffff  }
0x177: {  	[tilespmem:v3+s14+$0x0] =	vst.idx.add.f32.msk $0xffff, v1;
	v1 =	vadd.s32 $0x2710, v17  }
0x178: {  	[tilespmem:v19+s13+$0x0] =	vst.idx.add.f32.msk $0xffff, v2;
	v2 =	vadd.s32 $0x2710, v18  }
0x179: {  	[tilespmem:v20+s13+$0x0] =	vst.idx.add.f32.msk $0xffff, v21  }
0x17a: {  	v7 =	vld.idx.msk [tilespmem:v7+s10+$0x0], $0xffff  }
0x17b: {  	v26 =	vadd.s32 $0x2710, v22;
	v27 =	vld.idx.msk [tilespmem:v25+s10+$0x0], $0xffff  }
0x17c: {  	v1 =	vld.idx.msk [tilespmem:v1+s10+$0x0], $0xffff  }
0x17d: {  	v2 =	vld.idx.msk [tilespmem:v2+s10+$0x0], $0xffff  }
0x17e: {  	[tilespmem:v23+s13+$0x0] =	vst.idx.add.f32.msk $0xffff, v24  }
0x17f: {  	[tilespmem:v3+s15+$0x0] =	vst.idx.add.f32.msk $0xffff, v7;
	v3 =	vadd.s32 $0x4E20, v17  }
0x180: {  	s25 =	rddreg [dreg:$0x1c];
	v6 =	vld.idx.msk [tilespmem:v26+s10+$0x0], $0xffff  }
0x181: {  	s26 =	sadd.s32 s21, s25;
	[tilespmem:v19+s14+$0x0] =	vst.idx.add.f32.msk $0xffff, v1  }
0x182: {  	s28 =	rddreg [dreg:$0x1d];
	s23 =	sshll.u32 s26, $0x1;
	[tilespmem:v20+s14+$0x0] =	vst.idx.add.f32.msk $0xffff, v2  }
0x183: {  	s29 =	sadd.s32 s21, s28;
	s23 =	sand.u32 $0x1FF00, s23;
	v1 =	vadd.s32 $0x4E20, v18;
	v2 =	vld [tilespmem:s22+$0x80];
	s22 =	sand.u32 $0x70, s26  }
0x184: {  	s24 =	sshll.u32 s29, $0x1;
	v3 =	vld.idx.msk [tilespmem:v3+s10+$0x0], $0xffff;
	s22 =	sor.u32 s22, s23  }
0x185: {  	s24 =	sand.u32 $0x1FF00, s24;
	s23 =	sand.u32 $0x70, s29;
	v28 =	vld [tilespmem:s22+$0x0]  }
0x186: {  	s23 =	sor.u32 s23, s24;
	v30 =	vld [tilespmem:s22+$0x80]  }
0x187: {  	s30 =	rddreg [dreg:$0x1e];
	v29 =	vld [tilespmem:s23+$0x0]  }
0x188: {  	s22 =	sadd.s32 s21, s30;
	v1 =	vld.idx.msk [tilespmem:v1+s10+$0x0], $0xffff  }
0x189: {  	s31 =	sshll.u32 s22, $0x1;
	[tilespmem:v19+s15+$0x0] =	vst.idx.add.f32.msk $0xffff, v3;
	v3 =	vadd.s32 $0x4E20, v22  }
0x18a: {  	v31 =	vld [tilespmem:s23+$0x80];
	s22 =	sand.u32 $0x70, s22;
	s23 =	sand.u32 $0x1FF00, s31  }
0x18b: {  	[tilespmem:v23+s14+$0x0] =	vst.idx.add.f32.msk $0xffff, v6;
	s22 =	sor.u32 s22, s23  }
0x18c: {  	s24 =	rddreg [dreg:$0x1f];
	v33 =	vld [tilespmem:s22+$0x0]  }
0x18d: {  	s25 =	sadd.s32 s21, s24;
	[tilespmem:v20+s15+$0x0] =	vst.idx.add.f32.msk $0xffff, v1;
	v1 =	vadd.s32 $0x2710, v25  }
0x18e: {  	s23 =	sshll.u32 s25, $0x1;
	v3 =	vld.idx.msk [tilespmem:v3+s10+$0x0], $0xffff  }
0x18f: {  	v34 =	vld [tilespmem:s22+$0x80];
	s22 =	sand.u32 $0x70, s25;
	s23 =	sand.u32 $0x1FF00, s23  }
0x190: {  	s22 =	sor.u32 s22, s23;
	[tilespmem:v2+s13+$0x0] =	vst.idx.add.f32.msk $0xffff, v27  }
0x191: {  	v36 =	vld [tilespmem:s22+$0x0]  }
0x192: {  	v1 =	vld.idx.msk [tilespmem:v1+s10+$0x0], $0xffff  }
0x193: {  	[tilespmem:v23+s15+$0x0] =	vst.idx.add.f32.msk $0xffff, v3  }
0x194: {  	v3 =	vld.idx.msk [tilespmem:v28+s10+$0x0], $0xffff  }
0x195: {  	v32 =	vld.idx.msk [tilespmem:v29+s10+$0x0], $0xffff  }
0x196: {  	v7 =	vadd.s32 $0x4E20, v25  }
0x197: {  	v35 =	vld.idx.msk [tilespmem:v33+s10+$0x0], $0xffff  }
0x198: {  	[tilespmem:v2+s14+$0x0] =	vst.idx.add.f32.msk $0xffff, v1;
	v1 =	vadd.s32 $0x2710, v28  }
0x199: {  	[tilespmem:v30+s13+$0x0] =	vst.idx.add.f32.msk $0xffff, v3;
	v3 =	vadd.s32 $0x2710, v29  }
0x19a: {  	[tilespmem:v31+s13+$0x0] =	vst.idx.add.f32.msk $0xffff, v32  }
0x19b: {  	v7 =	vld.idx.msk [tilespmem:v7+s10+$0x0], $0xffff  }
0x19c: {  	v37 =	vadd.s32 $0x2710, v33;
	v38 =	vld.idx.msk [tilespmem:v36+s10+$0x0], $0xffff  }
0x19d: {  	v1 =	vld.idx.msk [tilespmem:v1+s10+$0x0], $0xffff  }
0x19e: {  	v3 =	vld.idx.msk [tilespmem:v3+s10+$0x0], $0xffff  }
0x19f: {  	s26 =	sld [smem:$0x79E];
	[tilespmem:v34+s13+$0x0] =	vst.idx.add.f32.msk $0xffff, v35  }
0x1a0: {  	[tilespmem:v2+s15+$0x0] =	vst.idx.add.f32.msk $0xffff, v7;
	v2 =	vadd.s32 $0x4E20, v28  }
0x1a1: {  	s29 =	sld [smem:$0x79F];
	v6 =	vld.idx.msk [tilespmem:v37+s10+$0x0], $0xffff  }
0x1a2: {  	s28 =	sadd.s32 s21, s26;
	[tilespmem:v30+s14+$0x0] =	vst.idx.add.f32.msk $0xffff, v1  }
0x1a3: {  	s23 =	sshll.u32 s28, $0x1;
	[tilespmem:v31+s14+$0x0] =	vst.idx.add.f32.msk $0xffff, v3  }
0x1a4: {  	s30 =	sadd.s32 s21, s29;
	s23 =	sand.u32 $0x1FF00, s23;
	v1 =	vadd.s32 $0x4E20, v29;
	v3 =	vld [tilespmem:s22+$0x80];
	s22 =	sand.u32 $0x70, s28  }
0x1a5: {  	s24 =	sshll.u32 s30, $0x1;
	v2 =	vld.idx.msk [tilespmem:v2+s10+$0x0], $0xffff;
	s22 =	sor.u32 s22, s23  }
0x1a6: {  	s31 =	sld [smem:$0x7A0];
	s24 =	sand.u32 $0x1FF00, s24;
	s23 =	sand.u32 $0x70, s30;
	v39 =	vld [tilespmem:s22+$0x0]  }
0x1a7: {  	s23 =	sor.u32 s23, s24;
	v41 =	vld [tilespmem:s22+$0x80]  }
0x1a8: {  	v40 =	vld [tilespmem:s23+$0x0]  }
0x1a9: {  	s22 =	sadd.s32 s21, s31;
	v1 =	vld.idx.msk [tilespmem:v1+s10+$0x0], $0xffff  }
0x1aa: {  	s24 =	sshll.u32 s22, $0x1;
	[tilespmem:v30+s15+$0x0] =	vst.idx.add.f32.msk $0xffff, v2;
	v2 =	vadd.s32 $0x4E20, v33  }
0x1ab: {  	v42 =	vld [tilespmem:s23+$0x80];
	s22 =	sand.u32 $0x70, s22;
	s23 =	sand.u32 $0x1FF00, s24  }
0x1ac: {  	[tilespmem:v34+s14+$0x0] =	vst.idx.add.f32.msk $0xffff, v6;
	s22 =	sor.u32 s22, s23  }
0x1ad: {  	v44 =	vld [tilespmem:s22+$0x0]  }
0x1ae: {  	[tilespmem:v31+s15+$0x0] =	vst.idx.add.f32.msk $0xffff, v1;
	v1 =	vadd.s32 $0x2710, v36  }
0x1af: {  	v2 =	vld.idx.msk [tilespmem:v2+s10+$0x0], $0xffff  }
0x1b0: {  	s25 =	sld [smem:$0x7A1];
	v45 =	vld [tilespmem:s22+$0x80]  }
0x1b1: {  	[tilespmem:v3+s13+$0x0] =	vst.idx.add.f32.msk $0xffff, v38  }
0x1b2: {  	v43 =	vld.idx.msk [tilespmem:v40+s10+$0x0], $0xffff  }
0x1b3: {  	s26 =	sadd.s32 s21, s25;
	v1 =	vld.idx.msk [tilespmem:v1+s10+$0x0], $0xffff  }
0x1b4: {  	s23 =	sshll.u32 s26, $0x1;
	[tilespmem:v34+s15+$0x0] =	vst.idx.add.f32.msk $0xffff, v2  }
0x1b5: {  	s22 =	sand.u32 $0x70, s26;
	s23 =	sand.u32 $0x1FF00, s23;
	v2 =	vld.idx.msk [tilespmem:v39+s10+$0x0], $0xffff  }
0x1b6: {  	s22 =	sor.u32 s22, s23;
	v46 =	vld.idx.msk [tilespmem:v44+s10+$0x0], $0xffff  }
0x1b7: {  	v7 =	vadd.s32 $0x4E20, v36;
	v47 =	vld [tilespmem:s22+$0x0]  }
0x1b8: {  	v48 =	vadd.s32 $0x2710, v44;
	[tilespmem:v42+s13+$0x0] =	vst.idx.add.f32.msk $0xffff, v43  }
0x1b9: {  	[tilespmem:v3+s14+$0x0] =	vst.idx.add.f32.msk $0xffff, v1;
	v1 =	vadd.s32 $0x2710, v39  }
0x1ba: {  	[tilespmem:v41+s13+$0x0] =	vst.idx.add.f32.msk $0xffff, v2;
	v2 =	vadd.s32 $0x2710, v40  }
0x1bb: {  	[tilespmem:v45+s13+$0x0] =	vst.idx.add.f32.msk $0xffff, v46  }
0x1bc: {  	v7 =	vld.idx.msk [tilespmem:v7+s10+$0x0], $0xffff  }
0x1bd: {  	v6 =	vld.idx.msk [tilespmem:v48+s10+$0x0], $0xffff  }
0x1be: {  	v1 =	vld.idx.msk [tilespmem:v1+s10+$0x0], $0xffff  }
0x1bf: {  	v2 =	vld.idx.msk [tilespmem:v2+s10+$0x0], $0xffff  }
0x1c0: {  	s28 =	sld [smem:$0x7A2];
	v49 =	vld.idx.msk [tilespmem:v47+s10+$0x0], $0xffff  }
0x1c1: {  	[tilespmem:v3+s15+$0x0] =	vst.idx.add.f32.msk $0xffff, v7;
	v3 =	vadd.s32 $0x4E20, v39  }
0x1c2: {  	s30 =	sld [smem:$0x7A3];
	[tilespmem:v45+s14+$0x0] =	vst.idx.add.f32.msk $0xffff, v6  }
0x1c3: {  	s29 =	sadd.s32 s21, s28;
	[tilespmem:v41+s14+$0x0] =	vst.idx.add.f32.msk $0xffff, v1  }
0x1c4: {  	s23 =	sshll.u32 s29, $0x1;
	v1 =	vadd.s32 $0x4E20, v40;
	[tilespmem:v42+s14+$0x0] =	vst.idx.add.f32.msk $0xffff, v2  }
0x1c5: {  	s31 =	sadd.s32 s21, s30;
	s23 =	sand.u32 $0x1FF00, s23;
	v2 =	vld [tilespmem:s22+$0x80];
	s22 =	sand.u32 $0x70, s29  }
0x1c6: {  	s24 =	sshll.u32 s31, $0x1;
	v3 =	vld.idx.msk [tilespmem:v3+s10+$0x0], $0xffff;
	s22 =	sor.u32 s22, s23  }
0x1c7: {  	s24 =	sand.u32 $0x1FF00, s24;
	s23 =	sand.u32 $0x70, s31;
	v50 =	vld [tilespmem:s22+$0x0]  }
0x1c8: {  	s23 =	sor.u32 s23, s24;
	v52 =	vld [tilespmem:s22+$0x80];
	s24 =	sld [smem:$0x7A4]  }
0x1c9: {  	v1 =	vld.idx.msk [tilespmem:v1+s10+$0x0], $0xffff  }
0x1ca: {  	v51 =	vld [tilespmem:s23+$0x0]  }
0x1cb: {  	[tilespmem:v41+s15+$0x0] =	vst.idx.add.f32.msk $0xffff, v3;
	v3 =	vadd.s32 $0x4E20, v44;
	s22 =	sadd.s32 s21, s24  }
0x1cc: {  	s26 =	sld [smem:$0x7A5];
	v53 =	vld [tilespmem:s23+$0x80];
	s25 =	sshll.u32 s22, $0x1  }
0x1cd: {  	s22 =	sand.u32 $0x70, s22;
	s23 =	sand.u32 $0x1FF00, s25;
	[tilespmem:v2+s13+$0x0] =	vst.idx.add.f32.msk $0xffff, v49  }
0x1ce: {  	s22 =	sor.u32 s22, s23;
	[tilespmem:v42+s15+$0x0] =	vst.idx.add.f32.msk $0xffff, v1  }
0x1cf: {  	s28 =	sadd.s32 s21, s26;
	v1 =	vadd.s32 $0x2710, v47;
	v55 =	vld [tilespmem:s22+$0x0]  }
0x1d0: {  	s23 =	sshll.u32 s28, $0x1;
	v3 =	vld.idx.msk [tilespmem:v3+s10+$0x0], $0xffff  }
0x1d1: {  	v56 =	vld [tilespmem:s22+$0x80];
	s22 =	sand.u32 $0x70, s28;
	s23 =	sand.u32 $0x1FF00, s23  }
0x1d2: {  	s22 =	sor.u32 s22, s23;
	v54 =	vld.idx.msk [tilespmem:v51+s10+$0x0], $0xffff  }
0x1d3: {  	v58 =	vld [tilespmem:s22+$0x0]  }
0x1d4: {  	v1 =	vld.idx.msk [tilespmem:v1+s10+$0x0], $0xffff  }
0x1d5: {  	[tilespmem:v45+s15+$0x0] =	vst.idx.add.f32.msk $0xffff, v3  }
0x1d6: {  	v3 =	vld.idx.msk [tilespmem:v50+s10+$0x0], $0xffff;
	_ =	sdelay $0x1  }
0x1d7: {  	v7 =	vadd.s32 $0x4E20, v47  }
0x1d8: {  	[tilespmem:v53+s13+$0x0] =	vst.idx.add.f32.msk $0xffff, v54  }
0x1d9: {  	[tilespmem:v2+s14+$0x0] =	vst.idx.add.f32.msk $0xffff, v1;
	v1 =	vadd.s32 $0x2710, v50  }
0x1da: {  	[tilespmem:v52+s13+$0x0] =	vst.idx.add.f32.msk $0xffff, v3;
	v3 =	vadd.s32 $0x2710, v51  }
0x1db: {  	v57 =	vld.idx.msk [tilespmem:v55+s10+$0x0], $0xffff  }
0x1dc: {  	v7 =	vld.idx.msk [tilespmem:v7+s10+$0x0], $0xffff  }
0x1dd: {  	v59 =	vadd.s32 $0x2710, v55;
	v60 =	vld.idx.msk [tilespmem:v58+s10+$0x0], $0xffff  }
0x1de: {  	v1 =	vld.idx.msk [tilespmem:v1+s10+$0x0], $0xffff  }
0x1df: {  	v3 =	vld.idx.msk [tilespmem:v3+s10+$0x0], $0xffff  }
0x1e0: {  	s29 =	sld [smem:$0x7A6];
	[tilespmem:v56+s13+$0x0] =	vst.idx.add.f32.msk $0xffff, v57  }
0x1e1: {  	[tilespmem:v2+s15+$0x0] =	vst.idx.add.f32.msk $0xffff, v7;
	v2 =	vadd.s32 $0x4E20, v50  }
0x1e2: {  	s31 =	sld [smem:$0x7A7];
	v6 =	vld.idx.msk [tilespmem:v59+s10+$0x0], $0xffff  }
0x1e3: {  	s30 =	sadd.s32 s21, s29;
	[tilespmem:v52+s14+$0x0] =	vst.idx.add.f32.msk $0xffff, v1  }
0x1e4: {  	s23 =	sshll.u32 s30, $0x1;
	[tilespmem:v53+s14+$0x0] =	vst.idx.add.f32.msk $0xffff, v3  }
0x1e5: {  	s25 =	sadd.s32 s21, s31;
	s23 =	sand.u32 $0x1FF00, s23;
	v1 =	vadd.s32 $0x4E20, v51;
	v3 =	vld [tilespmem:s22+$0x80];
	s22 =	sand.u32 $0x70, s30  }
0x1e6: {  	s24 =	sshll.u32 s25, $0x1;
	v2 =	vld.idx.msk [tilespmem:v2+s10+$0x0], $0xffff;
	s22 =	sor.u32 s22, s23  }
0x1e7: {  	s26 =	sld [smem:$0x7A8];
	s24 =	sand.u32 $0x1FF00, s24;
	s23 =	sand.u32 $0x70, s25;
	v61 =	vld [tilespmem:s22+$0x0]  }
0x1e8: {  	s23 =	sor.u32 s23, s24;
	v63 =	vld [tilespmem:s22+$0x80]  }
0x1e9: {  	v62 =	vld [tilespmem:s23+$0x0]  }
0x1ea: {  	s22 =	sadd.s32 s21, s26;
	v1 =	vld.idx.msk [tilespmem:v1+s10+$0x0], $0xffff  }
0x1eb: {  	s28 =	sshll.u32 s22, $0x1;
	[tilespmem:v52+s15+$0x0] =	vst.idx.add.f32.msk $0xffff, v2;
	v2 =	vadd.s32 $0x4E20, v55  }
0x1ec: {  	s29 =	sld [smem:$0x7A9];
	v12 =	vld [tilespmem:s23+$0x80];
	s22 =	sand.u32 $0x70, s22;
	s23 =	sand.u32 $0x1FF00, s28  }
0x1ed: {  	[tilespmem:v56+s14+$0x0] =	vst.idx.add.f32.msk $0xffff, v6;
	s22 =	sor.u32 s22, s23  }
0x1ee: {  	v14 =	vld [tilespmem:s22+$0x0]  }
0x1ef: {  	s30 =	sadd.s32 s21, s29;
	[tilespmem:v53+s15+$0x0] =	vst.idx.add.f32.msk $0xffff, v1;
	v1 =	vadd.s32 $0x2710, v58  }
0x1f0: {  	s23 =	sshll.u32 s30, $0x1;
	v2 =	vld.idx.msk [tilespmem:v2+s10+$0x0], $0xffff  }
0x1f1: {  	v15 =	vld [tilespmem:s22+$0x80];
	s22 =	sand.u32 $0x70, s30;
	s23 =	sand.u32 $0x1FF00, s23  }
0x1f2: {  	s22 =	sor.u32 s22, s23;
	[tilespmem:v3+s13+$0x0] =	vst.idx.add.f32.msk $0xffff, v60  }
0x1f3: {  	v17 =	vld [tilespmem:s22+$0x0]  }
0x1f4: {  	v1 =	vld.idx.msk [tilespmem:v1+s10+$0x0], $0xffff  }
0x1f5: {  	[tilespmem:v56+s15+$0x0] =	vst.idx.add.f32.msk $0xffff, v2  }
0x1f6: {  	v2 =	vld.idx.msk [tilespmem:v61+s10+$0x0], $0xffff  }
0x1f7: {  	v13 =	vld.idx.msk [tilespmem:v62+s10+$0x0], $0xffff  }
0x1f8: {  	v7 =	vadd.s32 $0x4E20, v58  }
0x1f9: {  	v16 =	vld.idx.msk [tilespmem:v14+s10+$0x0], $0xffff  }
0x1fa: {  	[tilespmem:v3+s14+$0x0] =	vst.idx.add.f32.msk $0xffff, v1;
	v1 =	vadd.s32 $0x2710, v61  }
0x1fb: {  	[tilespmem:v63+s13+$0x0] =	vst.idx.add.f32.msk $0xffff, v2;
	v2 =	vadd.s32 $0x2710, v62  }
0x1fc: {  	[tilespmem:v12+s13+$0x0] =	vst.idx.add.f32.msk $0xffff, v13  }
0x1fd: {  	v7 =	vld.idx.msk [tilespmem:v7+s10+$0x0], $0xffff  }
0x1fe: {  	v18 =	vadd.s32 $0x2710, v14;
	v19 =	vld.idx.msk [tilespmem:v17+s10+$0x0], $0xffff  }
0x1ff: {  	v1 =	vld.idx.msk [tilespmem:v1+s10+$0x0], $0xffff  }
0x200: {  	v2 =	vld.idx.msk [tilespmem:v2+s10+$0x0], $0xffff  }
0x201: {  	s31 =	sld [smem:$0x7AA];
	[tilespmem:v15+s13+$0x0] =	vst.idx.add.f32.msk $0xffff, v16  }
0x202: {  	[tilespmem:v3+s15+$0x0] =	vst.idx.add.f32.msk $0xffff, v7;
	v3 =	vadd.s32 $0x4E20, v61  }
0x203: {  	s25 =	sld [smem:$0x7AB];
	v6 =	vld.idx.msk [tilespmem:v18+s10+$0x0], $0xffff  }
0x204: {  	s24 =	sadd.s32 s21, s31;
	[tilespmem:v63+s14+$0x0] =	vst.idx.add.f32.msk $0xffff, v1  }
0x205: {  	s23 =	sshll.u32 s24, $0x1;
	[tilespmem:v12+s14+$0x0] =	vst.idx.add.f32.msk $0xffff, v2  }
0x206: {  	s26 =	sadd.s32 s21, s25;
	s23 =	sand.u32 $0x1FF00, s23;
	v1 =	vadd.s32 $0x4E20, v62;
	v2 =	vld [tilespmem:s22+$0x80];
	s22 =	sand.u32 $0x70, s24  }
0x207: {  	v3 =	vld.idx.msk [tilespmem:v3+s10+$0x0], $0xffff;
	s24 =	sshll.u32 s26, $0x1;
	s22 =	sor.u32 s22, s23  }
0x208: {  	s28 =	sld [smem:$0x7AC];
	s23 =	sand.u32 $0x70, s26;
	s24 =	sand.u32 $0x1FF00, s24;
	v20 =	vld [tilespmem:s22+$0x0]  }
0x209: {  	s23 =	sor.u32 s23, s24;
	v22 =	vld [tilespmem:s22+$0x80]  }
0x20a: {  	v21 =	vld [tilespmem:s23+$0x0]  }
0x20b: {  	s22 =	sadd.s32 s21, s28;
	v1 =	vld.idx.msk [tilespmem:v1+s10+$0x0], $0xffff  }
0x20c: {  	s29 =	sshll.u32 s22, $0x1;
	[tilespmem:v63+s15+$0x0] =	vst.idx.add.f32.msk $0xffff, v3;
	v3 =	vadd.s32 $0x4E20, v14  }
0x20d: {  	s30 =	sld [smem:$0x7AD];
	v23 =	vld [tilespmem:s23+$0x80];
	s22 =	sand.u32 $0x70, s22;
	s23 =	sand.u32 $0x1FF00, s29  }
0x20e: {  	[tilespmem:v15+s14+$0x0] =	vst.idx.add.f32.msk $0xffff, v6;
	s22 =	sor.u32 s22, s23  }
0x20f: {  	v25 =	vld [tilespmem:s22+$0x0]  }
0x210: {  	s31 =	sadd.s32 s21, s30;
	[tilespmem:v12+s15+$0x0] =	vst.idx.add.f32.msk $0xffff, v1;
	v1 =	vadd.s32 $0x2710, v17  }
0x211: {  	s23 =	sshll.u32 s31, $0x1;
	v3 =	vld.idx.msk [tilespmem:v3+s10+$0x0], $0xffff  }
0x212: {  	v26 =	vld [tilespmem:s22+$0x80];
	s22 =	sand.u32 $0x70, s31;
	s23 =	sand.u32 $0x1FF00, s23  }
0x213: {  	s22 =	sor.u32 s22, s23;
	[tilespmem:v2+s13+$0x0] =	vst.idx.add.f32.msk $0xffff, v19  }
0x214: {  	v28 =	vld [tilespmem:s22+$0x0]  }
0x215: {  	v1 =	vld.idx.msk [tilespmem:v1+s10+$0x0], $0xffff  }
0x216: {  	[tilespmem:v15+s15+$0x0] =	vst.idx.add.f32.msk $0xffff, v3  }
0x217: {  	v3 =	vld.idx.msk [tilespmem:v20+s10+$0x0], $0xffff  }
0x218: {  	v24 =	vld.idx.msk [tilespmem:v21+s10+$0x0], $0xffff  }
0x219: {  	v7 =	vadd.s32 $0x4E20, v17  }
0x21a: {  	v27 =	vld.idx.msk [tilespmem:v25+s10+$0x0], $0xffff  }
0x21b: {  	[tilespmem:v2+s14+$0x0] =	vst.idx.add.f32.msk $0xffff, v1;
	v1 =	vadd.s32 $0x2710, v20  }
0x21c: {  	[tilespmem:v22+s13+$0x0] =	vst.idx.add.f32.msk $0xffff, v3;
	v3 =	vadd.s32 $0x2710, v21  }
0x21d: {  	[tilespmem:v23+s13+$0x0] =	vst.idx.add.f32.msk $0xffff, v24  }
0x21e: {  	v7 =	vld.idx.msk [tilespmem:v7+s10+$0x0], $0xffff  }
0x21f: {  	v29 =	vadd.s32 $0x2710, v25;
	v30 =	vld.idx.msk [tilespmem:v28+s10+$0x0], $0xffff  }
0x220: {  	v1 =	vld.idx.msk [tilespmem:v1+s10+$0x0], $0xffff  }
0x221: {  	v3 =	vld.idx.msk [tilespmem:v3+s10+$0x0], $0xffff  }
0x222: {  	s24 =	sld [smem:$0x7AE];
	[tilespmem:v26+s13+$0x0] =	vst.idx.add.f32.msk $0xffff, v27  }
0x223: {  	[tilespmem:v2+s15+$0x0] =	vst.idx.add.f32.msk $0xffff, v7;
	v2 =	vadd.s32 $0x4E20, v20  }
0x224: {  	s26 =	sld [smem:$0x7AF];
	v6 =	vld.idx.msk [tilespmem:v29+s10+$0x0], $0xffff  }
0x225: {  	s25 =	sadd.s32 s21, s24;
	[tilespmem:v22+s14+$0x0] =	vst.idx.add.f32.msk $0xffff, v1  }
0x226: {  	s23 =	sshll.u32 s25, $0x1;
	[tilespmem:v23+s14+$0x0] =	vst.idx.add.f32.msk $0xffff, v3  }
0x227: {  	s28 =	sadd.s32 s21, s26;
	s23 =	sand.u32 $0x1FF00, s23;
	v1 =	vadd.s32 $0x4E20, v21;
	v3 =	vld [tilespmem:s22+$0x80];
	s22 =	sand.u32 $0x70, s25  }
0x228: {  	s24 =	sshll.u32 s28, $0x1;
	v2 =	vld.idx.msk [tilespmem:v2+s10+$0x0], $0xffff;
	s22 =	sor.u32 s22, s23  }
0x229: {  	s29 =	sld [smem:$0x7B0];
	s24 =	sand.u32 $0x1FF00, s24;
	s23 =	sand.u32 $0x70, s28;
	v31 =	vld [tilespmem:s22+$0x0]  }
0x22a: {  	s23 =	sor.u32 s23, s24;
	v33 =	vld [tilespmem:s22+$0x80]  }
0x22b: {  	v32 =	vld [tilespmem:s23+$0x0]  }
0x22c: {  	s22 =	sadd.s32 s21, s29;
	v1 =	vld.idx.msk [tilespmem:v1+s10+$0x0], $0xffff  }
0x22d: {  	s30 =	sshll.u32 s22, $0x1;
	[tilespmem:v22+s15+$0x0] =	vst.idx.add.f32.msk $0xffff, v2;
	v2 =	vadd.s32 $0x4E20, v25  }
0x22e: {  	s31 =	sld [smem:$0x7B1];
	v34 =	vld [tilespmem:s23+$0x80];
	s22 =	sand.u32 $0x70, s22;
	s23 =	sand.u32 $0x1FF00, s30  }
0x22f: {  	[tilespmem:v26+s14+$0x0] =	vst.idx.add.f32.msk $0xffff, v6;
	s22 =	sor.u32 s22, s23  }
0x230: {  	v36 =	vld [tilespmem:s22+$0x0]  }
0x231: {  	s24 =	sadd.s32 s21, s31;
	[tilespmem:v23+s15+$0x0] =	vst.idx.add.f32.msk $0xffff, v1;
	v1 =	vadd.s32 $0x2710, v28  }
0x232: {  	s23 =	sshll.u32 s24, $0x1;
	v2 =	vld.idx.msk [tilespmem:v2+s10+$0x0], $0xffff  }
0x233: {  	v37 =	vld [tilespmem:s22+$0x80];
	s22 =	sand.u32 $0x70, s24;
	s23 =	sand.u32 $0x1FF00, s23  }
0x234: {  	s22 =	sor.u32 s22, s23;
	[tilespmem:v3+s13+$0x0] =	vst.idx.add.f32.msk $0xffff, v30  }
0x235: {  	v39 =	vld [tilespmem:s22+$0x0]  }
0x236: {  	v1 =	vld.idx.msk [tilespmem:v1+s10+$0x0], $0xffff  }
0x237: {  	[tilespmem:v26+s15+$0x0] =	vst.idx.add.f32.msk $0xffff, v2  }
0x238: {  	v2 =	vld.idx.msk [tilespmem:v31+s10+$0x0], $0xffff  }
0x239: {  	v35 =	vld.idx.msk [tilespmem:v32+s10+$0x0], $0xffff  }
0x23a: {  	v7 =	vadd.s32 $0x4E20, v28  }
0x23b: {  	v38 =	vld.idx.msk [tilespmem:v36+s10+$0x0], $0xffff  }
0x23c: {  	[tilespmem:v3+s14+$0x0] =	vst.idx.add.f32.msk $0xffff, v1;
	v1 =	vadd.s32 $0x2710, v31  }
0x23d: {  	[tilespmem:v33+s13+$0x0] =	vst.idx.add.f32.msk $0xffff, v2;
	v2 =	vadd.s32 $0x2710, v32  }
0x23e: {  	[tilespmem:v34+s13+$0x0] =	vst.idx.add.f32.msk $0xffff, v35  }
0x23f: {  	v7 =	vld.idx.msk [tilespmem:v7+s10+$0x0], $0xffff  }
0x240: {  	v40 =	vadd.s32 $0x2710, v36;
	v41 =	vld.idx.msk [tilespmem:v39+s10+$0x0], $0xffff  }
0x241: {  	v1 =	vld.idx.msk [tilespmem:v1+s10+$0x0], $0xffff  }
0x242: {  	v2 =	vld.idx.msk [tilespmem:v2+s10+$0x0], $0xffff  }
0x243: {  	s25 =	sld [smem:$0x7B2];
	[tilespmem:v37+s13+$0x0] =	vst.idx.add.f32.msk $0xffff, v38  }
0x244: {  	[tilespmem:v3+s15+$0x0] =	vst.idx.add.f32.msk $0xffff, v7;
	v3 =	vadd.s32 $0x4E20, v31  }
0x245: {  	s28 =	sld [smem:$0x7B3];
	v6 =	vld.idx.msk [tilespmem:v40+s10+$0x0], $0xffff  }
0x246: {  	s26 =	sadd.s32 s21, s25;
	[tilespmem:v33+s14+$0x0] =	vst.idx.add.f32.msk $0xffff, v1  }
0x247: {  	s23 =	sshll.u32 s26, $0x1;
	[tilespmem:v34+s14+$0x0] =	vst.idx.add.f32.msk $0xffff, v2  }
0x248: {  	s29 =	sadd.s32 s21, s28;
	s23 =	sand.u32 $0x1FF00, s23;
	v1 =	vadd.s32 $0x4E20, v32;
	v2 =	vld [tilespmem:s22+$0x80];
	s22 =	sand.u32 $0x70, s26  }
0x249: {  	s24 =	sshll.u32 s29, $0x1;
	v3 =	vld.idx.msk [tilespmem:v3+s10+$0x0], $0xffff;
	s22 =	sor.u32 s22, s23  }
0x24a: {  	s30 =	sld [smem:$0x7B4];
	s24 =	sand.u32 $0x1FF00, s24;
	s23 =	sand.u32 $0x70, s29;
	v42 =	vld [tilespmem:s22+$0x0]  }
0x24b: {  	s23 =	sor.u32 s23, s24;
	v44 =	vld [tilespmem:s22+$0x80]  }
0x24c: {  	v43 =	vld [tilespmem:s23+$0x0]  }
0x24d: {  	s22 =	sadd.s32 s21, s30;
	v1 =	vld.idx.msk [tilespmem:v1+s10+$0x0], $0xffff  }
0x24e: {  	s31 =	sshll.u32 s22, $0x1;
	[tilespmem:v33+s15+$0x0] =	vst.idx.add.f32.msk $0xffff, v3;
	v3 =	vadd.s32 $0x4E20, v36  }
0x24f: {  	v45 =	vld [tilespmem:s23+$0x80];
	s22 =	sand.u32 $0x70, s22;
	s23 =	sand.u32 $0x1FF00, s31  }
0x250: {  	[tilespmem:v37+s14+$0x0] =	vst.idx.add.f32.msk $0xffff, v6;
	s22 =	sor.u32 s22, s23  }
0x251: {  	v47 =	vld [tilespmem:s22+$0x0]  }
0x252: {  	[tilespmem:v34+s15+$0x0] =	vst.idx.add.f32.msk $0xffff, v1;
	v1 =	vadd.s32 $0x2710, v39  }
0x253: {  	v3 =	vld.idx.msk [tilespmem:v3+s10+$0x0], $0xffff  }
0x254: {  	s24 =	sld [smem:$0x7B5];
	v48 =	vld [tilespmem:s22+$0x80]  }
0x255: {  	[tilespmem:v2+s13+$0x0] =	vst.idx.add.f32.msk $0xffff, v41  }
0x256: {  	v46 =	vld.idx.msk [tilespmem:v43+s10+$0x0], $0xffff  }
0x257: {  	s25 =	sadd.s32 s21, s24;
	v1 =	vld.idx.msk [tilespmem:v1+s10+$0x0], $0xffff  }
0x258: {  	s23 =	sshll.u32 s25, $0x1;
	[tilespmem:v37+s15+$0x0] =	vst.idx.add.f32.msk $0xffff, v3  }
0x259: {  	s22 =	sand.u32 $0x70, s25;
	s23 =	sand.u32 $0x1FF00, s23;
	v3 =	vld.idx.msk [tilespmem:v42+s10+$0x0], $0xffff  }
0x25a: {  	s22 =	sor.u32 s22, s23;
	v49 =	vld.idx.msk [tilespmem:v47+s10+$0x0], $0xffff  }
0x25b: {  	v7 =	vadd.s32 $0x4E20, v39;
	v50 =	vld [tilespmem:s22+$0x0]  }
0x25c: {  	v51 =	vadd.s32 $0x2710, v47;
	[tilespmem:v45+s13+$0x0] =	vst.idx.add.f32.msk $0xffff, v46  }
0x25d: {  	[tilespmem:v2+s14+$0x0] =	vst.idx.add.f32.msk $0xffff, v1;
	v1 =	vadd.s32 $0x2710, v42  }
0x25e: {  	[tilespmem:v44+s13+$0x0] =	vst.idx.add.f32.msk $0xffff, v3;
	v3 =	vadd.s32 $0x2710, v43  }
0x25f: {  	[tilespmem:v48+s13+$0x0] =	vst.idx.add.f32.msk $0xffff, v49  }
0x260: {  	v7 =	vld.idx.msk [tilespmem:v7+s10+$0x0], $0xffff  }
0x261: {  	v6 =	vld.idx.msk [tilespmem:v51+s10+$0x0], $0xffff  }
0x262: {  	v1 =	vld.idx.msk [tilespmem:v1+s10+$0x0], $0xffff  }
0x263: {  	v3 =	vld.idx.msk [tilespmem:v3+s10+$0x0], $0xffff  }
0x264: {  	s26 =	sld [smem:$0x7B6];
	v52 =	vld.idx.msk [tilespmem:v50+s10+$0x0], $0xffff  }
0x265: {  	[tilespmem:v2+s15+$0x0] =	vst.idx.add.f32.msk $0xffff, v7;
	v2 =	vadd.s32 $0x4E20, v42  }
0x266: {  	[tilespmem:v48+s14+$0x0] =	vst.idx.add.f32.msk $0xffff, v6  }
0x267: {  	s29 =	sld [smem:$0x7B7];
	s28 =	sadd.s32 s21, s26;
	[tilespmem:v44+s14+$0x0] =	vst.idx.add.f32.msk $0xffff, v1  }
0x268: {  	s23 =	sshll.u32 s28, $0x1;
	v1 =	vadd.s32 $0x4E20, v43;
	[tilespmem:v45+s14+$0x0] =	vst.idx.add.f32.msk $0xffff, v3  }
0x269: {  	s23 =	sand.u32 $0x1FF00, s23;
	v3 =	vld [tilespmem:s22+$0x80];
	s22 =	sand.u32 $0x70, s28  }
0x26a: {  	s30 =	sadd.s32 s21, s29;
	s31 =	sld [smem:$0x7B8];
	v2 =	vld.idx.msk [tilespmem:v2+s10+$0x0], $0xffff;
	s22 =	sor.u32 s22, s23  }
0x26b: {  	s24 =	sshll.u32 s30, $0x1;
	v53 =	vld [tilespmem:s22+$0x0]  }
0x26c: {  	s24 =	sand.u32 $0x1FF00, s24;
	s23 =	sand.u32 $0x70, s30;
	v55 =	vld [tilespmem:s22+$0x80]  }
0x26d: {  	s23 =	sor.u32 s23, s24;
	s22 =	sadd.s32 s21, s31;
	v1 =	vld.idx.msk [tilespmem:v1+s10+$0x0], $0xffff  }
0x26e: {  	v54 =	vld [tilespmem:s23+$0x0];
	s24 =	sshll.u32 s22, $0x1  }
0x26f: {  	s25 =	sld [smem:$0x7B9];
	v56 =	vld [tilespmem:s23+$0x80];
	s22 =	sand.u32 $0x70, s22;
	s23 =	sand.u32 $0x1FF00, s24  }
0x270: {  	[tilespmem:v44+s15+$0x0] =	vst.idx.add.f32.msk $0xffff, v2;
	v2 =	vadd.s32 $0x4E20, v47;
	s22 =	sor.u32 s22, s23  }
0x271: {  	v58 =	vld [tilespmem:s22+$0x0]  }
0x272: {  	s26 =	sadd.s32 s21, s25;
	[tilespmem:v45+s15+$0x0] =	vst.idx.add.f32.msk $0xffff, v1;
	v1 =	vadd.s32 $0x2710, v50  }
0x273: {  	s23 =	sshll.u32 s26, $0x1;
	v59 =	vld [tilespmem:s22+$0x80]  }
0x274: {  	s22 =	sand.u32 $0x70, s26;
	s23 =	sand.u32 $0x1FF00, s23;
	[tilespmem:v3+s13+$0x0] =	vst.idx.add.f32.msk $0xffff, v52  }
0x275: {  	s22 =	sor.u32 s22, s23;
	v2 =	vld.idx.msk [tilespmem:v2+s10+$0x0], $0xffff  }
0x276: {  	s28 =	sld [smem:$0x7BA];
	v62 =	vld [tilespmem:s22+$0x0]  }
0x277: {  	s29 =	sld [smem:$0x7BB];
	v1 =	vld.idx.msk [tilespmem:v1+s10+$0x0], $0xffff  }
0x278: {  	v63 =	vld [tilespmem:s22+$0x80]  }
0x279: {  	s23 =	sadd.s32 s21, s28;
	v57 =	vld.idx.msk [tilespmem:v54+s10+$0x0], $0xffff  }
0x27a: {  	v7 =	vadd.s32 $0x4E20, v50;
	s30 =	sshll.u32 s23, $0x1;
	s22 =	sadd.s32 s21, s29;
	[tilespmem:v48+s15+$0x0] =	vst.idx.add.f32.msk $0xffff, v2  }
0x27b: {  	s23 =	sand.u32 $0x70, s23;
	s24 =	sand.u32 $0x1FF00, s30;
	s31 =	sshll.u32 s22, $0x1;
	v2 =	vld.idx.msk [tilespmem:v53+s10+$0x0], $0xffff  }
0x27c: {  	s22 =	sand.u32 $0x70, s22;
	s23 =	sor.u32 s23, s24;
	s24 =	sand.u32 $0x1FF00, s31;
	[tilespmem:v3+s14+$0x0] =	vst.idx.add.f32.msk $0xffff, v1;
	v1 =	vadd.s32 $0x2710, v53  }
0x27d: {  	v12 =	vld [tilespmem:s23+$0x0];
	s22 =	sor.u32 s22, s24  }
0x27e: {  	v13 =	vld [tilespmem:s22+$0x0]  }
0x27f: {  	v7 =	vld.idx.msk [tilespmem:v7+s10+$0x0], $0xffff  }
0x280: {  	[tilespmem:v55+s13+$0x0] =	vst.idx.add.f32.msk $0xffff, v2;
	v2 =	vadd.s32 $0x2710, v54  }
0x281: {  	v1 =	vld.idx.msk [tilespmem:v1+s10+$0x0], $0xffff  }
0x282: {  	v60 =	vld.idx.msk [tilespmem:v58+s10+$0x0], $0xffff  }
0x283: {  	[tilespmem:v56+s13+$0x0] =	vst.idx.add.f32.msk $0xffff, v57  }
0x284: {  	[tilespmem:v3+s15+$0x0] =	vst.idx.add.f32.msk $0xffff, v7;
	v3 =	vadd.s32 $0x4E20, v53  }
0x285: {  	v2 =	vld.idx.msk [tilespmem:v2+s10+$0x0], $0xffff  }
0x286: {  	[tilespmem:v55+s14+$0x0] =	vst.idx.add.f32.msk $0xffff, v1;
	v1 =	vadd.s32 $0x4E20, v54  }
0x287: {  	v14 =	vld [tilespmem:s22+$0x80]  }
0x288: {  	v61 =	vadd.s32 $0x2710, v58;
	[tilespmem:v59+s13+$0x0] =	vst.idx.add.f32.msk $0xffff, v60  }
0x289: {  	v3 =	vld.idx.msk [tilespmem:v3+s10+$0x0], $0xffff  }
0x28a: {  	[tilespmem:v56+s14+$0x0] =	vst.idx.add.f32.msk $0xffff, v2  }
0x28b: {  	v1 =	vld.idx.msk [tilespmem:v1+s10+$0x0], $0xffff  }
0x28c: {  	v15 =	vld.idx.msk [tilespmem:v12+s10+$0x0], $0xffff  }
0x28d: {  	v2 =	vld.idx.msk [tilespmem:v61+s10+$0x0], $0xffff  }
0x28e: {  	v16 =	vld.idx.msk [tilespmem:v13+s10+$0x0], $0xffff  }
0x28f: {  	v17 =	vadd.s32 $0x2710, v13;
	[tilespmem:v55+s15+$0x0] =	vst.idx.add.f32.msk $0xffff, v3  }
0x290: {  	v3 =	vadd.s32 $0x4E20, v58;
	[tilespmem:v56+s15+$0x0] =	vst.idx.add.f32.msk $0xffff, v1  }
0x291: {  	v1 =	vld.idx.msk [tilespmem:v62+s10+$0x0], $0xffff  }
0x292: {  	[tilespmem:v59+s14+$0x0] =	vst.idx.add.f32.msk $0xffff, v2;
	v2 =	vadd.s32 $0x2710, v62  }
0x293: {  	[tilespmem:v14+s13+$0x0] =	vst.idx.add.f32.msk $0xffff, v16  }
0x294: {  	s25 =	sld [smem:$0x7BC];
	v19 =	vld.idx.msk [tilespmem:v17+s10+$0x0], $0xffff  }
0x295: {  	v3 =	vld.idx.msk [tilespmem:v3+s10+$0x0], $0xffff  }
0x296: {  	[tilespmem:v63+s13+$0x0] =	vst.idx.add.f32.msk $0xffff, v1  }
0x297: {  	s26 =	sadd.s32 s21, s25;
	s28 =	sld [smem:$0x7BD];
	v1 =	vld.idx.msk [tilespmem:v2+s10+$0x0], $0xffff  }
0x298: {  	v2 =	vld [tilespmem:s23+$0x80];
	s23 =	sshll.u32 s26, $0x1  }
0x299: {  	s22 =	sand.u32 $0x70, s26;
	[tilespmem:v14+s14+$0x0] =	vst.idx.add.f32.msk $0xffff, v19;
	s23 =	sand.u32 $0x1FF00, s23  }
0x29a: {  	s30 =	sld [smem:$0x7BE];
	s29 =	sadd.s32 s21, s28;
	[tilespmem:v59+s15+$0x0] =	vst.idx.add.f32.msk $0xffff, v3;
	s22 =	sor.u32 s22, s23  }
0x29b: {  	v3 =	vadd.s32 $0x4E20, v62;
	s23 =	sshll.u32 s29, $0x1;
	v18 =	vld [tilespmem:s22+$0x0]  }
0x29c: {  	v20 =	vld [tilespmem:s22+$0x80];
	s22 =	sand.u32 $0x70, s29;
	s23 =	sand.u32 $0x1FF00, s23  }
0x29d: {  	s31 =	sadd.s32 s21, s30;
	s22 =	sor.u32 s22, s23;
	[tilespmem:v63+s14+$0x0] =	vst.idx.add.f32.msk $0xffff, v1  }
0x29e: {  	s25 =	sld [smem:$0x7BF];
	s24 =	sshll.u32 s31, $0x1;
	v22 =	vld [tilespmem:s22+$0x0]  }
0x29f: {  	s24 =	sand.u32 $0x1FF00, s24;
	s23 =	sand.u32 $0x70, s31;
	v1 =	vadd.s32 $0x2710, v12;
	v24 =	vld [tilespmem:s22+$0x80]  }
0x2a0: {  	s23 =	sor.u32 s23, s24;
	v3 =	vld.idx.msk [tilespmem:v3+s10+$0x0], $0xffff  }
0x2a1: {  	s22 =	sadd.s32 s21, s25;
	v23 =	vld [tilespmem:s23+$0x0]  }
0x2a2: {  	v25 =	vld [tilespmem:s23+$0x80];
	s26 =	sshll.u32 s22, $0x1  }
0x2a3: {  	s28 =	sld [smem:$0x7C0];
	s22 =	sand.u32 $0x70, s22;
	s23 =	sand.u32 $0x1FF00, s26;
	[tilespmem:v2+s13+$0x0] =	vst.idx.add.f32.msk $0xffff, v15  }
0x2a4: {  	s22 =	sor.u32 s22, s23;
	v1 =	vld.idx.msk [tilespmem:v1+s10+$0x0], $0xffff  }
0x2a5: {  	s29 =	sld [smem:$0x7C1];
	v27 =	vld [tilespmem:s22+$0x0]  }
0x2a6: {  	s30 =	sadd.s32 s21, s28;
	v28 =	vld [tilespmem:s22+$0x80]  }
0x2a7: {  	s23 =	sshll.u32 s30, $0x1;
	[tilespmem:v63+s15+$0x0] =	vst.idx.add.f32.msk $0xffff, v3  }
0x2a8: {  	v5 =	vadd.s32 $0x4E20, v12;
	s24 =	sadd.s32 s21, s29;
	s22 =	sand.u32 $0x70, s30;
	s23 =	sand.u32 $0x1FF00, s23;
	v3 =	vld.idx.msk [tilespmem:v18+s10+$0x0], $0xffff  }
0x2a9: {  	s31 =	sshll.u32 s24, $0x1;
	s22 =	sor.u32 s22, s23;
	[tilespmem:v2+s14+$0x0] =	vst.idx.add.f32.msk $0xffff, v1;
	v1 =	vadd.s32 $0x4E20, v13  }
0x2aa: {  	s24 =	sand.u32 $0x70, s24;
	s23 =	sand.u32 $0x1FF00, s31;
	v30 =	vld [tilespmem:s22+$0x0]  }
0x2ab: {  	v21 =	vadd.s32 $0x2710, v18;
	s23 =	sor.u32 s24, s23;
	v32 =	vld [tilespmem:s22+$0x80]  }
0x2ac: {  	v31 =	vld [tilespmem:s23+$0x0]  }
0x2ad: {  	v5 =	vld.idx.msk [tilespmem:v5+s10+$0x0], $0xffff  }
0x2ae: {  	v1 =	vld.idx.msk [tilespmem:v1+s10+$0x0], $0xffff  }
0x2af: {  	[tilespmem:v20+s13+$0x0] =	vst.idx.add.f32.msk $0xffff, v3  }
0x2b0: {  	v3 =	vld.idx.msk [tilespmem:v21+s10+$0x0], $0xffff  }
0x2b1: {  	v33 =	vld [tilespmem:s23+$0x80]  }
0x2b2: {  	[tilespmem:v2+s15+$0x0] =	vst.idx.add.f32.msk $0xffff, v5;
	v2 =	vadd.s32 $0x4E20, v18  }
0x2b3: {  	[tilespmem:v14+s15+$0x0] =	vst.idx.add.f32.msk $0xffff, v1  }
0x2b4: {  	v1 =	vld.idx.msk [tilespmem:v22+s10+$0x0], $0xffff  }
0x2b5: {  	[tilespmem:v20+s14+$0x0] =	vst.idx.add.f32.msk $0xffff, v3;
	v3 =	vadd.s32 $0x2710, v22  }
0x2b6: {  	v26 =	vld.idx.msk [tilespmem:v23+s10+$0x0], $0xffff  }
0x2b7: {  	v2 =	vld.idx.msk [tilespmem:v2+s10+$0x0], $0xffff  }
0x2b8: {  	v29 =	vld.idx.msk [tilespmem:v27+s10+$0x0], $0xffff  }
0x2b9: {  	s23 =	sld [smem:$0x7C2];
	[tilespmem:v24+s13+$0x0] =	vst.idx.add.f32.msk $0xffff, v1;
	v1 =	vadd.s32 $0x2710, v23  }
0x2ba: {  	v3 =	vld.idx.msk [tilespmem:v3+s10+$0x0], $0xffff  }
0x2bb: {  	[tilespmem:v25+s13+$0x0] =	vst.idx.add.f32.msk $0xffff, v26  }
0x2bc: {  	s22 =	sadd.s32 s21, s23;
	[tilespmem:v20+s15+$0x0] =	vst.idx.add.f32.msk $0xffff, v2;
	v2 =	vadd.s32 $0x4E20, v22  }
0x2bd: {  	s24 =	sshll.u32 s22, $0x1;
	v12 =	vld.idx.msk [tilespmem:v30+s10+$0x0], $0xffff  }
0x2be: {  	s22 =	sand.u32 $0x70, s22;
	s23 =	sand.u32 $0x1FF00, s24;
	v1 =	vld.idx.msk [tilespmem:v1+s10+$0x0], $0xffff  }
0x2bf: {  	s22 =	sor.u32 s22, s23;
	[tilespmem:v24+s14+$0x0] =	vst.idx.add.f32.msk $0xffff, v3;
	v3 =	vadd.s32 $0x4E20, v23  }
0x2c0: {  	v37 =	vld [tilespmem:s22+$0x0]  }
0x2c1: {  	v2 =	vld.idx.msk [tilespmem:v2+s10+$0x0], $0xffff  }
0x2c2: {  	v39 =	vld [tilespmem:s22+$0x80]  }
0x2c3: {  	[tilespmem:v25+s14+$0x0] =	vst.idx.add.f32.msk $0xffff, v1;
	v1 =	vadd.s32 $0x2710, v27  }
0x2c4: {  	v3 =	vld.idx.msk [tilespmem:v3+s10+$0x0], $0xffff  }
0x2c5: {  	v34 =	vld.idx.msk [tilespmem:v31+s10+$0x0], $0xffff  }
0x2c6: {  	[tilespmem:v24+s15+$0x0] =	vst.idx.add.f32.msk $0xffff, v2;
	v2 =	vadd.s32 $0x2710, v30  }
0x2c7: {  	[tilespmem:v28+s13+$0x0] =	vst.idx.add.f32.msk $0xffff, v29  }
0x2c8: {  	s25 =	sld [smem:$0x7C3];
	v1 =	vld.idx.msk [tilespmem:v1+s10+$0x0], $0xffff  }
0x2c9: {  	[tilespmem:v25+s15+$0x0] =	vst.idx.add.f32.msk $0xffff, v3;
	v3 =	vadd.s32 $0x2710, v31  }
0x2ca: {  	[tilespmem:v32+s13+$0x0] =	vst.idx.add.f32.msk $0xffff, v12  }
0x2cb: {  	s26 =	sadd.s32 s21, s25;
	v2 =	vld.idx.msk [tilespmem:v2+s10+$0x0], $0xffff  }
0x2cc: {  	v35 =	vadd.s32 $0x4E20, v30;
	s24 =	sshll.u32 s26, $0x1;
	[tilespmem:v33+s13+$0x0] =	vst.idx.add.f32.msk $0xffff, v34  }
0x2cd: {  	s23 =	sand.u32 $0x70, s26;
	s24 =	sand.u32 $0x1FF00, s24;
	[tilespmem:v28+s14+$0x0] =	vst.idx.add.f32.msk $0xffff, v1;
	v1 =	vadd.s32 $0x4E20, v27  }
0x2ce: {  	s23 =	sor.u32 s23, s24;
	v3 =	vld.idx.msk [tilespmem:v3+s10+$0x0], $0xffff  }
0x2cf: {  	v40 =	vld [tilespmem:s23+$0x80]  }
0x2d0: {  	v36 =	vadd.s32 $0x4E20, v31;
	[tilespmem:v32+s14+$0x0] =	vst.idx.add.f32.msk $0xffff, v2  }
0x2d1: {  	v2 =	vld.idx.msk [tilespmem:v35+s10+$0x0], $0xffff  }
0x2d2: {  	s28 =	sld [smem:$0x7C4];
	v1 =	vld.idx.msk [tilespmem:v1+s10+$0x0], $0xffff  }
0x2d3: {  	[tilespmem:v33+s14+$0x0] =	vst.idx.add.f32.msk $0xffff, v3  }
0x2d4: {  	s29 =	sld [smem:$0x7C5];
	v3 =	vld [tilespmem:s23+$0x0]  }
0x2d5: {  	s22 =	sadd.s32 s21, s28;
	v38 =	vld.idx.msk [tilespmem:v36+s10+$0x0], $0xffff  }
0x2d6: {  	s30 =	sshll.u32 s22, $0x1;
	[tilespmem:v32+s15+$0x0] =	vst.idx.add.f32.msk $0xffff, v2  }
0x2d7: {  	s24 =	sadd.s32 s21, s29;
	s22 =	sand.u32 $0x70, s22;
	s23 =	sand.u32 $0x1FF00, s30;
	[tilespmem:v28+s15+$0x0] =	vst.idx.add.f32.msk $0xffff, v1  }
0x2d8: {  	s31 =	sshll.u32 s24, $0x1;
	s22 =	sor.u32 s22, s23;
	v1 =	vld.idx.msk [tilespmem:v37+s10+$0x0], $0xffff  }
0x2d9: {  	s24 =	sand.u32 $0x70, s24;
	s23 =	sand.u32 $0x1FF00, s31;
	v42 =	vld [tilespmem:s22+$0x0]  }
0x2da: {  	s23 =	sor.u32 s24, s23;
	v44 =	vld [tilespmem:s22+$0x80]  }
0x2db: {  	v2 =	vadd.s32 $0x2710, v37;
	v43 =	vld [tilespmem:s23+$0x0]  }
0x2dc: {  	s25 =	sld [smem:$0x7C6];
	v41 =	vld.idx.msk [tilespmem:v3+s10+$0x0], $0xffff  }
0x2dd: {  	[tilespmem:v39+s13+$0x0] =	vst.idx.add.f32.msk $0xffff, v1;
	v1 =	vadd.s32 $0x2710, v3  }
0x2de: {  	v45 =	vld [tilespmem:s23+$0x80]  }
0x2df: {  	s22 =	sadd.s32 s21, s25;
	[tilespmem:v33+s15+$0x0] =	vst.idx.add.f32.msk $0xffff, v38  }
0x2e0: {  	s26 =	sshll.u32 s22, $0x1;
	v2 =	vld.idx.msk [tilespmem:v2+s10+$0x0], $0xffff  }
0x2e1: {  	s22 =	sand.u32 $0x70, s22;
	s23 =	sand.u32 $0x1FF00, s26;
	[tilespmem:v40+s13+$0x0] =	vst.idx.add.f32.msk $0xffff, v41  }
0x2e2: {  	s22 =	sor.u32 s22, s23;
	v1 =	vld.idx.msk [tilespmem:v1+s10+$0x0], $0xffff  }
0x2e3: {  	v48 =	vld [tilespmem:s22+$0x0]  }
0x2e4: {  	v46 =	vld.idx.msk [tilespmem:v42+s10+$0x0], $0xffff  }
0x2e5: {  	[tilespmem:v39+s14+$0x0] =	vst.idx.add.f32.msk $0xffff, v2;
	v2 =	vadd.s32 $0x2710, v42  }
0x2e6: {  	v47 =	vld.idx.msk [tilespmem:v43+s10+$0x0], $0xffff  }
0x2e7: {  	[tilespmem:v40+s14+$0x0] =	vst.idx.add.f32.msk $0xffff, v1;
	v1 =	vadd.s32 $0x2710, v43  }
0x2e8: {  	v8 =	vadd.s32 $0x4E20, v37;
	v49 =	vld [tilespmem:s22+$0x80]  }
0x2e9: {  	v3 =	vadd.s32 $0x4E20, v3;
	[tilespmem:v44+s13+$0x0] =	vst.idx.add.f32.msk $0xffff, v46  }
0x2ea: {  	v2 =	vld.idx.msk [tilespmem:v2+s10+$0x0], $0xffff  }
0x2eb: {  	v6 =	vadd.s32 $0x4E20, v42;
	[tilespmem:v45+s13+$0x0] =	vst.idx.add.f32.msk $0xffff, v47  }
0x2ec: {  	v1 =	vld.idx.msk [tilespmem:v1+s10+$0x0], $0xffff  }
0x2ed: {  	v9 =	vadd.s32 $0x4E20, v43;
	v8 =	vld.idx.msk [tilespmem:v8+s10+$0x0], $0xffff  }
0x2ee: {  	v3 =	vld.idx.msk [tilespmem:v3+s10+$0x0], $0xffff  }
0x2ef: {  	[tilespmem:v44+s14+$0x0] =	vst.idx.add.f32.msk $0xffff, v2  }
0x2f0: {  	v2 =	vld.idx.msk [tilespmem:v6+s10+$0x0], $0xffff  }
0x2f1: {  	[tilespmem:v45+s14+$0x0] =	vst.idx.add.f32.msk $0xffff, v1  }
0x2f2: {  	v1 =	vld.idx.msk [tilespmem:v9+s10+$0x0], $0xffff  }
0x2f3: {  	v50 =	vld.idx.msk [tilespmem:v48+s10+$0x0], $0xffff  }
0x2f4: {  	[tilespmem:v39+s15+$0x0] =	vst.idx.add.f32.msk $0xffff, v8  }
0x2f5: {  	[tilespmem:v40+s15+$0x0] =	vst.idx.add.f32.msk $0xffff, v3  }
0x2f6: {  	[tilespmem:v44+s15+$0x0] =	vst.idx.add.f32.msk $0xffff, v2  }
0x2f7: {  	[tilespmem:v45+s15+$0x0] =	vst.idx.add.f32.msk $0xffff, v1  }
0x2f8: {  	[tilespmem:v49+s13+$0x0] =	vst.idx.add.f32.msk $0xffff, v50  }
0x2f9: {  	s28 =	sld [smem:$0x7C7];
	_ =	sdelay $0x2  }
0x2fa: {  	s30 =	sld [smem:$0x7C8];
	s22 =	sadd.s32 s21, s28  }
0x2fb: {  	s29 =	sshll.u32 s22, $0x1  }
0x2fc: {  	s22 =	sand.u32 $0x70, s22;
	s23 =	sand.u32 $0x1FF00, s29  }
0x2fd: {  	v3 =	vadd.s32 $0x2710, v48;
	s31 =	sadd.s32 s21, s30;
	s22 =	sor.u32 s22, s23  }
0x2fe: {  	s23 =	sshll.u32 s31, $0x1;
	v1 =	vld [tilespmem:s22+$0x0]  }
0x2ff: {  	v2 =	vld [tilespmem:s22+$0x80];
	s22 =	sand.u32 $0x70, s31;
	s23 =	sand.u32 $0x1FF00, s23  }
0x300: {  	s22 =	sor.u32 s22, s23  }
0x301: {  	v52 =	vld [tilespmem:s22+$0x0]  }
0x302: {  	v3 =	vld.idx.msk [tilespmem:v3+s10+$0x0], $0xffff  }
0x303: {  	v54 =	vadd.s32 $0x4E20, v48;
	s24 =	sld [smem:$0x7C9];
	_ =	sdelay $0x1  }
0x304: {  	v55 =	vld [tilespmem:s22+$0x80]  }
0x305: {  	s25 =	sadd.s32 s21, s24;
	v51 =	vld.idx.msk [tilespmem:v1+s10+$0x0], $0xffff  }
0x306: {  	[tilespmem:v49+s14+$0x0] =	vst.idx.add.f32.msk $0xffff, v3;
	s23 =	sshll.u32 s25, $0x1;
	v53 =	vadd.s32 $0x2710, v1  }
0x307: {  	v4 =	vld.idx.msk [tilespmem:v54+s10+$0x0], $0xffff;
	s22 =	sand.u32 $0x70, s25;
	s23 =	sand.u32 $0x1FF00, s23  }
0x308: {  	s22 =	sor.u32 s22, s23;
	v3 =	vld.idx.msk [tilespmem:v52+s10+$0x0], $0xffff  }
0x309: {  	v9 =	vld [tilespmem:s22+$0x0]  }
0x30a: {  	v56 =	vadd.s32 $0x2710, v52;
	[tilespmem:v2+s13+$0x0] =	vst.idx.add.f32.msk $0xffff, v51  }
0x30b: {  	v7 =	vld.idx.msk [tilespmem:v53+s10+$0x0], $0xffff  }
0x30c: {  	s26 =	sld [smem:$0x7CA];
	[tilespmem:v49+s15+$0x0] =	vst.idx.add.f32.msk $0xffff, v4;
	v1 =	vadd.s32 $0x4E20, v1  }
0x30d: {  	s29 =	sld [smem:$0x7CB];
	[tilespmem:v55+s13+$0x0] =	vst.idx.add.f32.msk $0xffff, v3  }
0x30e: {  	v3 =	vld [tilespmem:s22+$0x80]  }
0x30f: {  	s28 =	sadd.s32 s21, s26;
	v57 =	vld.idx.msk [tilespmem:v56+s10+$0x0], $0xffff  }
0x310: {  	s30 =	sadd.s32 s21, s29;
	s23 =	sshll.u32 s28, $0x1;
	[tilespmem:v2+s14+$0x0] =	vst.idx.add.f32.msk $0xffff, v7  }
0x311: {  	s24 =	sshll.u32 s30, $0x1;
	s23 =	sand.u32 $0x1FF00, s23;
	s22 =	sand.u32 $0x70, s28;
	v1 =	vld.idx.msk [tilespmem:v1+s10+$0x0], $0xffff  }
0x312: {  	s24 =	sand.u32 $0x1FF00, s24;
	v59 =	vld.idx.msk [tilespmem:v9+s10+$0x0], $0xffff;
	s22 =	sor.u32 s22, s23;
	s23 =	sand.u32 $0x70, s30  }
0x313: {  	v58 =	vadd.s32 $0x4E20, v52;
	s23 =	sor.u32 s23, s24;
	v62 =	vld [tilespmem:s22+$0x80]  }
0x314: {  	v60 =	vld [tilespmem:s23+$0x0]  }
0x315: {  	[tilespmem:v55+s14+$0x0] =	vst.idx.add.f32.msk $0xffff, v57  }
0x316: {  	[tilespmem:v2+s15+$0x0] =	vst.idx.add.f32.msk $0xffff, v1;
	v1 =	vadd.s32 $0x2710, v9  }
0x317: {  	s31 =	sld [smem:$0x7CC];
	v2 =	vld [tilespmem:s22+$0x0]  }
0x318: {  	v4 =	vld.idx.msk [tilespmem:v58+s10+$0x0], $0xffff  }
0x319: {  	v12 =	vld [tilespmem:s23+$0x80]  }
0x31a: {  	[tilespmem:v3+s13+$0x0] =	vst.idx.add.f32.msk $0xffff, v59;
	s22 =	sadd.s32 s21, s31  }
0x31b: {  	s24 =	sshll.u32 s22, $0x1;
	v1 =	vld.idx.msk [tilespmem:v1+s10+$0x0], $0xffff  }
0x31c: {  	v61 =	vadd.s32 $0x4E20, v9;
	s22 =	sand.u32 $0x70, s22;
	v13 =	vld.idx.msk [tilespmem:v60+s10+$0x0], $0xffff;
	s23 =	sand.u32 $0x1FF00, s24  }
0x31d: {  	[tilespmem:v55+s15+$0x0] =	vst.idx.add.f32.msk $0xffff, v4;
	s22 =	sor.u32 s22, s23  }
0x31e: {  	v15 =	vadd.s32 $0x2710, v60;
	v14 =	vld [tilespmem:s22+$0x0]  }
0x31f: {  	v63 =	vld.idx.msk [tilespmem:v2+s10+$0x0], $0xffff  }
0x320: {  	[tilespmem:v3+s14+$0x0] =	vst.idx.add.f32.msk $0xffff, v1;
	v1 =	vadd.s32 $0x2710, v2  }
0x321: {  	v6 =	vld.idx.msk [tilespmem:v61+s10+$0x0], $0xffff  }
0x322: {  	s25 =	sld [smem:$0x7CD];
	[tilespmem:v12+s13+$0x0] =	vst.idx.add.f32.msk $0xffff, v13  }
0x323: {  	v4 =	vld.idx.msk [tilespmem:v15+s10+$0x0], $0xffff  }
0x324: {  	[tilespmem:v62+s13+$0x0] =	vst.idx.add.f32.msk $0xffff, v63  }
0x325: {  	s26 =	sadd.s32 s21, s25;
	v1 =	vld.idx.msk [tilespmem:v1+s10+$0x0], $0xffff  }
0x326: {  	s28 =	sld [smem:$0x7CE];
	s23 =	sshll.u32 s26, $0x1;
	[tilespmem:v3+s15+$0x0] =	vst.idx.add.f32.msk $0xffff, v6  }
0x327: {  	s30 =	sld [smem:$0x7CF];
	s23 =	sand.u32 $0x1FF00, s23;
	v3 =	vld [tilespmem:s22+$0x80];
	s22 =	sand.u32 $0x70, s26  }
0x328: {  	v2 =	vadd.s32 $0x4E20, v2;
	v16 =	vld.idx.msk [tilespmem:v14+s10+$0x0], $0xffff;
	s22 =	sor.u32 s22, s23  }
0x329: {  	s29 =	sadd.s32 s21, s28;
	v17 =	vld [tilespmem:s22+$0x0]  }
0x32a: {  	s31 =	sadd.s32 s21, s30;
	s23 =	sshll.u32 s29, $0x1;
	v19 =	vld [tilespmem:s22+$0x80]  }
0x32b: {  	s24 =	sshll.u32 s31, $0x1;
	s22 =	sand.u32 $0x70, s29;
	s23 =	sand.u32 $0x1FF00, s23;
	[tilespmem:v62+s14+$0x0] =	vst.idx.add.f32.msk $0xffff, v1;
	v1 =	vadd.s32 $0x4E20, v60  }
0x32c: {  	s24 =	sand.u32 $0x1FF00, s24;
	v18 =	vadd.s32 $0x2710, v14;
	[tilespmem:v12+s14+$0x0] =	vst.idx.add.f32.msk $0xffff, v4;
	s22 =	sor.u32 s22, s23;
	s23 =	sand.u32 $0x70, s31  }
0x32d: {  	s23 =	sor.u32 s23, s24;
	v2 =	vld.idx.msk [tilespmem:v2+s10+$0x0], $0xffff  }
0x32e: {  	v22 =	vld [tilespmem:s23+$0x0]  }
0x32f: {  	[tilespmem:v3+s13+$0x0] =	vst.idx.add.f32.msk $0xffff, v16  }
0x330: {  	v1 =	vld.idx.msk [tilespmem:v1+s10+$0x0], $0xffff  }
0x331: {  	v5 =	vld.idx.msk [tilespmem:v18+s10+$0x0], $0xffff  }
0x332: {  	[tilespmem:v62+s15+$0x0] =	vst.idx.add.f32.msk $0xffff, v2;
	v2 =	vadd.s32 $0x4E20, v14  }
0x333: {  	v21 =	vld [tilespmem:s22+$0x0]  }
0x334: {  	v20 =	vld.idx.msk [tilespmem:v17+s10+$0x0], $0xffff  }
0x335: {  	[tilespmem:v12+s15+$0x0] =	vst.idx.add.f32.msk $0xffff, v1  }
0x336: {  	v1 =	vadd.s32 $0x2710, v17;
	[tilespmem:v3+s14+$0x0] =	vst.idx.add.f32.msk $0xffff, v5  }
0x337: {  	v2 =	vld.idx.msk [tilespmem:v2+s10+$0x0], $0xffff  }
0x338: {  	v23 =	vld [tilespmem:s22+$0x80];
	s24 =	sld [smem:$0x7D0]  }
0x339: {  	v24 =	vld.idx.msk [tilespmem:v22+s10+$0x0], $0xffff  }
0x33a: {  	[tilespmem:v19+s13+$0x0] =	vst.idx.add.f32.msk $0xffff, v20  }
0x33b: {  	s26 =	sld [smem:$0x7D1];
	s22 =	sadd.s32 s21, s24;
	v1 =	vld.idx.msk [tilespmem:v1+s10+$0x0], $0xffff  }
0x33c: {  	s25 =	sshll.u32 s22, $0x1;
	[tilespmem:v3+s15+$0x0] =	vst.idx.add.f32.msk $0xffff, v2  }
0x33d: {  	s22 =	sand.u32 $0x70, s22;
	v3 =	vld [tilespmem:s23+$0x80];
	s23 =	sand.u32 $0x1FF00, s25  }
0x33e: {  	s28 =	sadd.s32 s21, s26;
	v2 =	vld.idx.msk [tilespmem:v21+s10+$0x0], $0xffff;
	s22 =	sor.u32 s22, s23  }
0x33f: {  	s23 =	sshll.u32 s28, $0x1;
	v25 =	vld [tilespmem:s22+$0x0]  }
0x340: {  	v6 =	vadd.s32 $0x4E20, v17;
	v27 =	vld [tilespmem:s22+$0x80];
	s22 =	sand.u32 $0x70, s28;
	s23 =	sand.u32 $0x1FF00, s23  }
0x341: {  	s22 =	sor.u32 s22, s23;
	[tilespmem:v19+s14+$0x0] =	vst.idx.add.f32.msk $0xffff, v1;
	v1 =	vadd.s32 $0x2710, v21  }
0x342: {  	v29 =	vld [tilespmem:s22+$0x0]  }
0x343: {  	[tilespmem:v23+s13+$0x0] =	vst.idx.add.f32.msk $0xffff, v2;
	v2 =	vadd.s32 $0x2710, v22;
	_ =	sdelay $0x1  }
0x344: {  	v6 =	vld.idx.msk [tilespmem:v6+s10+$0x0], $0xffff  }
0x345: {  	v1 =	vld.idx.msk [tilespmem:v1+s10+$0x0], $0xffff  }
0x346: {  	v26 =	vadd.s32 $0x4E20, v21;
	[tilespmem:v3+s13+$0x0] =	vst.idx.add.f32.msk $0xffff, v24  }
0x347: {  	v2 =	vld.idx.msk [tilespmem:v2+s10+$0x0], $0xffff  }
0x348: {  	v28 =	vld.idx.msk [tilespmem:v25+s10+$0x0], $0xffff  }
0x349: {  	v32 =	vld.idx.msk [tilespmem:v29+s10+$0x0], $0xffff  }
0x34a: {  	s29 =	sld [smem:$0x7D2];
	v30 =	vadd.s32 $0x2710, v25;
	[tilespmem:v23+s14+$0x0] =	vst.idx.add.f32.msk $0xffff, v1  }
0x34b: {  	s31 =	sld [smem:$0x7D3];
	v1 =	vadd.s32 $0x4E20, v22;
	v4 =	vld.idx.msk [tilespmem:v26+s10+$0x0], $0xffff  }
0x34c: {  	[tilespmem:v3+s14+$0x0] =	vst.idx.add.f32.msk $0xffff, v2  }
0x34d: {  	s30 =	sadd.s32 s21, s29;
	[tilespmem:v27+s13+$0x0] =	vst.idx.add.f32.msk $0xffff, v28  }
0x34e: {  	s25 =	sadd.s32 s21, s31;
	s23 =	sshll.u32 s30, $0x1;
	v2 =	vld [tilespmem:s22+$0x80]  }
0x34f: {  	s24 =	sshll.u32 s25, $0x1;
	s23 =	sand.u32 $0x1FF00, s23;
	s22 =	sand.u32 $0x70, s30;
	v5 =	vld.idx.msk [tilespmem:v30+s10+$0x0], $0xffff  }
0x350: {  	s24 =	sand.u32 $0x1FF00, s24;
	s22 =	sor.u32 s22, s23;
	s23 =	sand.u32 $0x70, s25;
	v1 =	vld.idx.msk [tilespmem:v1+s10+$0x0], $0xffff  }
0x351: {  	s23 =	sor.u32 s23, s24;
	v35 =	vld [tilespmem:s22+$0x80]  }
0x352: {  	v31 =	vadd.s32 $0x4E20, v25;
	v33 =	vld [tilespmem:s23+$0x0]  }
0x353: {  	[tilespmem:v23+s15+$0x0] =	vst.idx.add.f32.msk $0xffff, v4  }
0x354: {  	[tilespmem:v27+s14+$0x0] =	vst.idx.add.f32.msk $0xffff, v5  }
0x355: {  	[tilespmem:v3+s15+$0x0] =	vst.idx.add.f32.msk $0xffff, v1;
	v1 =	vadd.s32 $0x2710, v29  }
0x356: {  	s26 =	sld [smem:$0x7D4];
	v3 =	vld [tilespmem:s22+$0x0]  }
0x357: {  	v4 =	vld.idx.msk [tilespmem:v31+s10+$0x0], $0xffff  }
0x358: {  	v37 =	vld [tilespmem:s23+$0x80]  }
0x359: {  	[tilespmem:v2+s13+$0x0] =	vst.idx.add.f32.msk $0xffff, v32;
	s22 =	sadd.s32 s21, s26  }
0x35a: {  	s28 =	sshll.u32 s22, $0x1;
	v1 =	vld.idx.msk [tilespmem:v1+s10+$0x0], $0xffff  }
0x35b: {  	v34 =	vadd.s32 $0x4E20, v29;
	s22 =	sand.u32 $0x70, s22;
	s23 =	sand.u32 $0x1FF00, s28;
	v38 =	vld.idx.msk [tilespmem:v33+s10+$0x0], $0xffff  }
0x35c: {  	[tilespmem:v27+s15+$0x0] =	vst.idx.add.f32.msk $0xffff, v4;
	s22 =	sor.u32 s22, s23  }
0x35d: {  	v40 =	vadd.s32 $0x2710, v33;
	v39 =	vld [tilespmem:s22+$0x0]  }
0x35e: {  	v36 =	vld.idx.msk [tilespmem:v3+s10+$0x0], $0xffff  }
0x35f: {  	[tilespmem:v2+s14+$0x0] =	vst.idx.add.f32.msk $0xffff, v1;
	v1 =	vadd.s32 $0x2710, v3  }
0x360: {  	v7 =	vld.idx.msk [tilespmem:v34+s10+$0x0], $0xffff  }
0x361: {  	s29 =	sld [smem:$0x7D5];
	[tilespmem:v37+s13+$0x0] =	vst.idx.add.f32.msk $0xffff, v38  }
0x362: {  	v4 =	vld.idx.msk [tilespmem:v40+s10+$0x0], $0xffff  }
0x363: {  	[tilespmem:v35+s13+$0x0] =	vst.idx.add.f32.msk $0xffff, v36  }
0x364: {  	s30 =	sadd.s32 s21, s29;
	v1 =	vld.idx.msk [tilespmem:v1+s10+$0x0], $0xffff  }
0x365: {  	s31 =	sld [smem:$0x7D6];
	s23 =	sshll.u32 s30, $0x1;
	[tilespmem:v2+s15+$0x0] =	vst.idx.add.f32.msk $0xffff, v7  }
0x366: {  	s25 =	sld [smem:$0x7D7];
	s23 =	sand.u32 $0x1FF00, s23;
	v2 =	vadd.s32 $0x4E20, v3;
	v3 =	vld [tilespmem:s22+$0x80];
	s22 =	sand.u32 $0x70, s30  }
0x367: {  	v41 =	vld.idx.msk [tilespmem:v39+s10+$0x0], $0xffff;
	s22 =	sor.u32 s22, s23  }
0x368: {  	s24 =	sadd.s32 s21, s31;
	v42 =	vld [tilespmem:s22+$0x0]  }
0x369: {  	s26 =	sadd.s32 s21, s25;
	s23 =	sshll.u32 s24, $0x1;
	v44 =	vld [tilespmem:s22+$0x80]  }
0x36a: {  	s22 =	sand.u32 $0x70, s24;
	s23 =	sand.u32 $0x1FF00, s23;
	s24 =	sshll.u32 s26, $0x1;
	[tilespmem:v35+s14+$0x0] =	vst.idx.add.f32.msk $0xffff, v1;
	v1 =	vadd.s32 $0x4E20, v33  }
0x36b: {  	v43 =	vadd.s32 $0x2710, v39;
	[tilespmem:v37+s14+$0x0] =	vst.idx.add.f32.msk $0xffff, v4;
	s22 =	sor.u32 s22, s23;
	s23 =	sand.u32 $0x70, s26;
	s24 =	sand.u32 $0x1FF00, s24  }
0x36c: {  	s23 =	sor.u32 s23, s24;
	v2 =	vld.idx.msk [tilespmem:v2+s10+$0x0], $0xffff  }
0x36d: {  	v47 =	vld [tilespmem:s23+$0x0]  }
0x36e: {  	[tilespmem:v3+s13+$0x0] =	vst.idx.add.f32.msk $0xffff, v41  }
0x36f: {  	v1 =	vld.idx.msk [tilespmem:v1+s10+$0x0], $0xffff  }
0x370: {  	v5 =	vld.idx.msk [tilespmem:v43+s10+$0x0], $0xffff  }
0x371: {  	[tilespmem:v35+s15+$0x0] =	vst.idx.add.f32.msk $0xffff, v2;
	v2 =	vadd.s32 $0x4E20, v39  }
0x372: {  	v46 =	vld [tilespmem:s22+$0x0]  }
0x373: {  	v45 =	vld.idx.msk [tilespmem:v42+s10+$0x0], $0xffff  }
0x374: {  	[tilespmem:v37+s15+$0x0] =	vst.idx.add.f32.msk $0xffff, v1  }
0x375: {  	v1 =	vadd.s32 $0x2710, v42;
	[tilespmem:v3+s14+$0x0] =	vst.idx.add.f32.msk $0xffff, v5  }
0x376: {  	v2 =	vld.idx.msk [tilespmem:v2+s10+$0x0], $0xffff  }
0x377: {  	s28 =	sld [smem:$0x7D8];
	v48 =	vld [tilespmem:s22+$0x80]  }
0x378: {  	v49 =	vld.idx.msk [tilespmem:v47+s10+$0x0], $0xffff  }
0x379: {  	[tilespmem:v44+s13+$0x0] =	vst.idx.add.f32.msk $0xffff, v45  }
0x37a: {  	s30 =	sld [smem:$0x7D9];
	s22 =	sadd.s32 s21, s28;
	v1 =	vld.idx.msk [tilespmem:v1+s10+$0x0], $0xffff  }
0x37b: {  	s29 =	sshll.u32 s22, $0x1;
	[tilespmem:v3+s15+$0x0] =	vst.idx.add.f32.msk $0xffff, v2  }
0x37c: {  	s22 =	sand.u32 $0x70, s22;
	v3 =	vld [tilespmem:s23+$0x80];
	s23 =	sand.u32 $0x1FF00, s29  }
0x37d: {  	s31 =	sadd.s32 s21, s30;
	v7 =	vadd.s32 $0x4E20, v42;
	v2 =	vld.idx.msk [tilespmem:v46+s10+$0x0], $0xffff;
	s22 =	sor.u32 s22, s23  }
0x37e: {  	s23 =	sshll.u32 s31, $0x1;
	v50 =	vld [tilespmem:s22+$0x0]  }
0x37f: {  	v52 =	vld [tilespmem:s22+$0x80];
	s22 =	sand.u32 $0x70, s31;
	s23 =	sand.u32 $0x1FF00, s23  }
0x380: {  	s22 =	sor.u32 s22, s23;
	[tilespmem:v44+s14+$0x0] =	vst.idx.add.f32.msk $0xffff, v1  }
0x381: {  	v1 =	vadd.s32 $0x2710, v46;
	v54 =	vld [tilespmem:s22+$0x0]  }
0x382: {  	v7 =	vld.idx.msk [tilespmem:v7+s10+$0x0], $0xffff  }
0x383: {  	[tilespmem:v48+s13+$0x0] =	vst.idx.add.f32.msk $0xffff, v2;
	v2 =	vadd.s32 $0x2710, v47  }
0x384: {  	[tilespmem:v19+s15+$0x0] =	vst.idx.add.f32.msk $0xffff, v6  }
0x385: {  	[tilespmem:v3+s13+$0x0] =	vst.idx.add.f32.msk $0xffff, v49  }
0x386: {  	v1 =	vld.idx.msk [tilespmem:v1+s10+$0x0], $0xffff  }
0x387: {  	v51 =	vadd.s32 $0x4E20, v46;
	[tilespmem:v44+s15+$0x0] =	vst.idx.add.f32.msk $0xffff, v7  }
0x388: {  	v2 =	vld.idx.msk [tilespmem:v2+s10+$0x0], $0xffff  }
0x389: {  	v53 =	vld.idx.msk [tilespmem:v50+s10+$0x0], $0xffff  }
0x38a: {  	v57 =	vld.idx.msk [tilespmem:v54+s10+$0x0], $0xffff  }
0x38b: {  	s24 =	sld [smem:$0x7DA];
	v55 =	vadd.s32 $0x2710, v50;
	[tilespmem:v48+s14+$0x0] =	vst.idx.add.f32.msk $0xffff, v1  }
0x38c: {  	s26 =	sld [smem:$0x7DB];
	v1 =	vadd.s32 $0x4E20, v47;
	v4 =	vld.idx.msk [tilespmem:v51+s10+$0x0], $0xffff  }
0x38d: {  	[tilespmem:v3+s14+$0x0] =	vst.idx.add.f32.msk $0xffff, v2  }
0x38e: {  	s25 =	sadd.s32 s21, s24;
	[tilespmem:v52+s13+$0x0] =	vst.idx.add.f32.msk $0xffff, v53  }
0x38f: {  	s28 =	sadd.s32 s21, s26;
	s23 =	sshll.u32 s25, $0x1;
	v2 =	vld [tilespmem:s22+$0x80]  }
0x390: {  	s24 =	sshll.u32 s28, $0x1;
	s23 =	sand.u32 $0x1FF00, s23;
	s22 =	sand.u32 $0x70, s25;
	v5 =	vld.idx.msk [tilespmem:v55+s10+$0x0], $0xffff  }
0x391: {  	s24 =	sand.u32 $0x1FF00, s24;
	s22 =	sor.u32 s22, s23;
	s23 =	sand.u32 $0x70, s28;
	v1 =	vld.idx.msk [tilespmem:v1+s10+$0x0], $0xffff  }
0x392: {  	s23 =	sor.u32 s23, s24;
	v59 =	vld [tilespmem:s22+$0x80]  }
0x393: {  	v56 =	vadd.s32 $0x4E20, v50;
	v58 =	vld [tilespmem:s23+$0x0]  }
0x394: {  	[tilespmem:v48+s15+$0x0] =	vst.idx.add.f32.msk $0xffff, v4  }
0x395: {  	[tilespmem:v52+s14+$0x0] =	vst.idx.add.f32.msk $0xffff, v5  }
0x396: {  	[tilespmem:v3+s15+$0x0] =	vst.idx.add.f32.msk $0xffff, v1;
	v1 =	vadd.s32 $0x2710, v54  }
0x397: {  	s29 =	sld [smem:$0x7DC];
	v3 =	vld [tilespmem:s22+$0x0]  }
0x398: {  	v4 =	vld.idx.msk [tilespmem:v56+s10+$0x0], $0xffff  }
0x399: {  	v61 =	vld [tilespmem:s23+$0x80]  }
0x39a: {  	[tilespmem:v2+s13+$0x0] =	vst.idx.add.f32.msk $0xffff, v57;
	s22 =	sadd.s32 s21, s29  }
0x39b: {  	s30 =	sshll.u32 s22, $0x1;
	v1 =	vld.idx.msk [tilespmem:v1+s10+$0x0], $0xffff  }
0x39c: {  	v7 =	vadd.s32 $0x4E20, v54;
	s22 =	sand.u32 $0x70, s22;
	s23 =	sand.u32 $0x1FF00, s30;
	v62 =	vld.idx.msk [tilespmem:v58+s10+$0x0], $0xffff  }
0x39d: {  	[tilespmem:v52+s15+$0x0] =	vst.idx.add.f32.msk $0xffff, v4;
	s22 =	sor.u32 s22, s23  }
0x39e: {  	v11 =	vadd.s32 $0x2710, v58;
	v63 =	vld [tilespmem:s22+$0x0]  }
0x39f: {  	v60 =	vld.idx.msk [tilespmem:v3+s10+$0x0], $0xffff  }
0x3a0: {  	[tilespmem:v2+s14+$0x0] =	vst.idx.add.f32.msk $0xffff, v1;
	v1 =	vadd.s32 $0x2710, v3  }
0x3a1: {  	v7 =	vld.idx.msk [tilespmem:v7+s10+$0x0], $0xffff  }
0x3a2: {  	s31 =	sld [smem:$0x7DD];
	[tilespmem:v61+s13+$0x0] =	vst.idx.add.f32.msk $0xffff, v62  }
0x3a3: {  	v4 =	vld.idx.msk [tilespmem:v11+s10+$0x0], $0xffff  }
0x3a4: {  	[tilespmem:v59+s13+$0x0] =	vst.idx.add.f32.msk $0xffff, v60  }
0x3a5: {  	s24 =	sadd.s32 s21, s31;
	v1 =	vld.idx.msk [tilespmem:v1+s10+$0x0], $0xffff  }
0x3a6: {  	s25 =	sld [smem:$0x7DE];
	s23 =	sshll.u32 s24, $0x1;
	[tilespmem:v2+s15+$0x0] =	vst.idx.add.f32.msk $0xffff, v7  }
0x3a7: {  	s28 =	sld [smem:$0x7DF];
	s23 =	sand.u32 $0x1FF00, s23;
	v2 =	vadd.s32 $0x4E20, v3;
	v3 =	vld [tilespmem:s22+$0x80];
	s22 =	sand.u32 $0x70, s24  }
0x3a8: {  	v12 =	vld.idx.msk [tilespmem:v63+s10+$0x0], $0xffff;
	s22 =	sor.u32 s22, s23  }
0x3a9: {  	s26 =	sadd.s32 s21, s25;
	v13 =	vld [tilespmem:s22+$0x0]  }
0x3aa: {  	s29 =	sadd.s32 s21, s28;
	s23 =	sshll.u32 s26, $0x1;
	v15 =	vld [tilespmem:s22+$0x80]  }
0x3ab: {  	s24 =	sshll.u32 s29, $0x1;
	s22 =	sand.u32 $0x70, s26;
	s23 =	sand.u32 $0x1FF00, s23;
	[tilespmem:v59+s14+$0x0] =	vst.idx.add.f32.msk $0xffff, v1;
	v1 =	vadd.s32 $0x4E20, v58  }
0x3ac: {  	v14 =	vadd.s32 $0x2710, v63;
	[tilespmem:v61+s14+$0x0] =	vst.idx.add.f32.msk $0xffff, v4;
	s24 =	sand.u32 $0x1FF00, s24;
	s22 =	sor.u32 s22, s23;
	s23 =	sand.u32 $0x70, s29  }
0x3ad: {  	s23 =	sor.u32 s23, s24;
	v2 =	vld.idx.msk [tilespmem:v2+s10+$0x0], $0xffff  }
0x3ae: {  	v18 =	vld [tilespmem:s23+$0x0]  }
0x3af: {  	[tilespmem:v3+s13+$0x0] =	vst.idx.add.f32.msk $0xffff, v12  }
0x3b0: {  	v1 =	vld.idx.msk [tilespmem:v1+s10+$0x0], $0xffff  }
0x3b1: {  	v5 =	vld.idx.msk [tilespmem:v14+s10+$0x0], $0xffff  }
0x3b2: {  	[tilespmem:v59+s15+$0x0] =	vst.idx.add.f32.msk $0xffff, v2;
	v2 =	vadd.s32 $0x4E20, v63  }
0x3b3: {  	v17 =	vld [tilespmem:s22+$0x0]  }
0x3b4: {  	v16 =	vld.idx.msk [tilespmem:v13+s10+$0x0], $0xffff  }
0x3b5: {  	[tilespmem:v61+s15+$0x0] =	vst.idx.add.f32.msk $0xffff, v1  }
0x3b6: {  	v1 =	vadd.s32 $0x2710, v13;
	[tilespmem:v3+s14+$0x0] =	vst.idx.add.f32.msk $0xffff, v5  }
0x3b7: {  	v2 =	vld.idx.msk [tilespmem:v2+s10+$0x0], $0xffff  }
0x3b8: {  	s30 =	sld [smem:$0x7E0];
	v19 =	vld [tilespmem:s22+$0x80]  }
0x3b9: {  	v20 =	vld.idx.msk [tilespmem:v18+s10+$0x0], $0xffff  }
0x3ba: {  	[tilespmem:v15+s13+$0x0] =	vst.idx.add.f32.msk $0xffff, v16  }
0x3bb: {  	s22 =	sadd.s32 s21, s30;
	s24 =	sld [smem:$0x7E1];
	v1 =	vld.idx.msk [tilespmem:v1+s10+$0x0], $0xffff  }
0x3bc: {  	s31 =	sshll.u32 s22, $0x1;
	[tilespmem:v3+s15+$0x0] =	vst.idx.add.f32.msk $0xffff, v2  }
0x3bd: {  	s22 =	sand.u32 $0x70, s22;
	v3 =	vld [tilespmem:s23+$0x80];
	s23 =	sand.u32 $0x1FF00, s31  }
0x3be: {  	v7 =	vadd.s32 $0x4E20, v13;
	s25 =	sadd.s32 s21, s24;
	v2 =	vld.idx.msk [tilespmem:v17+s10+$0x0], $0xffff;
	s22 =	sor.u32 s22, s23  }
0x3bf: {  	s23 =	sshll.u32 s25, $0x1;
	v21 =	vld [tilespmem:s22+$0x0]  }
0x3c0: {  	v23 =	vld [tilespmem:s22+$0x80];
	s22 =	sand.u32 $0x70, s25;
	s23 =	sand.u32 $0x1FF00, s23  }
0x3c1: {  	s22 =	sor.u32 s22, s23;
	[tilespmem:v15+s14+$0x0] =	vst.idx.add.f32.msk $0xffff, v1  }
0x3c2: {  	v1 =	vadd.s32 $0x2710, v17;
	v25 =	vld [tilespmem:s22+$0x0]  }
0x3c3: {  	v7 =	vld.idx.msk [tilespmem:v7+s10+$0x0], $0xffff  }
0x3c4: {  	[tilespmem:v19+s13+$0x0] =	vst.idx.add.f32.msk $0xffff, v2;
	v2 =	vadd.s32 $0x2710, v18;
	_ =	sdelay $0x1  }
0x3c5: {  	[tilespmem:v3+s13+$0x0] =	vst.idx.add.f32.msk $0xffff, v20  }
0x3c6: {  	v1 =	vld.idx.msk [tilespmem:v1+s10+$0x0], $0xffff  }
0x3c7: {  	v22 =	vadd.s32 $0x4E20, v17;
	[tilespmem:v15+s15+$0x0] =	vst.idx.add.f32.msk $0xffff, v7  }
0x3c8: {  	v2 =	vld.idx.msk [tilespmem:v2+s10+$0x0], $0xffff  }
0x3c9: {  	v24 =	vld.idx.msk [tilespmem:v21+s10+$0x0], $0xffff  }
0x3ca: {  	v28 =	vld.idx.msk [tilespmem:v25+s10+$0x0], $0xffff  }
0x3cb: {  	s26 =	sld [smem:$0x7E2];
	v26 =	vadd.s32 $0x2710, v21;
	[tilespmem:v19+s14+$0x0] =	vst.idx.add.f32.msk $0xffff, v1  }
0x3cc: {  	s29 =	sld [smem:$0x7E3];
	v1 =	vadd.s32 $0x4E20, v18;
	v4 =	vld.idx.msk [tilespmem:v22+s10+$0x0], $0xffff  }
0x3cd: {  	[tilespmem:v3+s14+$0x0] =	vst.idx.add.f32.msk $0xffff, v2  }
0x3ce: {  	s28 =	sadd.s32 s21, s26;
	[tilespmem:v23+s13+$0x0] =	vst.idx.add.f32.msk $0xffff, v24  }
0x3cf: {  	s30 =	sadd.s32 s21, s29;
	s23 =	sshll.u32 s28, $0x1;
	v2 =	vld [tilespmem:s22+$0x80]  }
0x3d0: {  	s24 =	sshll.u32 s30, $0x1;
	s23 =	sand.u32 $0x1FF00, s23;
	s22 =	sand.u32 $0x70, s28;
	v5 =	vld.idx.msk [tilespmem:v26+s10+$0x0], $0xffff  }
0x3d1: {  	s24 =	sand.u32 $0x1FF00, s24;
	s22 =	sor.u32 s22, s23;
	s23 =	sand.u32 $0x70, s30;
	v1 =	vld.idx.msk [tilespmem:v1+s10+$0x0], $0xffff  }
0x3d2: {  	s23 =	sor.u32 s23, s24;
	v30 =	vld [tilespmem:s22+$0x80]  }
0x3d3: {  	v27 =	vadd.s32 $0x4E20, v21;
	v29 =	vld [tilespmem:s23+$0x0]  }
0x3d4: {  	[tilespmem:v19+s15+$0x0] =	vst.idx.add.f32.msk $0xffff, v4  }
0x3d5: {  	[tilespmem:v23+s14+$0x0] =	vst.idx.add.f32.msk $0xffff, v5  }
0x3d6: {  	[tilespmem:v3+s15+$0x0] =	vst.idx.add.f32.msk $0xffff, v1;
	v1 =	vadd.s32 $0x2710, v25  }
0x3d7: {  	s31 =	sld [smem:$0x7E4];
	v3 =	vld [tilespmem:s22+$0x0]  }
0x3d8: {  	v4 =	vld.idx.msk [tilespmem:v27+s10+$0x0], $0xffff  }
0x3d9: {  	v32 =	vld [tilespmem:s23+$0x80]  }
0x3da: {  	[tilespmem:v2+s13+$0x0] =	vst.idx.add.f32.msk $0xffff, v28;
	s22 =	sadd.s32 s21, s31  }
0x3db: {  	s24 =	sshll.u32 s22, $0x1;
	v1 =	vld.idx.msk [tilespmem:v1+s10+$0x0], $0xffff  }
0x3dc: {  	v7 =	vadd.s32 $0x4E20, v25;
	s22 =	sand.u32 $0x70, s22;
	s23 =	sand.u32 $0x1FF00, s24;
	v33 =	vld.idx.msk [tilespmem:v29+s10+$0x0], $0xffff  }
0x3dd: {  	[tilespmem:v23+s15+$0x0] =	vst.idx.add.f32.msk $0xffff, v4;
	s22 =	sor.u32 s22, s23  }
0x3de: {  	v35 =	vadd.s32 $0x2710, v29;
	v34 =	vld [tilespmem:s22+$0x0]  }
0x3df: {  	v31 =	vld.idx.msk [tilespmem:v3+s10+$0x0], $0xffff  }
0x3e0: {  	[tilespmem:v2+s14+$0x0] =	vst.idx.add.f32.msk $0xffff, v1;
	v1 =	vadd.s32 $0x2710, v3  }
0x3e1: {  	v7 =	vld.idx.msk [tilespmem:v7+s10+$0x0], $0xffff  }
0x3e2: {  	s25 =	sld [smem:$0x7E5];
	[tilespmem:v32+s13+$0x0] =	vst.idx.add.f32.msk $0xffff, v33  }
0x3e3: {  	v4 =	vld.idx.msk [tilespmem:v35+s10+$0x0], $0xffff  }
0x3e4: {  	[tilespmem:v30+s13+$0x0] =	vst.idx.add.f32.msk $0xffff, v31  }
0x3e5: {  	s26 =	sadd.s32 s21, s25;
	v1 =	vld.idx.msk [tilespmem:v1+s10+$0x0], $0xffff  }
0x3e6: {  	s28 =	sld [smem:$0x7E6];
	s23 =	sshll.u32 s26, $0x1;
	[tilespmem:v2+s15+$0x0] =	vst.idx.add.f32.msk $0xffff, v7  }
0x3e7: {  	s30 =	sld [smem:$0x7E7];
	s23 =	sand.u32 $0x1FF00, s23;
	v2 =	vadd.s32 $0x4E20, v3;
	v3 =	vld [tilespmem:s22+$0x80];
	s22 =	sand.u32 $0x70, s26  }
0x3e8: {  	v36 =	vld.idx.msk [tilespmem:v34+s10+$0x0], $0xffff;
	s22 =	sor.u32 s22, s23  }
0x3e9: {  	s29 =	sadd.s32 s21, s28;
	v37 =	vld [tilespmem:s22+$0x0]  }
0x3ea: {  	s31 =	sadd.s32 s21, s30;
	s23 =	sshll.u32 s29, $0x1;
	v39 =	vld [tilespmem:s22+$0x80]  }
0x3eb: {  	s24 =	sshll.u32 s31, $0x1;
	s22 =	sand.u32 $0x70, s29;
	s23 =	sand.u32 $0x1FF00, s23;
	[tilespmem:v30+s14+$0x0] =	vst.idx.add.f32.msk $0xffff, v1;
	v1 =	vadd.s32 $0x4E20, v29  }
0x3ec: {  	s24 =	sand.u32 $0x1FF00, s24;
	v38 =	vadd.s32 $0x2710, v34;
	[tilespmem:v32+s14+$0x0] =	vst.idx.add.f32.msk $0xffff, v4;
	s22 =	sor.u32 s22, s23;
	s23 =	sand.u32 $0x70, s31  }
0x3ed: {  	s23 =	sor.u32 s23, s24;
	v2 =	vld.idx.msk [tilespmem:v2+s10+$0x0], $0xffff  }
0x3ee: {  	v42 =	vld [tilespmem:s23+$0x0]  }
0x3ef: {  	[tilespmem:v3+s13+$0x0] =	vst.idx.add.f32.msk $0xffff, v36  }
0x3f0: {  	v1 =	vld.idx.msk [tilespmem:v1+s10+$0x0], $0xffff  }
0x3f1: {  	v5 =	vld.idx.msk [tilespmem:v38+s10+$0x0], $0xffff  }
0x3f2: {  	[tilespmem:v30+s15+$0x0] =	vst.idx.add.f32.msk $0xffff, v2;
	v2 =	vadd.s32 $0x4E20, v34  }
0x3f3: {  	v41 =	vld [tilespmem:s22+$0x0]  }
0x3f4: {  	v40 =	vld.idx.msk [tilespmem:v37+s10+$0x0], $0xffff  }
0x3f5: {  	[tilespmem:v32+s15+$0x0] =	vst.idx.add.f32.msk $0xffff, v1  }
0x3f6: {  	v1 =	vadd.s32 $0x2710, v37;
	[tilespmem:v3+s14+$0x0] =	vst.idx.add.f32.msk $0xffff, v5  }
0x3f7: {  	v2 =	vld.idx.msk [tilespmem:v2+s10+$0x0], $0xffff  }
0x3f8: {  	v43 =	vld [tilespmem:s22+$0x80];
	s24 =	sld [smem:$0x7E8]  }
0x3f9: {  	v44 =	vld.idx.msk [tilespmem:v42+s10+$0x0], $0xffff  }
0x3fa: {  	[tilespmem:v39+s13+$0x0] =	vst.idx.add.f32.msk $0xffff, v40  }
0x3fb: {  	s26 =	sld [smem:$0x7E9];
	s22 =	sadd.s32 s21, s24;
	v1 =	vld.idx.msk [tilespmem:v1+s10+$0x0], $0xffff  }
0x3fc: {  	s25 =	sshll.u32 s22, $0x1;
	[tilespmem:v3+s15+$0x0] =	vst.idx.add.f32.msk $0xffff, v2  }
0x3fd: {  	s22 =	sand.u32 $0x70, s22;
	v3 =	vld [tilespmem:s23+$0x80];
	s23 =	sand.u32 $0x1FF00, s25  }
0x3fe: {  	s28 =	sadd.s32 s21, s26;
	v7 =	vadd.s32 $0x4E20, v37;
	v2 =	vld.idx.msk [tilespmem:v41+s10+$0x0], $0xffff;
	s22 =	sor.u32 s22, s23  }
0x3ff: {  	s23 =	sshll.u32 s28, $0x1;
	v45 =	vld [tilespmem:s22+$0x0]  }
0x400: {  	v47 =	vld [tilespmem:s22+$0x80];
	s22 =	sand.u32 $0x70, s28;
	s23 =	sand.u32 $0x1FF00, s23  }
0x401: {  	s22 =	sor.u32 s22, s23;
	[tilespmem:v39+s14+$0x0] =	vst.idx.add.f32.msk $0xffff, v1  }
0x402: {  	v1 =	vadd.s32 $0x2710, v41;
	v49 =	vld [tilespmem:s22+$0x0]  }
0x403: {  	v7 =	vld.idx.msk [tilespmem:v7+s10+$0x0], $0xffff  }
0x404: {  	[tilespmem:v43+s13+$0x0] =	vst.idx.add.f32.msk $0xffff, v2;
	v2 =	vadd.s32 $0x2710, v42;
	_ =	sdelay $0x1  }
0x405: {  	[tilespmem:v3+s13+$0x0] =	vst.idx.add.f32.msk $0xffff, v44  }
0x406: {  	v1 =	vld.idx.msk [tilespmem:v1+s10+$0x0], $0xffff  }
0x407: {  	v46 =	vadd.s32 $0x4E20, v41;
	[tilespmem:v39+s15+$0x0] =	vst.idx.add.f32.msk $0xffff, v7  }
0x408: {  	v2 =	vld.idx.msk [tilespmem:v2+s10+$0x0], $0xffff  }
0x409: {  	v48 =	vld.idx.msk [tilespmem:v45+s10+$0x0], $0xffff  }
0x40a: {  	v52 =	vld.idx.msk [tilespmem:v49+s10+$0x0], $0xffff  }
0x40b: {  	s29 =	sld [smem:$0x7EA];
	v50 =	vadd.s32 $0x2710, v45;
	[tilespmem:v43+s14+$0x0] =	vst.idx.add.f32.msk $0xffff, v1  }
0x40c: {  	s31 =	sld [smem:$0x7EB];
	v1 =	vadd.s32 $0x4E20, v42;
	v4 =	vld.idx.msk [tilespmem:v46+s10+$0x0], $0xffff  }
0x40d: {  	[tilespmem:v3+s14+$0x0] =	vst.idx.add.f32.msk $0xffff, v2  }
0x40e: {  	s30 =	sadd.s32 s21, s29;
	[tilespmem:v47+s13+$0x0] =	vst.idx.add.f32.msk $0xffff, v48  }
0x40f: {  	s25 =	sadd.s32 s21, s31;
	s23 =	sshll.u32 s30, $0x1;
	v2 =	vld [tilespmem:s22+$0x80]  }
0x410: {  	s24 =	sshll.u32 s25, $0x1;
	s23 =	sand.u32 $0x1FF00, s23;
	s22 =	sand.u32 $0x70, s30;
	v5 =	vld.idx.msk [tilespmem:v50+s10+$0x0], $0xffff  }
0x411: {  	s24 =	sand.u32 $0x1FF00, s24;
	s22 =	sor.u32 s22, s23;
	s23 =	sand.u32 $0x70, s25;
	v1 =	vld.idx.msk [tilespmem:v1+s10+$0x0], $0xffff  }
0x412: {  	s23 =	sor.u32 s23, s24;
	v54 =	vld [tilespmem:s22+$0x80]  }
0x413: {  	v51 =	vadd.s32 $0x4E20, v45;
	v53 =	vld [tilespmem:s23+$0x0]  }
0x414: {  	[tilespmem:v43+s15+$0x0] =	vst.idx.add.f32.msk $0xffff, v4  }
0x415: {  	[tilespmem:v47+s14+$0x0] =	vst.idx.add.f32.msk $0xffff, v5  }
0x416: {  	[tilespmem:v3+s15+$0x0] =	vst.idx.add.f32.msk $0xffff, v1;
	v1 =	vadd.s32 $0x2710, v49  }
0x417: {  	s26 =	sld [smem:$0x7EC];
	v3 =	vld [tilespmem:s22+$0x0]  }
0x418: {  	v4 =	vld.idx.msk [tilespmem:v51+s10+$0x0], $0xffff  }
0x419: {  	v56 =	vld [tilespmem:s23+$0x80]  }
0x41a: {  	[tilespmem:v2+s13+$0x0] =	vst.idx.add.f32.msk $0xffff, v52;
	s22 =	sadd.s32 s21, s26  }
0x41b: {  	s28 =	sshll.u32 s22, $0x1;
	v1 =	vld.idx.msk [tilespmem:v1+s10+$0x0], $0xffff  }
0x41c: {  	v7 =	vadd.s32 $0x4E20, v49;
	s22 =	sand.u32 $0x70, s22;
	s23 =	sand.u32 $0x1FF00, s28;
	v57 =	vld.idx.msk [tilespmem:v53+s10+$0x0], $0xffff  }
0x41d: {  	[tilespmem:v47+s15+$0x0] =	vst.idx.add.f32.msk $0xffff, v4;
	s22 =	sor.u32 s22, s23  }
0x41e: {  	v59 =	vadd.s32 $0x2710, v53;
	v58 =	vld [tilespmem:s22+$0x0]  }
0x41f: {  	v55 =	vld.idx.msk [tilespmem:v3+s10+$0x0], $0xffff  }
0x420: {  	[tilespmem:v2+s14+$0x0] =	vst.idx.add.f32.msk $0xffff, v1;
	v1 =	vadd.s32 $0x2710, v3  }
0x421: {  	v7 =	vld.idx.msk [tilespmem:v7+s10+$0x0], $0xffff  }
0x422: {  	s29 =	sld [smem:$0x7ED];
	[tilespmem:v56+s13+$0x0] =	vst.idx.add.f32.msk $0xffff, v57  }
0x423: {  	v4 =	vld.idx.msk [tilespmem:v59+s10+$0x0], $0xffff  }
0x424: {  	[tilespmem:v54+s13+$0x0] =	vst.idx.add.f32.msk $0xffff, v55  }
0x425: {  	s30 =	sadd.s32 s21, s29;
	v1 =	vld.idx.msk [tilespmem:v1+s10+$0x0], $0xffff  }
0x426: {  	s31 =	sld [smem:$0x7EE];
	s23 =	sshll.u32 s30, $0x1;
	[tilespmem:v2+s15+$0x0] =	vst.idx.add.f32.msk $0xffff, v7  }
0x427: {  	s25 =	sld [smem:$0x7EF];
	s23 =	sand.u32 $0x1FF00, s23;
	v2 =	vadd.s32 $0x4E20, v3;
	v3 =	vld [tilespmem:s22+$0x80];
	s22 =	sand.u32 $0x70, s30  }
0x428: {  	v60 =	vld.idx.msk [tilespmem:v58+s10+$0x0], $0xffff;
	s22 =	sor.u32 s22, s23  }
0x429: {  	s24 =	sadd.s32 s21, s31;
	v61 =	vld [tilespmem:s22+$0x0]  }
0x42a: {  	s26 =	sadd.s32 s21, s25;
	s23 =	sshll.u32 s24, $0x1;
	v63 =	vld [tilespmem:s22+$0x80]  }
0x42b: {  	s22 =	sand.u32 $0x70, s24;
	s23 =	sand.u32 $0x1FF00, s23;
	s24 =	sshll.u32 s26, $0x1;
	[tilespmem:v54+s14+$0x0] =	vst.idx.add.f32.msk $0xffff, v1;
	v1 =	vadd.s32 $0x4E20, v53  }
0x42c: {  	v62 =	vadd.s32 $0x2710, v58;
	[tilespmem:v56+s14+$0x0] =	vst.idx.add.f32.msk $0xffff, v4;
	s22 =	sor.u32 s22, s23;
	s23 =	sand.u32 $0x70, s26;
	s24 =	sand.u32 $0x1FF00, s24  }
0x42d: {  	s23 =	sor.u32 s23, s24;
	v2 =	vld.idx.msk [tilespmem:v2+s10+$0x0], $0xffff  }
0x42e: {  	v14 =	vld [tilespmem:s23+$0x0]  }
0x42f: {  	[tilespmem:v3+s13+$0x0] =	vst.idx.add.f32.msk $0xffff, v60  }
0x430: {  	v1 =	vld.idx.msk [tilespmem:v1+s10+$0x0], $0xffff  }
0x431: {  	v5 =	vld.idx.msk [tilespmem:v62+s10+$0x0], $0xffff  }
0x432: {  	[tilespmem:v54+s15+$0x0] =	vst.idx.add.f32.msk $0xffff, v2;
	v2 =	vadd.s32 $0x4E20, v58  }
0x433: {  	v13 =	vld [tilespmem:s22+$0x0]  }
0x434: {  	v12 =	vld.idx.msk [tilespmem:v61+s10+$0x0], $0xffff  }
0x435: {  	[tilespmem:v56+s15+$0x0] =	vst.idx.add.f32.msk $0xffff, v1  }
0x436: {  	v1 =	vadd.s32 $0x2710, v61;
	[tilespmem:v3+s14+$0x0] =	vst.idx.add.f32.msk $0xffff, v5  }
0x437: {  	v2 =	vld.idx.msk [tilespmem:v2+s10+$0x0], $0xffff  }
0x438: {  	s28 =	sld [smem:$0x7F0];
	v15 =	vld [tilespmem:s22+$0x80]  }
0x439: {  	v16 =	vld.idx.msk [tilespmem:v14+s10+$0x0], $0xffff  }
0x43a: {  	[tilespmem:v63+s13+$0x0] =	vst.idx.add.f32.msk $0xffff, v12  }
0x43b: {  	s30 =	sld [smem:$0x7F1];
	s22 =	sadd.s32 s21, s28;
	v1 =	vld.idx.msk [tilespmem:v1+s10+$0x0], $0xffff  }
0x43c: {  	s29 =	sshll.u32 s22, $0x1;
	[tilespmem:v3+s15+$0x0] =	vst.idx.add.f32.msk $0xffff, v2  }
0x43d: {  	s22 =	sand.u32 $0x70, s22;
	v3 =	vld [tilespmem:s23+$0x80];
	s23 =	sand.u32 $0x1FF00, s29  }
0x43e: {  	s31 =	sadd.s32 s21, s30;
	v2 =	vld.idx.msk [tilespmem:v13+s10+$0x0], $0xffff;
	s22 =	sor.u32 s22, s23  }
0x43f: {  	s23 =	sshll.u32 s31, $0x1;
	v17 =	vld [tilespmem:s22+$0x0]  }
0x440: {  	v7 =	vadd.s32 $0x4E20, v61;
	v19 =	vld [tilespmem:s22+$0x80];
	s22 =	sand.u32 $0x70, s31;
	s23 =	sand.u32 $0x1FF00, s23  }
0x441: {  	s22 =	sor.u32 s22, s23;
	[tilespmem:v63+s14+$0x0] =	vst.idx.add.f32.msk $0xffff, v1;
	v1 =	vadd.s32 $0x2710, v13  }
0x442: {  	v21 =	vld [tilespmem:s22+$0x0]  }
0x443: {  	[tilespmem:v15+s13+$0x0] =	vst.idx.add.f32.msk $0xffff, v2;
	v2 =	vadd.s32 $0x2710, v14;
	_ =	sdelay $0x1  }
0x444: {  	v7 =	vld.idx.msk [tilespmem:v7+s10+$0x0], $0xffff  }
0x445: {  	v1 =	vld.idx.msk [tilespmem:v1+s10+$0x0], $0xffff  }
0x446: {  	v18 =	vadd.s32 $0x4E20, v13;
	[tilespmem:v3+s13+$0x0] =	vst.idx.add.f32.msk $0xffff, v16  }
0x447: {  	v2 =	vld.idx.msk [tilespmem:v2+s10+$0x0], $0xffff  }
0x448: {  	v20 =	vld.idx.msk [tilespmem:v17+s10+$0x0], $0xffff  }
0x449: {  	s24 =	sld [smem:$0x7F2];
	v24 =	vld.idx.msk [tilespmem:v21+s10+$0x0], $0xffff  }
0x44a: {  	v22 =	vadd.s32 $0x2710, v17;
	[tilespmem:v15+s14+$0x0] =	vst.idx.add.f32.msk $0xffff, v1  }
0x44b: {  	s26 =	sld [smem:$0x7F3];
	v4 =	vld.idx.msk [tilespmem:v18+s10+$0x0], $0xffff  }
0x44c: {  	s25 =	sadd.s32 s21, s24;
	v1 =	vadd.s32 $0x4E20, v14;
	[tilespmem:v3+s14+$0x0] =	vst.idx.add.f32.msk $0xffff, v2  }
0x44d: {  	s23 =	sshll.u32 s25, $0x1;
	[tilespmem:v19+s13+$0x0] =	vst.idx.add.f32.msk $0xffff, v20  }
0x44e: {  	s28 =	sadd.s32 s21, s26;
	s23 =	sand.u32 $0x1FF00, s23;
	v2 =	vld [tilespmem:s22+$0x80];
	s22 =	sand.u32 $0x70, s25  }
0x44f: {  	s24 =	sshll.u32 s28, $0x1;
	v5 =	vld.idx.msk [tilespmem:v22+s10+$0x0], $0xffff;
	s22 =	sor.u32 s22, s23  }
0x450: {  	s24 =	sand.u32 $0x1FF00, s24;
	s23 =	sand.u32 $0x70, s28;
	v26 =	vld [tilespmem:s22+$0x80]  }
0x451: {  	s23 =	sor.u32 s23, s24;
	v1 =	vld.idx.msk [tilespmem:v1+s10+$0x0], $0xffff  }
0x452: {  	v25 =	vld [tilespmem:s23+$0x0]  }
0x453: {  	v23 =	vadd.s32 $0x4E20, v17;
	v28 =	vld [tilespmem:s23+$0x80]  }
0x454: {  	s29 =	sld [smem:$0x7F4];
	[tilespmem:v15+s15+$0x0] =	vst.idx.add.f32.msk $0xffff, v4  }
0x455: {  	[tilespmem:v19+s14+$0x0] =	vst.idx.add.f32.msk $0xffff, v5  }
0x456: {  	[tilespmem:v3+s15+$0x0] =	vst.idx.add.f32.msk $0xffff, v1  }
0x457: {  	v1 =	vadd.s32 $0x2710, v21;
	v3 =	vld [tilespmem:s22+$0x0];
	s22 =	sadd.s32 s21, s29  }
0x458: {  	v4 =	vld.idx.msk [tilespmem:v23+s10+$0x0], $0xffff;
	s30 =	sshll.u32 s22, $0x1  }
0x459: {  	[tilespmem:v2+s13+$0x0] =	vst.idx.add.f32.msk $0xffff, v24;
	s22 =	sand.u32 $0x70, s22;
	s23 =	sand.u32 $0x1FF00, s30  }
0x45a: {  	v29 =	vld.idx.msk [tilespmem:v25+s10+$0x0], $0xffff;
	s22 =	sor.u32 s22, s23  }
0x45b: {  	v30 =	vld [tilespmem:s22+$0x0]  }
0x45c: {  	v1 =	vld.idx.msk [tilespmem:v1+s10+$0x0], $0xffff  }
0x45d: {  	[tilespmem:v63+s15+$0x0] =	vst.idx.add.f32.msk $0xffff, v7;
	v7 =	vadd.s32 $0x4E20, v21  }
0x45e: {  	v31 =	vadd.s32 $0x2710, v25;
	[tilespmem:v19+s15+$0x0] =	vst.idx.add.f32.msk $0xffff, v4  }
0x45f: {  	[tilespmem:v28+s13+$0x0] =	vst.idx.add.f32.msk $0xffff, v29  }
0x460: {  	v27 =	vld.idx.msk [tilespmem:v3+s10+$0x0], $0xffff  }
0x461: {  	[tilespmem:v2+s14+$0x0] =	vst.idx.add.f32.msk $0xffff, v1;
	v1 =	vadd.s32 $0x2710, v3  }
0x462: {  	v7 =	vld.idx.msk [tilespmem:v7+s10+$0x0], $0xffff  }
0x463: {  	s31 =	sld [smem:$0x7F5];
	v4 =	vld.idx.msk [tilespmem:v31+s10+$0x0], $0xffff  }
0x464: {  	v32 =	vld.idx.msk [tilespmem:v30+s10+$0x0], $0xffff  }
0x465: {  	[tilespmem:v26+s13+$0x0] =	vst.idx.add.f32.msk $0xffff, v27  }
0x466: {  	s25 =	sld [smem:$0x7F6];
	s24 =	sadd.s32 s21, s31;
	v1 =	vld.idx.msk [tilespmem:v1+s10+$0x0], $0xffff  }
0x467: {  	s23 =	sshll.u32 s24, $0x1;
	[tilespmem:v2+s15+$0x0] =	vst.idx.add.f32.msk $0xffff, v7  }
0x468: {  	s23 =	sand.u32 $0x1FF00, s23;
	v2 =	vadd.s32 $0x4E20, v3;
	v3 =	vld [tilespmem:s22+$0x80];
	s22 =	sand.u32 $0x70, s24  }
0x469: {  	s30 =	sld [smem:$0x7F7];
	[tilespmem:v28+s14+$0x0] =	vst.idx.add.f32.msk $0xffff, v4;
	s22 =	sor.u32 s22, s23;
	s23 =	sadd.s32 s21, s25  }
0x46a: {  	v34 =	vld [tilespmem:s22+$0x0];
	s26 =	sshll.u32 s23, $0x1  }
0x46b: {  	v36 =	vld [tilespmem:s22+$0x80];
	s28 =	sand.u32 $0x70, s23;
	s29 =	sand.u32 $0x1FF00, s26  }
0x46c: {  	s25 =	sadd.s32 s21, s30;
	[tilespmem:v26+s14+$0x0] =	vst.idx.add.f32.msk $0xffff, v1;
	s22 =	sor.u32 s28, s29  }
0x46d: {  	s31 =	sld [smem:$0x7F8];
	s23 =	sshll.u32 s25, $0x1;
	v37 =	vld [tilespmem:s22+$0x0]  }
0x46e: {  	s23 =	sand.u32 $0x1FF00, s23;
	v1 =	vadd.s32 $0x4E20, v25;
	v39 =	vld [tilespmem:s22+$0x80];
	s22 =	sand.u32 $0x70, s25  }
0x46f: {  	v2 =	vld.idx.msk [tilespmem:v2+s10+$0x0], $0xffff;
	s22 =	sor.u32 s22, s23  }
0x470: {  	v33 =	vadd.s32 $0x2710, v30;
	s24 =	sadd.s32 s21, s31;
	v41 =	vld [tilespmem:s22+$0x0]  }
0x471: {  	s26 =	sshll.u32 s24, $0x1;
	v42 =	vld [tilespmem:s22+$0x80]  }
0x472: {  	s24 =	sand.u32 $0x70, s24;
	s28 =	sld [smem:$0x7F9];
	s23 =	sand.u32 $0x1FF00, s26;
	[tilespmem:v3+s13+$0x0] =	vst.idx.add.f32.msk $0xffff, v32  }
0x473: {  	s23 =	sor.u32 s24, s23;
	v1 =	vld.idx.msk [tilespmem:v1+s10+$0x0], $0xffff  }
0x474: {  	v43 =	vld [tilespmem:s23+$0x80]  }
0x475: {  	s22 =	sadd.s32 s21, s28;
	v35 =	vld.idx.msk [tilespmem:v33+s10+$0x0], $0xffff  }
0x476: {  	s30 =	sand.u32 $0x70, s22;
	s22 =	sshll.u32 s22, $0x1;
	[tilespmem:v26+s15+$0x0] =	vst.idx.add.f32.msk $0xffff, v2;
	v2 =	vadd.s32 $0x4E20, v30  }
0x477: {  	s22 =	sand.u32 $0x1FF00, s22;
	v38 =	vld.idx.msk [tilespmem:v34+s10+$0x0], $0xffff  }
0x478: {  	s22 =	sor.u32 s30, s22;
	[tilespmem:v28+s15+$0x0] =	vst.idx.add.f32.msk $0xffff, v1;
	v1 =	vadd.s32 $0x2710, v34  }
0x479: {  	v47 =	vld [tilespmem:s22+$0x80]  }
0x47a: {  	[tilespmem:v3+s14+$0x0] =	vst.idx.add.f32.msk $0xffff, v35  }
0x47b: {  	v2 =	vld.idx.msk [tilespmem:v2+s10+$0x0], $0xffff  }
0x47c: {  	[tilespmem:v36+s13+$0x0] =	vst.idx.add.f32.msk $0xffff, v38  }
0x47d: {  	v1 =	vld.idx.msk [tilespmem:v1+s10+$0x0], $0xffff  }
0x47e: {  	v40 =	vld.idx.msk [tilespmem:v37+s10+$0x0], $0xffff  }
0x47f: {  	v44 =	vld.idx.msk [tilespmem:v41+s10+$0x0], $0xffff  }
0x480: {  	[tilespmem:v3+s15+$0x0] =	vst.idx.add.f32.msk $0xffff, v2;
	v2 =	vadd.s32 $0x2710, v37  }
0x481: {  	s29 =	sld [smem:$0x7FA];
	v45 =	vadd.s32 $0x2710, v41;
	v3 =	vld [tilespmem:s23+$0x0]  }
0x482: {  	[tilespmem:v36+s14+$0x0] =	vst.idx.add.f32.msk $0xffff, v1;
	v1 =	vadd.s32 $0x4E20, v34  }
0x483: {  	[tilespmem:v39+s13+$0x0] =	vst.idx.add.f32.msk $0xffff, v40  }
0x484: {  	[tilespmem:v42+s13+$0x0] =	vst.idx.add.f32.msk $0xffff, v44;
	s23 =	sadd.s32 s21, s29  }
0x485: {  	s28 =	sshll.u32 s23, $0x1;
	v2 =	vld.idx.msk [tilespmem:v2+s10+$0x0], $0xffff  }
0x486: {  	v10 =	vld.idx.msk [tilespmem:v45+s10+$0x0], $0xffff;
	s23 =	sand.u32 $0x70, s23;
	s24 =	sand.u32 $0x1FF00, s28  }
0x487: {  	s29 =	sor.u32 s23, s24;
	v1 =	vld.idx.msk [tilespmem:v1+s10+$0x0], $0xffff  }
0x488: {  	v8 =	vadd.s32 $0x4E20, v41;
	v48 =	vld [tilespmem:s29+$0x0]  }
0x489: {  	s31 =	sld [smem:$0x7FB];
	v46 =	vld.idx.msk [tilespmem:v3+s10+$0x0], $0xffff  }
0x48a: {  	[tilespmem:v39+s14+$0x0] =	vst.idx.add.f32.msk $0xffff, v2;
	v2 =	vadd.s32 $0x2710, v3  }
0x48b: {  	[tilespmem:v42+s14+$0x0] =	vst.idx.add.f32.msk $0xffff, v10  }
0x48c: {  	v7 =	vadd.s32 $0x4E20, v37;
	s30 =	sadd.s32 s21, s31;
	[tilespmem:v36+s15+$0x0] =	vst.idx.add.f32.msk $0xffff, v1  }
0x48d: {  	s25 =	sshll.u32 s30, $0x1;
	v1 =	vadd.s32 $0x4E20, v3;
	v3 =	vld.idx.msk [tilespmem:v8+s10+$0x0], $0xffff  }
0x48e: {  	s25 =	sand.u32 $0x1FF00, s25;
	s23 =	sand.u32 $0x70, s30;
	[tilespmem:v43+s13+$0x0] =	vst.idx.add.f32.msk $0xffff, v46  }
0x48f: {  	s23 =	sor.u32 s23, s25;
	v2 =	vld.idx.msk [tilespmem:v2+s10+$0x0], $0xffff  }
0x490: {  	v53 =	vld [tilespmem:s23+$0x80]  }
0x491: {  	v7 =	vld.idx.msk [tilespmem:v7+s10+$0x0], $0xffff  }
0x492: {  	s26 =	sld [smem:$0x7FC];
	[tilespmem:v42+s15+$0x0] =	vst.idx.add.f32.msk $0xffff, v3  }
0x493: {  	v3 =	vld [tilespmem:s23+$0x0]  }
0x494: {  	[tilespmem:v43+s14+$0x0] =	vst.idx.add.f32.msk $0xffff, v2  }
0x495: {  	s26 =	sadd.s32 s21, s26;
	v2 =	vld [tilespmem:s22+$0x0]  }
0x496: {  	s25 =	sshll.u32 s26, $0x1;
	v1 =	vld.idx.msk [tilespmem:v1+s10+$0x0], $0xffff  }
0x497: {  	s28 =	sand.u32 $0x70, s26;
	s24 =	sand.u32 $0x1FF00, s25;
	v52 =	vld.idx.msk [tilespmem:v48+s10+$0x0], $0xffff  }
0x498: {  	s31 =	sld [smem:$0x7FD];
	[tilespmem:v39+s15+$0x0] =	vst.idx.add.f32.msk $0xffff, v7;
	s22 =	sor.u32 s28, s24  }
0x499: {  	v49 =	vld [tilespmem:s22+$0x0]  }
0x49a: {  	v54 =	vld [tilespmem:s22+$0x80]  }
0x49b: {  	s21 =	sadd.s32 s21, s31;
	[tilespmem:v43+s15+$0x0] =	vst.idx.add.f32.msk $0xffff, v1  }
0x49c: {  	v1 =	vld [tilespmem:s29+$0x80];
	s29 =	sshll.u32 s21, $0x1  }
0x49d: {  	s21 =	sand.u32 $0x70, s21;
	s30 =	sand.u32 $0x1FF00, s29;
	v56 =	vld.idx.msk [tilespmem:v3+s10+$0x0], $0xffff  }
0x49e: {  	s21 =	sor.u32 s21, s30;
	v51 =	vld.idx.msk [tilespmem:v2+s10+$0x0], $0xffff  }
0x49f: {  	v61 =	vadd.s32 $0x2710, v3;
	v50 =	vld [tilespmem:s21+$0x0]  }
0x4a0: {  	v55 =	vld [tilespmem:s21+$0x80]  }
0x4a1: {  	v57 =	vld.idx.msk [tilespmem:v49+s10+$0x0], $0xffff  }
0x4a2: {  	v59 =	vadd.s32 $0x2710, v2;
	[tilespmem:v53+s13+$0x0] =	vst.idx.add.f32.msk $0xffff, v56  }
0x4a3: {  	v60 =	vadd.s32 $0x2710, v48;
	[tilespmem:v47+s13+$0x0] =	vst.idx.add.f32.msk $0xffff, v51  }
0x4a4: {  	v62 =	vadd.s32 $0x2710, v49;
	v13 =	vld.idx.msk [tilespmem:v61+s10+$0x0], $0xffff  }
0x4a5: {  	[tilespmem:v1+s13+$0x0] =	vst.idx.add.f32.msk $0xffff, v52  }
0x4a6: {  	[tilespmem:v54+s13+$0x0] =	vst.idx.add.f32.msk $0xffff, v57  }
0x4a7: {  	v8 =	vld.idx.msk [tilespmem:v59+s10+$0x0], $0xffff  }
0x4a8: {  	v3 =	vadd.s32 $0x4E20, v3;
	v9 =	vld.idx.msk [tilespmem:v60+s10+$0x0], $0xffff  }
0x4a9: {  	v14 =	vld.idx.msk [tilespmem:v62+s10+$0x0], $0xffff  }
0x4aa: {  	v58 =	vld.idx.msk [tilespmem:v50+s10+$0x0], $0xffff  }
0x4ab: {  	v63 =	vadd.s32 $0x2710, v50;
	[tilespmem:v53+s14+$0x0] =	vst.idx.add.f32.msk $0xffff, v13  }
0x4ac: {  	[tilespmem:v47+s14+$0x0] =	vst.idx.add.f32.msk $0xffff, v8  }
0x4ad: {  	v2 =	vadd.s32 $0x4E20, v2;
	v3 =	vld.idx.msk [tilespmem:v3+s10+$0x0], $0xffff  }
0x4ae: {  	v5 =	vadd.s32 $0x4E20, v48;
	[tilespmem:v1+s14+$0x0] =	vst.idx.add.f32.msk $0xffff, v9  }
0x4af: {  	v6 =	vadd.s32 $0x4E20, v49;
	[tilespmem:v55+s13+$0x0] =	vst.idx.add.f32.msk $0xffff, v58  }
0x4b0: {  	v15 =	vld.idx.msk [tilespmem:v63+s10+$0x0], $0xffff  }
0x4b1: {  	v7 =	vadd.s32 $0x4E20, v50;
	[tilespmem:v54+s14+$0x0] =	vst.idx.add.f32.msk $0xffff, v14  }
0x4b2: {  	v2 =	vld.idx.msk [tilespmem:v2+s10+$0x0], $0xffff  }
0x4b3: {  	v5 =	vld.idx.msk [tilespmem:v5+s10+$0x0], $0xffff  }
0x4b4: {  	v6 =	vld.idx.msk [tilespmem:v6+s10+$0x0], $0xffff  }
0x4b5: {  	[tilespmem:v55+s14+$0x0] =	vst.idx.add.f32.msk $0xffff, v15  }
0x4b6: {  	p0 =	slt.u32 s20, $0x1F4;
	v7 =	vld.idx.msk [tilespmem:v7+s10+$0x0], $0xffff  }
.Ltmp1:
0x4b7: {  	[tilespmem:v53+s15+$0x0] =	vst.idx.add.f32.msk $0xffff, v3;
	(pc) =	sbr.rel @p0 .LBB2_4-.Ltmp1, $4  }
0x4b8: {  	[tilespmem:v47+s15+$0x0] =	vst.idx.add.f32.msk $0xffff, v2  }
0x4b9: {  	[tilespmem:v1+s15+$0x0] =	vst.idx.add.f32.msk $0xffff, v5  }
0x4ba: {  	s31 =	sadd.s32 $0x7D, s20;
	[tilespmem:v54+s15+$0x0] =	vst.idx.add.f32.msk $0xffff, v6  }
0x4bb: {  	s20 =	smov.u32 s31;
	[tilespmem:v55+s15+$0x0] =	vst.idx.add.f32.msk $0xffff, v7  }
0x4bc: {  	[hbm4b:s6+s16] =	stream.strided.scatter [tilespmem:s13], [sflag:$0x3], $0x2780, s17, s16, $0x38;
	[tilespmem:$0x13B00] =	vst v63  }
0x4bd: {  	_ =	swait.ge [sflag:s18], $0x2780  }
0x4be: {  	[sflag:s18] =	ssyncset.done $0x0  }
0x4bf: {  	[sflag:s18] =	ssyncadd.s32 $0xFFFFD880  }
0x4c0: {  	[hbm4b:s7+s16] =	stream.strided.scatter [tilespmem:s14], [sflag:$0x3], $0x2780, s17, s16, $0x38;
	[tilespmem:$0x13B00] =	vst v63  }
0x4c1: {  	s19 =	sadd.s32 $0x1, s19;
	_ =	swait.ge [sflag:s18], $0x2780  }
0x4c2: {  	p0 =	sne.s32 s19, s9;
	[sflag:s18] =	ssyncset.done $0x0  }
.Ltmp2:
0x4c3: {  	[sflag:s18] =	ssyncadd.s32 $0xFFFFD880;
	(pc) =	sbr.rel @p0 .LBB2_1-.Ltmp2, $4  }
0x4c4: {  	[hbm4b:s8+s16] =	stream.strided.scatter [tilespmem:s15], [sflag:$0x3], $0x2780, s17, s16, $0x38;
	[tilespmem:$0x13B00] =	vst v63  }
0x4c5: {  	_ =	swait.ge [sflag:s18], $0x2780  }
0x4c6: {  	[sflag:s18] =	ssyncset.done $0x0  }
0x4c7: {  	[sflag:s18] =	ssyncadd.s32 $0xFFFFD880  }
0x4c8: {  	_ =	sfence.sel $0x180000  }
0x4c9: {  	[bflag:$0x0] =	sbarrier.arrive $0xFFFF  }
0x4ca: {  	p0 =	sne.s32 s0, $0x0;
	_ =	strace $0x9000004A  }
0x4cb: {  	s0 =	sadd.s32 @!p0 $0x100000, s1;
	[bflag:$0x2] =	sbarrier.arrive $0xFFFF  }
0x4cc: {  	[sflag:s0] =	ssyncadd.tile.s32 @!p0 $0x1;
	_ =	shalt  }
.Lfunc_end2:
_tile_overlayer_lowered:
.L_overlay_start_2:
0x4cd: {  	(tag) =	ssettag $0x2  }
0x4ce: {  	s0 =	rddreg [dreg:$0x0];
	s2 =	stileid.u32  }
0x4cf: {  	s1 =	rddreg [dreg:$0x1];
	p0 =	sne.s32 s2, $0x0  }
0x4d0: {  	s3 =	rddreg [dreg:$0x2];
	[bflag:$0x3] =	sbarrier.arrive $0xFFFF;
	s2 =	simm.s32 @!p0 $0x1C03  }
0x4d1: {  	[timem:s3], [sflag:s2] =	dma.local @!p0 [hbm:s0], s1  }
0x4d2: {  	s0 =	simm.s32 @!p0 $0x3  }
0x4d3: {  	_ =	swait.ge @!p0 [sflag:s0], s1  }
0x4d4: {  	s1 =	ssub.s32 @!p0 $0x0, s1;
	[sflag:s0] =	ssyncset.done @!p0 $0x0  }
0x4d5: {  	[sflag:s0] =	ssyncadd.s32 @!p0 s1  }
0x4d6: {  	[bflag:$0x3] =	sbarrier.arrive $0xFFFF  }
0x4d7: {  	_ =	shalt  }

// kernel: kernel.7.cloned.1.call-start
scs
__scs_entry_jumppad:
0x0: {  	(pc) =	sbr.rel $0x88, $3  }
0x1: {  	(tag) =	ssettag $0x0;
	lr =	simm.s32 $0x1  }
0x2: {  	[smem:$0x3F9B] =	sst lr;
	_ =	strace $0xD0000000  }
0x3: {  	_ = 	snop  }
0x4: {  	_ = 	snop  }
0x5: {  	_ = 	snop  }
0x6: {  	_ = 	snop  }
0x7: {  	_ = 	snop  }
__scs_overlays_trampoline_lowered:
0x8: {  	[smem:$0x3FAA] =	sst s0  }
0x9: {  	[smem:$0x3FAB] =	sst s1  }
0xa: {  	[smem:$0x3FAC] =	sst s2  }
0xb: {  	[smem:$0x3FAD] =	sst s3  }
0xc: {  	[smem:$0x3FAE] =	sst s4  }
0xd: {  	[smem:$0x3FAF] =	sst s5  }
0xe: {  	[smem:$0x3FB0] =	sst s6  }
0xf: {  	[smem:$0x3FB1] =	sst s7  }
0x10: {  	[smem:$0x3FB2] =	sst s8  }
0x11: {  	[smem:$0x3FB3] =	sst s9;
	s0 =	simm.s32 @!p0 $0x0  }
0x12: {  	s1 =	sld [smem:$0x3F99];
	s0 =	simm.s32 @p0 $0x1  }
0x13: {  	[smem:$0x3FB4] =	sst s0;
	s0 =	simm.s32 @!p1 $0x0  }
0x14: {  	s2 =	sld [smem:$0x3F98];
	s0 =	simm.s32 @p1 $0x1  }
0x15: {  	[smem:$0x3FB5] =	sst s0;
	s0 =	simm.s32 @!p2 $0x0  }
0x16: {  	s3 =	sld [smem:$0x3FDB];
	s0 =	simm.s32 @p2 $0x1  }
0x17: {  	s4 =	simm.s32 $0x1BF5;
	[smem:$0x3FB7] =	sst s0  }
0x18: {  	s0 =	sld [smem:$0x3F9A];
	_ =	swait.ge [sflag:s4], $0x0  }
0x19: {  	s7 =	sld [smem:$0x3F9B]  }
0x1a: {  	s8 =	sadd.s32 $0xFFFFE003, lr  }
0x1b: {  	s9 =	sadd.s32 $0xFFFFFEF7, lr;
	s5 =	simm.s32 $0xFFFFFFFF;
	p2 =	slt.u32 s8, $0xFFFFF086  }
0x1c: {  	p1 =	slt.u32 s9, $0xF7A;
	s5 =	simm.s32 @!p2 $0x0  }
0x1d: {  	s5 =	simm.s32 @p1 $0x1;
	p0 =	seq.s32 s7, s2  }
0x1e: {  	s7 =	smul.u32 @!p0 $0xF7A, s2;
	p2 =	seq.s32 @!p0 s5, $0x0  }
0x1f: {  	s9 =	smul.u32 $0xF7A, s1;
	s8 =	simm.s32 @!p0 $0x1BF5;
	p2 =	por !p2, p0  }
0x20: {  	[sflag:s8] =	ssyncset.s32 @!p0 $0xFFFFF086;
	s6 =	sadd.s32 @!p0 s3, s7;
	s7 =	simm.s32 @!p0 $0x108  }
0x21: {  	s3 =	sadd.s32 s3, s9;
	s6 =	sadd.s32 @!p0 $0x88, s6;
	s7 =	simm.s32 @p2 $0x1082  }
0x22: {  	[simem:s7], [sflag:s8] =	dma.local @!p0 [hbm:s6], $0xF7A  }
0x23: {  	s9 =	sor.u32 $0xD0000000, s2;
	s6 =	simm.s32 $0x108;
	_ =	swait.ge @!p0 [sflag:s8], $0x0  }
0x24: {  	s3 =	sadd.s32 $0x88, s3;
	s6 =	simm.s32 @!p1 $0x1082;
	[sflag:s4] =	ssyncset.s32 $0xFFFFF086  }
0x25: {  	[simem:s6], [sflag:s4] =	dma.local [hbm:s3], $0xF7A  }
0x26: {  	[smem:$0x3F9B] =	sst s1;
	(tag) =	ssettag s2;
	_ =	strace s9  }
0x27: {  	s1 =	sld [smem:$0x3FAB]  }
0x28: {  	s2 =	sld [smem:$0x3FAC]  }
0x29: {  	s4 =	sld [smem:$0x3FAE]  }
0x2a: {  	p0 =	seq.s32 s5, $0x0;
	s5 =	sld [smem:$0x3FAF]  }
0x2b: {  	s6 =	sld [smem:$0x3FB0]  }
0x2c: {  	s7 =	sld [smem:$0x3FB1]  }
0x2d: {  	s3 =	simm.s32 $0x108;
	s8 =	sld [smem:$0x3FB2]  }
0x2e: {  	s3 =	simm.s32 @!p0 $0x1082;
	s9 =	sld [smem:$0x3FB3]  }
0x2f: {  	lr =	sadd.s32 s0, s3;
	s0 =	sld [smem:$0x3FAA]  }
0x30: {  	s3 =	sld [smem:$0x3FAD]  }
0x31: {  	[smem:$0x3FB6] =	sst s10  }
0x32: {  	s10 =	sld [smem:$0x3FB4];
	_ =	sdelay $0x3  }
0x33: {  	p0 =	seq.s32 s10, $0x1;
	s10 =	sld [smem:$0x3FB6];
	_ =	sdelay $0x3  }
0x34: {  	[smem:$0x3FB6] =	sst s10  }
0x35: {  	s10 =	sld [smem:$0x3FB5];
	_ =	sdelay $0x3  }
0x36: {  	p1 =	seq.s32 s10, $0x1;
	s10 =	sld [smem:$0x3FB6];
	_ =	sdelay $0x3  }
0x37: {  	[smem:$0x3FB6] =	sst s10  }
0x38: {  	s10 =	sld [smem:$0x3FB7]  }
0x39: {  	_ = 	snop;
	(pc) =	sbr.ind lr, $3  }
0x3a: {  	_ = 	snop  }
0x3b: {  	_ = 	snop  }
0x3c: {  	p2 =	seq.s32 s10, $0x1;
	s10 =	sld [smem:$0x3FB6]  }
0x3d: {  	_ =	shalt  }
0x3e: {  	_ =	shalt  }
0x3f: {  	_ =	shalt  }
0x40: {  	_ =	shalt  }
0x41: {  	_ =	shalt  }
0x42: {  	_ =	shalt  }
0x43: {  	_ =	shalt  }
0x44: {  	_ =	shalt  }
0x45: {  	_ =	shalt  }
0x46: {  	_ =	shalt  }
0x47: {  	_ =	shalt  }
0x48: {  	_ =	shalt  }
0x49: {  	_ =	shalt  }
0x4a: {  	_ =	shalt  }
0x4b: {  	_ =	shalt  }
0x4c: {  	_ =	shalt  }
0x4d: {  	_ =	shalt  }
0x4e: {  	_ =	shalt  }
0x4f: {  	_ =	shalt  }
0x50: {  	_ =	shalt  }
0x51: {  	_ =	shalt  }
0x52: {  	_ =	shalt  }
0x53: {  	_ =	shalt  }
0x54: {  	_ =	shalt  }
0x55: {  	_ =	shalt  }
0x56: {  	_ =	shalt  }
0x57: {  	_ =	shalt  }
0x58: {  	_ =	shalt  }
0x59: {  	_ =	shalt  }
0x5a: {  	_ =	shalt  }
0x5b: {  	_ =	shalt  }
0x5c: {  	_ =	shalt  }
0x5d: {  	_ =	shalt  }
0x5e: {  	_ =	shalt  }
0x5f: {  	_ =	shalt  }
0x60: {  	_ =	shalt  }
0x61: {  	_ =	shalt  }
0x62: {  	_ =	shalt  }
0x63: {  	_ =	shalt  }
0x64: {  	_ =	shalt  }
0x65: {  	_ =	shalt  }
0x66: {  	_ =	shalt  }
0x67: {  	_ =	shalt  }
0x68: {  	_ =	shalt  }
0x69: {  	_ =	shalt  }
0x6a: {  	_ =	shalt  }
0x6b: {  	_ =	shalt  }
0x6c: {  	_ =	shalt  }
0x6d: {  	_ =	shalt  }
0x6e: {  	_ =	shalt  }
0x6f: {  	_ =	shalt  }
0x70: {  	_ =	shalt  }
0x71: {  	_ =	shalt  }
0x72: {  	_ =	shalt  }
0x73: {  	_ =	shalt  }
0x74: {  	_ =	shalt  }
0x75: {  	_ =	shalt  }
0x76: {  	_ =	shalt  }
0x77: {  	_ =	shalt  }
0x78: {  	_ =	shalt  }
0x79: {  	_ =	shalt  }
0x7a: {  	_ =	shalt  }
0x7b: {  	_ =	shalt  }
0x7c: {  	_ =	shalt  }
0x7d: {  	_ =	shalt  }
0x7e: {  	_ =	shalt  }
0x7f: {  	_ =	shalt  }
0x80: {  	_ =	shalt  }
0x81: {  	_ =	shalt  }
0x82: {  	_ =	shalt  }
0x83: {  	_ =	shalt  }
0x84: {  	_ =	shalt  }
0x85: {  	_ =	shalt  }
0x86: {  	_ =	shalt  }
0x87: {  	_ =	shalt  }
.Lfunc_end0:
.L_simem_size_0:
called_computation_lowered:
.L_overlay_start_0:
0x88: {  	s2 =	sld [smem:$0x3FD9]  }
0x89: {  	s3 =	sld [smem:$0x3FFE];
	_ =	sdelay $0x1  }
0x8a: {  	s1 =	srdreg.scid  }
0x8b: {  	s0 =	sand.u32 $0x1, s1  }
0x8c: {  	s17 =	sshll.u32 s0, $0xA;
	s2 =	sadd.s32 s3, s2  }
0x8d: {  	s2 =	sadd.s32 s2, s17  }
0x8e: {  	[smem:$0x3FC2] =	sst s2  }
0x8f: {  	_ = 	snop  }
0x90: {  	s2 =	sld [smem:$0x3FC8];
	(tm) =	ssettm $0x1  }
0x91: {  	s18 =	sld [smem:$0x3FFB];
	_ =	sdelay $0x3  }
0x92: {  	_ =	strace s18  }
0x93: {  	s3 =	sld [smem:$0x3FFC];
	_ =	sdelay $0x3  }
0x94: {  	_ =	strace s3  }
0x95: {  	s3 =	sld [smem:$0x3FFD];
	_ =	sdelay $0x3  }
0x96: {  	_ =	strace s3  }
0x97: {  	_ =	strace $0x8FFFFFFF  }
0x98: {  	s19 =	sld [smem:$0x3FDB];
	_ =	sdelay $0x1  }
0x99: {  	s4 =	simm.s32 $_scs_section_size  }
0x9a: {  	s5 =	simm.s32 $_size__tile_overlayer_lowered;
	s6 =	simm.s32 $_tile_overlayer_lowered  }
0x9b: {  	s22 =	simm.s32 $0x1BFF;
	s21 =	sshll.u32 s6, $0x1;
	s3 =	sadd.s32 s4, s19  }
0x9c: {  	s7 =	simm.s32 $0x0;
	s20 =	sshll.u32 s5, $0x1;
	s5 =	sadd.s32 s21, s3  }
0x9d: {  	[timem:s7], [sflag:s22] =	dma.local [hbm:s5], s20  }
0x9e: {  	_ =	swait.ge [sflag:s22], s20  }
0x9f: {  	s4 =	ssub.s32 $0x0, s20;
	[sflag:s22] =	ssyncset.done $0x0  }
0xa0: {  	[sflag:s22] =	ssyncadd.s32 s4;
	_ =	sdelay $0x1  }
0xa1: {  	s23 =	simm.s32 $0x1B8B  }
0xa2: {  	_ =	swait.ge [sflag:s23], $0x1  }
0xa3: {  	[sflag:s23] =	ssyncset.done $0x0  }
0xa4: {  	s25 =	simm.s32 $0x1B8E;
	s24 =	sld [smem:$0x3FFE];
	[sflag:s23] =	ssyncadd.s32 $0xFFFFFFFF  }
0xa5: {  	s26 =	simm.s32 $execute0_lowered;
	[smem:$0x3FD2] =	sst s25  }
0xa6: {  	s5 =	sshll.u32 s26, $0x1;
	_ =	strace $0x80000046;
	[dreg:$0x1] =	wrdreg $0xFFFFFFFF  }
0xa7: {  	s28 =	simm.s32 $_size_execute0_lowered;
	s3 =	sadd.s32 s3, s5;
	[dreg:$0x0] =	wrdreg $0x0  }
0xa8: {  	s5 =	sshll.u32 s28, $0x1;
	[dreg:$0x2] =	wrdreg s3  }
0xa9: {  	[dreg:$0x3] =	wrdreg s5  }
0xaa: {  	[dreg:$0x4] =	wrdreg $0xC0  }
0xab: {  	_ =	task [dreg:s7], $0x5FFFF  }
0xac: {  	[dreg:$0x1] =	wrdreg $0xFFFFFFFF  }
0xad: {  	[dreg:$0x0] =	wrdreg $0x60  }
0xae: {  	[dreg:$0x2] =	wrdreg s2  }
0xaf: {  	[dreg:$0x3] =	wrdreg s24  }
0xb0: {  	[dreg:$0x4] =	wrdreg $0x9  }
0xb1: {  	_ =	task.clear_ibuf [dreg:s7], $0x5FFFF;
	_ =	strace $0x90000046  }
0xb2: {  	s29 =	simm.s32 $0x9;
	_ =	strace $0x80000048  }
0xb3: {  	_ =	swait.ge [sflag:s29], $0x1  }
0xb4: {  	[sflag:s29] =	ssyncadd.s32 $0xFFFFFFFF  }
0xb5: {  	_ =	strace $0x90000048  }
0xb6: {  	_ =	sfence  }
0xb7: {  	s30 =	sld [smem:$0x0];
	_ =	sdelay $0x2  }
0xb8: {  	s31 =	sshll.u32 s1, $0xD;
	s1 =	sshrl.u32 s1, $0x2  }
0xb9: {  	s3 =	sand.u32 $0x4000, s31;
	s1 =	sadd.s32 s1, s30  }
0xba: {  	s0 =	sor.u32 s3, s0;
	s1 =	sshll.u32 s1, $0x11  }
0xbb: {  	s0 =	sor.u32 s1, s0  }
0xbc: {  	s0 =	sadd.s32 $0x8F2B, s0  }
0xbd: {  	[sflag:s0] =	ssyncadd.remote.s32 $0x1  }
0xbe: {  	_ =	sfence.sel $0xFFFF  }
0xbf: {  	[dreg:$0x0] =	wrdreg $0xFFFFFFFF;
	(pc) =	sbr.abs _section_cstart, $3  }
0xc0: {  	[dreg:$0x1] =	wrdreg $0xFFFFFFFF  }
0xc1: {  	_ =	task.clear_ibuf [dreg:s7], $0x2FFFF;
	_ =	strace $0x9FFFFFFF  }
0xc2: {  	(tm) =	ssettm $0x7FFFFFFF  }
0xc3: {  	_ =	shalt  }
tec
execute0_lowered:
.L_overlay_start_1:
0x0: {  	(tag) =	ssettag $0x1  }
0x1: {  	s0 =	srdreg.scid;
	s1 =	stileid.u32  }
0x2: {  	s6 =	sand.u32 $0x1, s0;
	s19 =	sshll.u32 s1, $0x1  }
0x3: {  	s8 =	sor.u32 s6, s19  }
0x4: {  	s5 =	smul.u32 $0x2710, s8  }
0x5: {  	s4 =	rddreg [dreg:$0x0]  }
0x6: {  	s7 =	rddreg [dreg:$0x1];
	s20 =	simm.s32 $0x0;
	s3 =	sand.u32 $0x70, s5  }
0x7: {  	[smem:$0x7FF] =	sst s20;
	s21 =	sadd.s32 $0x10, s3  }
0x8: {  	_ =	strace $0x80000047;
	s22 =	sadd.s32 $0x20, s3;
	[dreg:$0x3] =	wrdreg s21  }
0x9: {  	s23 =	sadd.s32 $0x30, s3;
	[dreg:$0x4] =	wrdreg s22  }
0xa: {  	s24 =	sadd.s32 $0x40, s3;
	[dreg:$0x5] =	wrdreg s23  }
0xb: {  	s25 =	sadd.s32 $0x50, s3;
	[dreg:$0x6] =	wrdreg s24  }
0xc: {  	s26 =	sadd.s32 $0x60, s3;
	[dreg:$0x7] =	wrdreg s25  }
0xd: {  	s28 =	sadd.s32 $0x70, s3;
	[dreg:$0x8] =	wrdreg s26  }
0xe: {  	s29 =	sor.u32 $0x80, s3;
	[dreg:$0x9] =	wrdreg s28  }
0xf: {  	s30 =	sadd.s32 $0x90, s3;
	[dreg:$0xa] =	wrdreg s29  }
0x10: {  	s31 =	sadd.s32 $0xA0, s3;
	[dreg:$0xb] =	wrdreg s30  }
0x11: {  	s2 =	sadd.s32 $0xB0, s3;
	[dreg:$0xc] =	wrdreg s31  }
0x12: {  	s9 =	sadd.s32 $0xC0, s3;
	[dreg:$0xd] =	wrdreg s2  }
0x13: {  	s10 =	sadd.s32 $0xD0, s3;
	[dreg:$0xe] =	wrdreg s9  }
0x14: {  	s11 =	sadd.s32 $0xE0, s3;
	[dreg:$0xf] =	wrdreg s10  }
0x15: {  	s12 =	sadd.s32 $0xF0, s3;
	[dreg:$0x10] =	wrdreg s11  }
0x16: {  	s13 =	sor.u32 $0x100, s3;
	[dreg:$0x11] =	wrdreg s12  }
0x17: {  	s14 =	sadd.s32 $0x110, s3;
	[dreg:$0x12] =	wrdreg s13  }
0x18: {  	s15 =	sadd.s32 $0x120, s3;
	[dreg:$0x13] =	wrdreg s14  }
0x19: {  	s16 =	sadd.s32 $0x130, s3;
	[dreg:$0x14] =	wrdreg s15  }
0x1a: {  	s17 =	sadd.s32 $0x140, s3;
	[dreg:$0x15] =	wrdreg s16  }
0x1b: {  	s18 =	sadd.s32 $0x150, s3;
	[dreg:$0x16] =	wrdreg s17  }
0x1c: {  	s19 =	sadd.s32 $0x160, s3;
	[dreg:$0x17] =	wrdreg s18  }
0x1d: {  	s20 =	sadd.s32 $0x170, s3;
	[dreg:$0x18] =	wrdreg s19  }
0x1e: {  	[dreg:$0x19] =	wrdreg s20;
	s21 =	sor.u32 $0x180, s3  }
0x1f: {  	s22 =	sadd.s32 $0x190, s3;
	[dreg:$0x1a] =	wrdreg s21  }
0x20: {  	s23 =	sadd.s32 $0x1A0, s3;
	[dreg:$0x1b] =	wrdreg s22  }
0x21: {  	s24 =	sadd.s32 $0x1B0, s3;
	[dreg:$0x1c] =	wrdreg s23  }
0x22: {  	s25 =	sadd.s32 $0x1C0, s3;
	[dreg:$0x1d] =	wrdreg s24  }
0x23: {  	s26 =	sadd.s32 $0x1D0, s3;
	[dreg:$0x1e] =	wrdreg s25  }
0x24: {  	s28 =	sadd.s32 $0x1E0, s3;
	[dreg:$0x1f] =	wrdreg s26  }
0x25: {  	s29 =	sadd.s32 $0x1F0, s3;
	[smem:$0x79E] =	sst s28  }
0x26: {  	s30 =	sor.u32 $0x200, s3;
	[smem:$0x79F] =	sst s29  }
0x27: {  	s31 =	sadd.s32 $0x210, s3;
	[smem:$0x7A0] =	sst s30  }
0x28: {  	s2 =	sadd.s32 $0x220, s3;
	[smem:$0x7A1] =	sst s31  }
0x29: {  	s9 =	sadd.s32 $0x230, s3;
	[smem:$0x7A2] =	sst s2  }
0x2a: {  	s10 =	sadd.s32 $0x240, s3;
	[smem:$0x7A3] =	sst s9  }
0x2b: {  	s11 =	sadd.s32 $0x250, s3;
	[smem:$0x7A4] =	sst s10  }
0x2c: {  	s12 =	sadd.s32 $0x260, s3;
	[smem:$0x7A5] =	sst s11  }
0x2d: {  	s13 =	sadd.s32 $0x270, s3;
	[smem:$0x7A6] =	sst s12  }
0x2e: {  	s14 =	sor.u32 $0x280, s3;
	[smem:$0x7A7] =	sst s13  }
0x2f: {  	s15 =	sadd.s32 $0x290, s3;
	[smem:$0x7A8] =	sst s14  }
0x30: {  	s16 =	sadd.s32 $0x2A0, s3;
	[smem:$0x7A9] =	sst s15  }
0x31: {  	s17 =	sadd.s32 $0x2B0, s3;
	[smem:$0x7AA] =	sst s16  }
0x32: {  	s18 =	sadd.s32 $0x2C0, s3;
	[smem:$0x7AB] =	sst s17  }
0x33: {  	s19 =	sadd.s32 $0x2D0, s3;
	[smem:$0x7AC] =	sst s18  }
0x34: {  	s20 =	sadd.s32 $0x2E0, s3;
	[smem:$0x7AD] =	sst s19  }
0x35: {  	[smem:$0x7AE] =	sst s20;
	s21 =	sadd.s32 $0x2F0, s3  }
0x36: {  	s22 =	sor.u32 $0x300, s3;
	[smem:$0x7AF] =	sst s21  }
0x37: {  	s23 =	sadd.s32 $0x310, s3;
	[smem:$0x7B0] =	sst s22  }
0x38: {  	s24 =	sadd.s32 $0x320, s3;
	[smem:$0x7B1] =	sst s23  }
0x39: {  	s25 =	sadd.s32 $0x330, s3;
	[smem:$0x7B2] =	sst s24  }
0x3a: {  	s26 =	sadd.s32 $0x340, s3;
	[smem:$0x7B3] =	sst s25  }
0x3b: {  	s28 =	sadd.s32 $0x350, s3;
	[smem:$0x7B4] =	sst s26  }
0x3c: {  	s29 =	sadd.s32 $0x360, s3;
	[smem:$0x7B5] =	sst s28  }
0x3d: {  	s30 =	sadd.s32 $0x370, s3;
	[smem:$0x7B6] =	sst s29  }
0x3e: {  	s31 =	sor.u32 $0x380, s3;
	[smem:$0x7B7] =	sst s30  }
0x3f: {  	s2 =	sadd.s32 $0x390, s3;
	[smem:$0x7B8] =	sst s31  }
0x40: {  	s9 =	sadd.s32 $0x3A0, s3;
	[smem:$0x7B9] =	sst s2  }
0x41: {  	s10 =	sadd.s32 $0x3B0, s3;
	[smem:$0x7BA] =	sst s9  }
0x42: {  	s11 =	sadd.s32 $0x3C0, s3;
	[smem:$0x7BB] =	sst s10  }
0x43: {  	s12 =	sadd.s32 $0x3D0, s3;
	[smem:$0x7BC] =	sst s11  }
0x44: {  	s13 =	sadd.s32 $0x3E0, s3;
	[smem:$0x7BD] =	sst s12  }
0x45: {  	s14 =	sadd.s32 $0x3F0, s3;
	[smem:$0x7BE] =	sst s13  }
0x46: {  	s15 =	sor.u32 $0x400, s3;
	[smem:$0x7BF] =	sst s14  }
0x47: {  	s16 =	sadd.s32 $0x410, s3;
	[smem:$0x7C0] =	sst s15  }
0x48: {  	s17 =	sadd.s32 $0x420, s3;
	[smem:$0x7C1] =	sst s16  }
0x49: {  	s18 =	sadd.s32 $0x430, s3;
	[smem:$0x7C2] =	sst s17  }
0x4a: {  	s19 =	sadd.s32 $0x440, s3;
	[smem:$0x7C3] =	sst s18  }
0x4b: {  	s20 =	sadd.s32 $0x450, s3;
	[smem:$0x7C4] =	sst s19  }
0x4c: {  	[smem:$0x7C5] =	sst s20;
	s21 =	sadd.s32 $0x460, s3  }
0x4d: {  	s22 =	sadd.s32 $0x470, s3;
	[smem:$0x7C6] =	sst s21  }
0x4e: {  	s23 =	sor.u32 $0x480, s3;
	[smem:$0x7C7] =	sst s22  }
0x4f: {  	s24 =	sadd.s32 $0x490, s3;
	[smem:$0x7C8] =	sst s23  }
0x50: {  	s25 =	sadd.s32 $0x4A0, s3;
	[smem:$0x7C9] =	sst s24  }
0x51: {  	s26 =	sadd.s32 $0x4B0, s3;
	[smem:$0x7CA] =	sst s25  }
0x52: {  	s28 =	sadd.s32 $0x4C0, s3;
	[smem:$0x7CB] =	sst s26  }
0x53: {  	s29 =	sadd.s32 $0x4D0, s3;
	[smem:$0x7CC] =	sst s28  }
0x54: {  	s30 =	sadd.s32 $0x4E0, s3;
	[smem:$0x7CD] =	sst s29  }
0x55: {  	s31 =	sadd.s32 $0x4F0, s3;
	[smem:$0x7CE] =	sst s30  }
0x56: {  	s2 =	sor.u32 $0x500, s3;
	[smem:$0x7CF] =	sst s31  }
0x57: {  	s9 =	sadd.s32 $0x510, s3;
	[smem:$0x7D0] =	sst s2  }
0x58: {  	s10 =	sadd.s32 $0x520, s3;
	[smem:$0x7D1] =	sst s9  }
0x59: {  	s11 =	sadd.s32 $0x530, s3;
	[smem:$0x7D2] =	sst s10  }
0x5a: {  	s12 =	sadd.s32 $0x540, s3;
	[smem:$0x7D3] =	sst s11  }
0x5b: {  	s13 =	sadd.s32 $0x550, s3;
	[smem:$0x7D4] =	sst s12  }
0x5c: {  	s14 =	sadd.s32 $0x560, s3;
	[smem:$0x7D5] =	sst s13  }
0x5d: {  	s15 =	sadd.s32 $0x570, s3;
	[smem:$0x7D6] =	sst s14  }
0x5e: {  	s16 =	sor.u32 $0x580, s3;
	[smem:$0x7D7] =	sst s15  }
0x5f: {  	s17 =	sadd.s32 $0x590, s3;
	[smem:$0x7D8] =	sst s16  }
0x60: {  	s18 =	sadd.s32 $0x5A0, s3;
	[smem:$0x7D9] =	sst s17  }
0x61: {  	s19 =	sadd.s32 $0x5B0, s3;
	[smem:$0x7DA] =	sst s18  }
0x62: {  	s20 =	sadd.s32 $0x5C0, s3;
	[smem:$0x7DB] =	sst s19  }
0x63: {  	[smem:$0x7DC] =	sst s20;
	s21 =	sadd.s32 $0x5D0, s3  }
0x64: {  	s22 =	sadd.s32 $0x5E0, s3;
	[smem:$0x7DD] =	sst s21  }
0x65: {  	s23 =	sadd.s32 $0x5F0, s3;
	[smem:$0x7DE] =	sst s22  }
0x66: {  	s24 =	sor.u32 $0x600, s3;
	[smem:$0x7DF] =	sst s23  }
0x67: {  	s25 =	sadd.s32 $0x610, s3;
	[smem:$0x7E0] =	sst s24  }
0x68: {  	s26 =	sadd.s32 $0x620, s3;
	[smem:$0x7E1] =	sst s25  }
0x69: {  	s28 =	sadd.s32 $0x630, s3;
	[smem:$0x7E2] =	sst s26  }
0x6a: {  	s29 =	sadd.s32 $0x640, s3;
	[smem:$0x7E3] =	sst s28  }
0x6b: {  	s30 =	sadd.s32 $0x650, s3;
	[smem:$0x7E4] =	sst s29  }
0x6c: {  	s31 =	sadd.s32 $0x660, s3;
	[smem:$0x7E5] =	sst s30  }
0x6d: {  	s2 =	sadd.s32 $0x670, s3;
	[smem:$0x7E6] =	sst s31  }
0x6e: {  	s9 =	sor.u32 $0x680, s3;
	[smem:$0x7E7] =	sst s2  }
0x6f: {  	s10 =	sadd.s32 $0x690, s3;
	[smem:$0x7E8] =	sst s9  }
0x70: {  	s11 =	sadd.s32 $0x6A0, s3;
	[smem:$0x7E9] =	sst s10  }
0x71: {  	s12 =	sadd.s32 $0x6B0, s3;
	[smem:$0x7EA] =	sst s11  }
0x72: {  	s13 =	sadd.s32 $0x6C0, s3;
	[smem:$0x7EB] =	sst s12  }
0x73: {  	s14 =	sadd.s32 $0x6D0, s3;
	[smem:$0x7EC] =	sst s13  }
0x74: {  	s1 =	sshrl.u32 s1, $0x2;
	s15 =	sadd.s32 $0x6E0, s3;
	[smem:$0x7ED] =	sst s14  }
0x75: {  	s1 =	smul.u32 $0x13C00, s1;
	s16 =	sadd.s32 $0x6F0, s3;
	[smem:$0x7EE] =	sst s15  }
0x76: {  	s6 =	ssub.s32 $0x2, s6;
	s17 =	sor.u32 $0x700, s3;
	[smem:$0x7EF] =	sst s16  }
0x77: {  	s8 =	sshll.u32 s8, $0x7;
	s18 =	sadd.s32 $0x710, s3;
	[smem:$0x7F0] =	sst s17  }
0x78: {  	s8 =	sand.u32 $0x380, s8;
	s19 =	sadd.s32 $0x720, s3;
	[smem:$0x7F1] =	sst s18  }
0x79: {  	s1 =	sor.u32 s1, s8;
	s20 =	sadd.s32 $0x730, s3;
	[smem:$0x7F2] =	sst s19  }
0x7a: {  	s5 =	sshrl.u32 s5, $0x2;
	[smem:$0x7F3] =	sst s20;
	s21 =	sadd.s32 $0x740, s3  }
0x7b: {  	s8 =	simm.s32 $0x4F00;
	s22 =	sadd.s32 $0x750, s3;
	[smem:$0x7F4] =	sst s21  }
0x7c: {  	s1 =	sshrl.u32 s1, $0x3;
	s23 =	sadd.s32 $0x760, s3;
	[smem:$0x7F5] =	sst s22  }
0x7d: {  	s5 =	sand.u32 $0x1FFE0, s5;
	s24 =	sadd.s32 $0x770, s3;
	[smem:$0x7F6] =	sst s23  }
0x7e: {  	s1 =	sadd.s32 s1, s7;
	s26 =	sor.u32 $0x780, s3;
	[smem:$0x7F7] =	sst s24  }
0x7f: {  	s7 =	simm.s32 $0x1;
	s28 =	sadd.s32 $0x790, s3;
	[smem:$0x7F8] =	sst s26  }
0x80: {  	s25 =	sshrl.u32 s6, $0x1;
	s29 =	sadd.s32 $0x7A0, s3;
	[smem:$0x7F9] =	sst s28  }
0x81: {  	s30 =	sadd.s32 $0x7B0, s3;
	s2 =	sadd.s32 s4, s5;
	[smem:$0x7FA] =	sst s29  }
0x82: {  	s31 =	sadd.s32 $0x7C0, s3;
	s5 =	sadd.s32 $0x1800, s1;
	[smem:$0x7FB] =	sst s2  }
0x83: {  	s11 =	simm.s32 $0x2;
	s6 =	ssub.s32 s6, s25;
	[smem:$0x7FC] =	sst s30  }
0x84: {  	v0 =	vimm.f32 $0.0e+00;
	v1 =	vimm.f32 $1.000000000e+00;
	s12 =	simm.s32 $0x0;
	[smem:$0x7FD] =	sst s31;
	s6 =	smax.u32 s6, $0x1  }
.LBB2_1:
0x85: {  	s1 =	sld [smem:$0x7FB];
	_ =	sdelay $0x1  }
0x86: {  	s0 =	simm.s32 $0x0  }
0x87: {  	[tilespmem:s0], [sflag:$0x1] =	stream.linear.gather [hbm4b:s1+s0], $0x4F00, $0x38;
	[tilespmem:$0x7680] =	vst v63  }
0x88: {  	s0 =	simm.s32 $0x4F20  }
0x89: {  	[tilespmem:s0+$0xFFFFFFE0] =	vst v0  }
0x8a: {  	[tilespmem:s0+$0x20] =	vst v0  }
0x8b: {  	[tilespmem:s0+$0x10] =	vst v0  }
0x8c: {  	s1 =	simm.s32 $0x0;
	[tilespmem:s0+$0x0] =	vst v0  }
.LBB2_2:
0x8d: {  	s1 =	sadd.s32 $0x5, s1  }
0x8e: {  	[tilespmem:s0+$0xFFFFFFF0] =	vst v0;
	s0 =	sadd.s32 $0x50, s0;
	p0 =	slt.u32 s1, $0x26C  }
.Ltmp0:
0x8f: {  	[tilespmem:s0+$0xFFFFFFE0] =	vst v0;
	(pc) =	sbr.rel @p0 .LBB2_2-.Ltmp0, $4  }
0x90: {  	_ = 	snop  }
0x91: {  	[tilespmem:s0+$0x20] =	vst v0  }
0x92: {  	[tilespmem:s0+$0x10] =	vst v0  }
0x93: {  	[tilespmem:s0+$0x0] =	vst v0  }
0x94: {  	[tilespmem:s0+$0xFFFFFFF0] =	vst v0  }
0x95: {  	_ =	swait.ge [sflag:s7], $0x4F00  }
0x96: {  	[sflag:s7] =	ssyncset.done $0x0  }
0x97: {  	s13 =	simm.s32 $0x0;
	[sflag:s7] =	ssyncadd.s32 $0xFFFFB100  }
.LBB2_4:
0x98: {  	s0 =	rddreg [dreg:$0x3]  }
0x99: {  	s16 =	rddreg [dreg:$0x4]  }
0x9a: {  	s17 =	rddreg [dreg:$0x5]  }
0x9b: {  	s25 =	rddreg [dreg:$0x6]  }
0x9c: {  	s20 =	rddreg [dreg:$0x7]  }
0x9d: {  	s21 =	rddreg [dreg:$0x8]  }
0x9e: {  	s31 =	rddreg [dreg:$0x9]  }
0x9f: {  	s14 =	sshll.u32 s13, $0x4;
	s22 =	rddreg [dreg:$0xa]  }
0xa0: {  	s10 =	rddreg [dreg:$0xc];
	s1 =	sadd.s32 s3, s14  }
0xa1: {  	s0 =	sadd.s32 s14, s0;
	s18 =	sadd.s32 s14, s16;
	s19 =	sadd.s32 s14, s17  }
0xa2: {  	s20 =	sadd.s32 s14, s20;
	s21 =	sadd.s32 s14, s21;
	s15 =	sshll.u32 s1, $0x1  }
0xa3: {  	s1 =	sand.u32 $0x70, s1;
	s23 =	sshll.u32 s0, $0x1;
	s0 =	sand.u32 $0x70, s0  }
0xa4: {  	s24 =	sshll.u32 s18, $0x1;
	s18 =	sand.u32 $0x70, s18;
	s26 =	sshll.u32 s19, $0x1  }
0xa5: {  	s28 =	sand.u32 $0x70, s19;
	s30 =	sshll.u32 s20, $0x1;
	s20 =	sand.u32 $0x70, s20  }
0xa6: {  	s2 =	sshll.u32 s21, $0x1;
	s21 =	sand.u32 $0x70, s21;
	s15 =	sand.u32 $0xFF00, s15  }
0xa7: {  	s15 =	sor.u32 s1, s15;
	s1 =	sand.u32 $0x1FF00, s23;
	s23 =	rddreg [dreg:$0xb]  }
0xa8: {  	s16 =	sor.u32 s0, s1;
	s0 =	sand.u32 $0x1FF00, s24;
	s1 =	sadd.s32 s14, s25  }
0xa9: {  	s24 =	sadd.s32 s14, s22;
	s25 =	sadd.s32 s14, s23;
	v2 =	vld [tilespmem:s15+$0x80];
	s17 =	sor.u32 s18, s0  }
0xaa: {  	s0 =	sand.u32 $0x1FF00, s26;
	s29 =	sshll.u32 s1, $0x1;
	s1 =	sand.u32 $0x70, s1;
	v3 =	vld [tilespmem:s16+$0x80]  }
0xab: {  	s9 =	sshll.u32 s24, $0x1;
	s18 =	sor.u32 s28, s0;
	s0 =	sand.u32 $0x1FF00, s29;
	v7 =	vld [tilespmem:s17+$0x80]  }
0xac: {  	s19 =	sor.u32 s1, s0;
	s0 =	sand.u32 $0x1FF00, s30;
	s1 =	sadd.s32 s14, s31;
	v37 =	vld [tilespmem:s18+$0x80]  }
0xad: {  	s20 =	sor.u32 s20, s0;
	s0 =	sand.u32 $0x1FF00, s2;
	s4 =	sshll.u32 s1, $0x1;
	v10 =	vld [tilespmem:s19+$0x80]  }
0xae: {  	s1 =	sand.u32 $0x70, s1;
	s21 =	sor.u32 s21, s0;
	s0 =	sand.u32 $0x1FF00, s4;
	v9 =	vld [tilespmem:s20+$0x80]  }
0xaf: {  	s24 =	sand.u32 $0x70, s24;
	s22 =	sor.u32 s1, s0;
	s0 =	sand.u32 $0x1FF00, s9;
	v13 =	vld [tilespmem:s21+$0x80]  }
0xb0: {  	s26 =	rddreg [dreg:$0xd];
	s28 =	sand.u32 $0x70, s25;
	s23 =	sor.u32 s24, s0;
	v36 =	vld [tilespmem:s22+$0x80]  }
0xb1: {  	s26 =	sadd.s32 s14, s26;
	s31 =	rddreg [dreg:$0xf];
	s24 =	sshll.u32 s25, $0x1;
	v15 =	vld [tilespmem:s23+$0x80]  }
0xb2: {  	s19 =	rddreg [dreg:$0x19];
	s1 =	sadd.s32 s14, s10;
	s0 =	sand.u32 $0x1FF00, s24;
	[tilespmem:v2+s8+$0x0] =	vst.idx.add.f32.msk $0xffff, v1  }
0xb3: {  	s10 =	rddreg [dreg:$0x12];
	s29 =	sshll.u32 s1, $0x1;
	s24 =	sor.u32 s28, s0;
	[tilespmem:v3+s8+$0x0] =	vst.idx.add.f32.msk $0xffff, v1  }
0xb4: {  	s21 =	rddreg [dreg:$0x1a];
	s1 =	sand.u32 $0x70, s1;
	s0 =	sand.u32 $0x1FF00, s29;
	v17 =	vld [tilespmem:s24+$0x80]  }
0xb5: {  	s30 =	sshll.u32 s26, $0x1;
	s23 =	rddreg [dreg:$0x1b];
	s25 =	sor.u32 s1, s0;
	[tilespmem:v7+s8+$0x0] =	vst.idx.add.f32.msk $0xffff, v1  }
0xb6: {  	s26 =	sand.u32 $0x70, s26;
	s28 =	rddreg [dreg:$0xe];
	s0 =	sand.u32 $0x1FF00, s30;
	v18 =	vld [tilespmem:s25+$0x80]  }
0xb7: {  	s29 =	rddreg [dreg:$0x10];
	s28 =	sadd.s32 s14, s28;
	s26 =	sor.u32 s26, s0;
	[tilespmem:v37+s8+$0x0] =	vst.idx.add.f32.msk $0xffff, v1  }
0xb8: {  	s1 =	sadd.s32 s14, s31;
	s30 =	rddreg [dreg:$0x11];
	s2 =	sshll.u32 s28, $0x1;
	v35 =	vld [tilespmem:s26+$0x80]  }
0xb9: {  	s31 =	sadd.s32 s14, s29;
	s28 =	sand.u32 $0x70, s28;
	s0 =	sand.u32 $0x1FF00, s2;
	[tilespmem:v10+s8+$0x0] =	vst.idx.add.f32.msk $0xffff, v1  }
0xba: {  	s4 =	sshll.u32 s1, $0x1;
	s1 =	sand.u32 $0x70, s1;
	s28 =	sor.u32 s28, s0;
	[tilespmem:v9+s8+$0x0] =	vst.idx.add.f32.msk $0xffff, v1  }
0xbb: {  	s9 =	sshll.u32 s31, $0x1;
	s31 =	sand.u32 $0x70, s31;
	s0 =	sand.u32 $0x1FF00, s4;
	v19 =	vld [tilespmem:s28+$0x80]  }
0xbc: {  	s25 =	rddreg [dreg:$0x1c];
	s2 =	sadd.s32 s14, s30;
	s29 =	sor.u32 s1, s0;
	[tilespmem:v13+s8+$0x0] =	vst.idx.add.f32.msk $0xffff, v1  }
0xbd: {  	s4 =	sshll.u32 s2, $0x1;
	s2 =	sand.u32 $0x70, s2;
	s0 =	sand.u32 $0x1FF00, s9;
	v22 =	vld [tilespmem:s29+$0x80]  }
0xbe: {  	s9 =	rddreg [dreg:$0x13];
	s1 =	sadd.s32 s14, s10;
	s30 =	sor.u32 s31, s0;
	[tilespmem:v36+s8+$0x0] =	vst.idx.add.f32.msk $0xffff, v1  }
0xbf: {  	s0 =	sand.u32 $0x1FF00, s4;
	s10 =	sshll.u32 s1, $0x1;
	s1 =	sand.u32 $0x70, s1;
	v27 =	vld [tilespmem:s30+$0x80]  }
0xc0: {  	s9 =	sadd.s32 s14, s9;
	s31 =	sor.u32 s2, s0;
	s0 =	sand.u32 $0x1FF00, s10;
	[tilespmem:v15+s8+$0x0] =	vst.idx.add.f32.msk $0xffff, v1  }
0xc1: {  	s28 =	rddreg [dreg:$0x1d];
	s4 =	sshll.u32 s9, $0x1;
	s1 =	sor.u32 s1, s0;
	v34 =	vld [tilespmem:s31+$0x80]  }
0xc2: {  	s2 =	rddreg [dreg:$0x14];
	s9 =	sand.u32 $0x70, s9;
	s0 =	sand.u32 $0x1FF00, s4;
	v25 =	vld [tilespmem:s1+$0x80]  }
0xc3: {  	s10 =	rddreg [dreg:$0x15];
	s2 =	sadd.s32 s14, s2;
	s0 =	sor.u32 s9, s0;
	[tilespmem:v17+s8+$0x0] =	vst.idx.add.f32.msk $0xffff, v1  }
0xc4: {  	s30 =	rddreg [dreg:$0x1e];
	s9 =	sshll.u32 s2, $0x1;
	v26 =	vld [tilespmem:s0+$0x80]  }
0xc5: {  	s10 =	sadd.s32 s14, s10;
	s2 =	sand.u32 $0x70, s2;
	s9 =	sand.u32 $0x1FF00, s9;
	[tilespmem:v18+s8+$0x0] =	vst.idx.add.f32.msk $0xffff, v1  }
0xc6: {  	s4 =	rddreg [dreg:$0x16];
	s15 =	sor.u32 s2, s9;
	s2 =	sshll.u32 s10, $0x1;
	[tilespmem:v35+s8+$0x0] =	vst.idx.add.f32.msk $0xffff, v1  }
0xc7: {  	s4 =	sadd.s32 s14, s4;
	s10 =	sand.u32 $0x70, s10;
	s2 =	sand.u32 $0x1FF00, s2;
	v31 =	vld [tilespmem:s15+$0x80]  }
0xc8: {  	s17 =	sshll.u32 s4, $0x1;
	s9 =	rddreg [dreg:$0x17];
	s16 =	sor.u32 s10, s2;
	[tilespmem:v19+s8+$0x0] =	vst.idx.add.f32.msk $0xffff, v1  }
0xc9: {  	s4 =	sand.u32 $0x70, s4;
	s9 =	sadd.s32 s14, s9;
	s2 =	sand.u32 $0x1FF00, s17;
	v33 =	vld [tilespmem:s16+$0x80]  }
0xca: {  	s31 =	sld [smem:$0x79F];
	s18 =	sshll.u32 s9, $0x1;
	s17 =	sor.u32 s4, s2;
	[tilespmem:v22+s8+$0x0] =	vst.idx.add.f32.msk $0xffff, v1  }
0xcb: {  	s10 =	rddreg [dreg:$0x18];
	s9 =	sand.u32 $0x70, s9;
	s2 =	sand.u32 $0x1FF00, s18;
	v32 =	vld [tilespmem:s17+$0x80]  }
0xcc: {  	s10 =	sadd.s32 s14, s10;
	s4 =	sadd.s32 s14, s19;
	s2 =	sor.u32 s9, s2;
	[tilespmem:v27+s8+$0x0] =	vst.idx.add.f32.msk $0xffff, v1  }
0xcd: {  	s18 =	sadd.s32 s14, s21;
	s19 =	sadd.s32 s14, s23;
	s20 =	sshll.u32 s10, $0x1;
	v30 =	vld [tilespmem:s2+$0x80]  }
0xce: {  	s10 =	sand.u32 $0x70, s10;
	s22 =	sshll.u32 s4, $0x1;
	s9 =	sand.u32 $0x1FF00, s20;
	[tilespmem:v34+s8+$0x0] =	vst.idx.add.f32.msk $0xffff, v1  }
0xcf: {  	s4 =	sand.u32 $0x70, s4;
	s24 =	sshll.u32 s18, $0x1;
	s9 =	sor.u32 s10, s9;
	[tilespmem:v25+s8+$0x0] =	vst.idx.add.f32.msk $0xffff, v1  }
0xd0: {  	s18 =	sand.u32 $0x70, s18;
	s26 =	sshll.u32 s19, $0x1;
	s10 =	sand.u32 $0x1FF00, s22;
	v28 =	vld [tilespmem:s9+$0x80]  }
0xd1: {  	s19 =	sand.u32 $0x70, s19;
	s4 =	sor.u32 s4, s10;
	s10 =	sand.u32 $0x1FF00, s24;
	[tilespmem:v26+s8+$0x0] =	vst.idx.add.f32.msk $0xffff, v1  }
0xd2: {  	s20 =	sadd.s32 s14, s25;
	s25 =	sadd.s32 s14, s30;
	s10 =	sor.u32 s18, s10;
	v29 =	vld [tilespmem:s4+$0x80]  }
0xd3: {  	s29 =	sshll.u32 s20, $0x1;
	s20 =	sand.u32 $0x70, s20;
	s18 =	sand.u32 $0x1FF00, s26;
	v24 =	vld [tilespmem:s10+$0x80]  }
0xd4: {  	s26 =	sshll.u32 s25, $0x1;
	s18 =	sor.u32 s19, s18;
	s19 =	sand.u32 $0x1FF00, s29;
	[tilespmem:v31+s8+$0x0] =	vst.idx.add.f32.msk $0xffff, v1  }
0xd5: {  	s29 =	sand.u32 $0x70, s25;
	s15 =	sand.u32 $0x1FF00, s26;
	s1 =	sor.u32 s20, s19;
	v23 =	vld [tilespmem:s18+$0x80]  }
0xd6: {  	s21 =	sadd.s32 s14, s28;
	s23 =	rddreg [dreg:$0x1f];
	s15 =	sor.u32 s29, s15;
	v20 =	vld [tilespmem:s1+$0x80]  }
0xd7: {  	s28 =	sld [smem:$0x79E];
	s17 =	sadd.s32 s14, s31;
	s20 =	sshll.u32 s21, $0x1;
	v16 =	vld [tilespmem:s15+$0x80]  }
0xd8: {  	s24 =	sand.u32 $0x70, s21;
	s19 =	sand.u32 $0x1FF00, s20;
	s20 =	sadd.s32 s14, s23;
	[tilespmem:v33+s8+$0x0] =	vst.idx.add.f32.msk $0xffff, v1  }
0xd9: {  	s26 =	sld [smem:$0x7A1];
	s0 =	sor.u32 s24, s19;
	s30 =	sshll.u32 s20, $0x1;
	[tilespmem:v32+s8+$0x0] =	vst.idx.add.f32.msk $0xffff, v1  }
0xda: {  	s21 =	sand.u32 $0x70, s20;
	s19 =	sadd.s32 s14, s28;
	s16 =	sand.u32 $0x1FF00, s30;
	v21 =	vld [tilespmem:s0+$0x80]  }
0xdb: {  	s23 =	sld [smem:$0x7A0];
	s22 =	sshll.u32 s19, $0x1;
	[tilespmem:v30+s8+$0x0] =	vst.idx.add.f32.msk $0xffff, v1;
	s2 =	sor.u32 s21, s16  }
0xdc: {  	s25 =	sshll.u32 s17, $0x1;
	s24 =	sand.u32 $0x70, s19;
	s9 =	sand.u32 $0x1FF00, s22;
	v14 =	vld [tilespmem:s2+$0x80]  }
0xdd: {  	s17 =	sand.u32 $0x70, s17;
	s10 =	sadd.s32 s14, s26;
	s4 =	sor.u32 s24, s9;
	[tilespmem:v28+s8+$0x0] =	vst.idx.add.f32.msk $0xffff, v1  }
0xde: {  	s26 =	sld [smem:$0x7A5];
	s16 =	sadd.s32 s14, s23;
	s9 =	sand.u32 $0x1FF00, s25;
	v11 =	vld [tilespmem:s4+$0x80]  }
0xdf: {  	s30 =	sld [smem:$0x7A2];
	s29 =	sshll.u32 s16, $0x1;
	s28 =	sor.u32 s17, s9;
	[tilespmem:v29+s8+$0x0] =	vst.idx.add.f32.msk $0xffff, v1  }
0xe0: {  	s15 =	sshll.u32 s10, $0x1;
	s31 =	sand.u32 $0x70, s16;
	s9 =	sand.u32 $0x1FF00, s29;
	v12 =	vld [tilespmem:s28+$0x80]  }
0xe1: {  	s18 =	sand.u32 $0x70, s10;
	s16 =	sld [smem:$0x7A3];
	s0 =	sor.u32 s31, s9;
	[tilespmem:v24+s8+$0x0] =	vst.idx.add.f32.msk $0xffff, v1  }
0xe2: {  	s21 =	sld [smem:$0x7A4];
	s19 =	sadd.s32 s14, s30;
	s9 =	sand.u32 $0x1FF00, s15;
	v8 =	vld [tilespmem:s0+$0x80]  }
0xe3: {  	s20 =	sshll.u32 s19, $0x1;
	s22 =	sand.u32 $0x70, s19;
	s2 =	sor.u32 s18, s9;
	[tilespmem:v23+s8+$0x0] =	vst.idx.add.f32.msk $0xffff, v1  }
0xe4: {  	s19 =	sld [smem:$0x7A8];
	s4 =	sand.u32 $0x1FF00, s20;
	s23 =	sadd.s32 s14, s16;
	v6 =	vld [tilespmem:s2+$0x80]  }
0xe5: {  	s9 =	sadd.s32 s14, s21;
	s24 =	sor.u32 s22, s4;
	s25 =	sshll.u32 s23, $0x1;
	[tilespmem:v20+s8+$0x0] =	vst.idx.add.f32.msk $0xffff, v1  }
0xe6: {  	s28 =	sand.u32 $0x70, s23;
	s30 =	sand.u32 $0x70, s9;
	s31 =	sshll.u32 s9, $0x1;
	[tilespmem:v16+s8+$0x0] =	vst.idx.add.f32.msk $0xffff, v1  }
0xe7: {  	s4 =	sadd.s32 s14, s26;
	s9 =	sld [smem:$0x7A6];
	s1 =	sand.u32 $0x1FF00, s25;
	v4 =	vld [tilespmem:s24+$0x80]  }
0xe8: {  	s2 =	sand.u32 $0x1FF00, s31;
	s10 =	sshll.u32 s4, $0x1;
	s29 =	sor.u32 s28, s1;
	[tilespmem:v21+s8+$0x0] =	vst.idx.add.f32.msk $0xffff, v1  }
0xe9: {  	s15 =	sand.u32 $0x70, s4;
	s0 =	sor.u32 s30, s2;
	s1 =	sand.u32 $0x1FF00, s10;
	v5 =	vld [tilespmem:s29+$0x80]  }
0xea: {  	s16 =	sld [smem:$0x7A7];
	v2 =	vld [tilespmem:s0+$0x80];
	s0 =	sor.u32 s15, s1  }
0xeb: {  	s23 =	sld [smem:$0x7A9];
	s17 =	sadd.s32 s14, s9;
	v3 =	vld [tilespmem:s0+$0x80]  }
0xec: {  	s26 =	sld [smem:$0x7AA];
	s18 =	sshll.u32 s17, $0x1;
	[tilespmem:v14+s8+$0x0] =	vst.idx.add.f32.msk $0xffff, v1  }
0xed: {  	s2 =	sadd.s32 s14, s16;
	s1 =	sand.u32 $0x70, s17;
	s0 =	sand.u32 $0x1FF00, s18;
	[tilespmem:v11+s8+$0x0] =	vst.idx.add.f32.msk $0xffff, v1  }
0xee: {  	s20 =	sand.u32 $0x70, s2;
	s2 =	sshll.u32 s2, $0x1;
	s0 =	sor.u32 s1, s0;
	[tilespmem:v12+s8+$0x0] =	vst.idx.add.f32.msk $0xffff, v1  }
0xef: {  	s22 =	sadd.s32 s14, s19;
	s19 =	sld [smem:$0x7AE];
	s21 =	sand.u32 $0x1FF00, s2;
	v55 =	vld [tilespmem:s0+$0x80]  }
0xf0: {  	s24 =	sshll.u32 s22, $0x1;
	s25 =	sand.u32 $0x70, s22;
	s0 =	sor.u32 s20, s21;
	[tilespmem:v8+s8+$0x0] =	vst.idx.add.f32.msk $0xffff, v1  }
0xf1: {  	s30 =	sld [smem:$0x7AB];
	s28 =	sadd.s32 s14, s23;
	s1 =	sand.u32 $0x1FF00, s24;
	v56 =	vld [tilespmem:s0+$0x80]  }
0xf2: {  	s16 =	sld [smem:$0x7AD];
	s29 =	sshll.u32 s28, $0x1;
	s0 =	sor.u32 s25, s1;
	[tilespmem:v6+s8+$0x0] =	vst.idx.add.f32.msk $0xffff, v1  }
0xf3: {  	s9 =	sld [smem:$0x7AC];
	s1 =	sand.u32 $0x70, s28;
	v57 =	vld [tilespmem:s0+$0x80];
	s0 =	sand.u32 $0x1FF00, s29  }
0xf4: {  	s23 =	sld [smem:$0x7AF];
	s2 =	sadd.s32 s14, s26;
	[tilespmem:v4+s8+$0x0] =	vst.idx.add.f32.msk $0xffff, v1;
	s0 =	sor.u32 s1, s0  }
0xf5: {  	s31 =	sand.u32 $0x70, s2;
	s2 =	sshll.u32 s2, $0x1;
	s4 =	sadd.s32 s14, s30;
	v58 =	vld [tilespmem:s0+$0x80]  }
0xf6: {  	s2 =	sand.u32 $0x1FF00, s2;
	s10 =	sshll.u32 s4, $0x1;
	s15 =	sand.u32 $0x70, s4;
	[tilespmem:v5+s8+$0x0] =	vst.idx.add.f32.msk $0xffff, v1  }
0xf7: {  	s17 =	sadd.s32 s14, s9;
	s1 =	sand.u32 $0x1FF00, s10;
	s0 =	sor.u32 s31, s2;
	[tilespmem:v2+s8+$0x0] =	vst.idx.add.f32.msk $0xffff, v1  }
0xf8: {  	s26 =	sld [smem:$0x7B0];
	s18 =	sshll.u32 s17, $0x1;
	v59 =	vld [tilespmem:s0+$0x80];
	s0 =	sor.u32 s15, s1  }
0xf9: {  	s2 =	sadd.s32 s14, s16;
	s1 =	sand.u32 $0x70, s17;
	v60 =	vld [tilespmem:s0+$0x80];
	s0 =	sand.u32 $0x1FF00, s18  }
0xfa: {  	s20 =	sand.u32 $0x70, s2;
	s2 =	sshll.u32 s2, $0x1;
	[tilespmem:v3+s8+$0x0] =	vst.idx.add.f32.msk $0xffff, v1;
	s0 =	sor.u32 s1, s0  }
0xfb: {  	s22 =	sadd.s32 s14, s19;
	s19 =	sld [smem:$0x7B4];
	s21 =	sand.u32 $0x1FF00, s2;
	v61 =	vld [tilespmem:s0+$0x80]  }
0xfc: {  	s30 =	sld [smem:$0x7B1];
	s24 =	sshll.u32 s22, $0x1;
	s0 =	sor.u32 s20, s21;
	[tilespmem:v55+s8+$0x0] =	vst.idx.add.f32.msk $0xffff, v1  }
0xfd: {  	s25 =	sand.u32 $0x70, s22;
	s28 =	sadd.s32 s14, s23;
	s1 =	sand.u32 $0x1FF00, s24;
	v62 =	vld [tilespmem:s0+$0x80]  }
0xfe: {  	s9 =	sld [smem:$0x7B2];
	s29 =	sshll.u32 s28, $0x1;
	s0 =	sor.u32 s25, s1;
	[tilespmem:v56+s8+$0x0] =	vst.idx.add.f32.msk $0xffff, v1  }
0xff: {  	s2 =	sadd.s32 s14, s26;
	s1 =	sand.u32 $0x70, s28;
	v63 =	vld [tilespmem:s0+$0x80];
	s0 =	sand.u32 $0x1FF00, s29  }
0x100: {  	s31 =	sand.u32 $0x70, s2;
	s2 =	sshll.u32 s2, $0x1;
	[tilespmem:v57+s8+$0x0] =	vst.idx.add.f32.msk $0xffff, v1;
	s0 =	sor.u32 s1, s0  }
0x101: {  	s4 =	sadd.s32 s14, s30;
	s23 =	sld [smem:$0x7B5];
	s2 =	sand.u32 $0x1FF00, s2;
	v36 =	vld [tilespmem:s0+$0x80]  }
0x102: {  	s10 =	sshll.u32 s4, $0x1;
	s16 =	sld [smem:$0x7B3];
	s0 =	sor.u32 s31, s2;
	[tilespmem:v58+s8+$0x0] =	vst.idx.add.f32.msk $0xffff, v1  }
0x103: {  	s15 =	sand.u32 $0x70, s4;
	s17 =	sadd.s32 s14, s9;
	s1 =	sand.u32 $0x1FF00, s10;
	v37 =	vld [tilespmem:s0+$0x80]  }
0x104: {  	s30 =	sld [smem:$0x7B7];
	s18 =	sshll.u32 s17, $0x1;
	s0 =	sor.u32 s15, s1;
	[tilespmem:v59+s8+$0x0] =	vst.idx.add.f32.msk $0xffff, v1  }
0x105: {  	s2 =	sadd.s32 s14, s16;
	s1 =	sand.u32 $0x70, s17;
	v38 =	vld [tilespmem:s0+$0x80];
	s0 =	sand.u32 $0x1FF00, s18  }
0x106: {  	s20 =	sand.u32 $0x70, s2;
	s2 =	sshll.u32 s2, $0x1;
	[tilespmem:v60+s8+$0x0] =	vst.idx.add.f32.msk $0xffff, v1;
	s0 =	sor.u32 s1, s0  }
0x107: {  	s22 =	sadd.s32 s14, s19;
	s19 =	sld [smem:$0x7BA];
	s21 =	sand.u32 $0x1FF00, s2;
	v39 =	vld [tilespmem:s0+$0x80]  }
0x108: {  	s26 =	sld [smem:$0x7B6];
	s24 =	sshll.u32 s22, $0x1;
	s0 =	sor.u32 s20, s21;
	[tilespmem:v61+s8+$0x0] =	vst.idx.add.f32.msk $0xffff, v1  }
0x109: {  	s25 =	sand.u32 $0x70, s22;
	s28 =	sadd.s32 s14, s23;
	s1 =	sand.u32 $0x1FF00, s24;
	v40 =	vld [tilespmem:s0+$0x80]  }
0x10a: {  	s9 =	sld [smem:$0x7B8];
	s29 =	sshll.u32 s28, $0x1;
	s0 =	sor.u32 s25, s1;
	[tilespmem:v62+s8+$0x0] =	vst.idx.add.f32.msk $0xffff, v1  }
0x10b: {  	s2 =	sadd.s32 s14, s26;
	s1 =	sand.u32 $0x70, s28;
	v41 =	vld [tilespmem:s0+$0x80];
	s0 =	sand.u32 $0x1FF00, s29  }
0x10c: {  	s31 =	sand.u32 $0x70, s2;
	s2 =	sshll.u32 s2, $0x1;
	[tilespmem:v63+s8+$0x0] =	vst.idx.add.f32.msk $0xffff, v1;
	s0 =	sor.u32 s1, s0  }
0x10d: {  	s4 =	sadd.s32 s14, s30;
	s30 =	sld [smem:$0x7BD];
	s2 =	sand.u32 $0x1FF00, s2;
	v42 =	vld [tilespmem:s0+$0x80]  }
0x10e: {  	s10 =	sshll.u32 s4, $0x1;
	s16 =	sld [smem:$0x7B9];
	s0 =	sor.u32 s31, s2;
	[tilespmem:v36+s8+$0x0] =	vst.idx.add.f32.msk $0xffff, v1  }
0x10f: {  	s15 =	sand.u32 $0x70, s4;
	s17 =	sadd.s32 s14, s9;
	s1 =	sand.u32 $0x1FF00, s10;
	v43 =	vld [tilespmem:s0+$0x80]  }
0x110: {  	s23 =	sld [smem:$0x7BB];
	s18 =	sshll.u32 s17, $0x1;
	s0 =	sor.u32 s15, s1;
	[tilespmem:v37+s8+$0x0] =	vst.idx.add.f32.msk $0xffff, v1  }
0x111: {  	s2 =	sadd.s32 s14, s16;
	s1 =	sand.u32 $0x70, s17;
	v44 =	vld [tilespmem:s0+$0x80];
	s0 =	sand.u32 $0x1FF00, s18  }
0x112: {  	s20 =	sand.u32 $0x70, s2;
	s2 =	sshll.u32 s2, $0x1;
	[tilespmem:v38+s8+$0x0] =	vst.idx.add.f32.msk $0xffff, v1;
	s0 =	sor.u32 s1, s0  }
0x113: {  	s22 =	sadd.s32 s14, s19;
	s19 =	sld [smem:$0x7C0];
	s21 =	sand.u32 $0x1FF00, s2;
	v45 =	vld [tilespmem:s0+$0x80]  }
0x114: {  	s26 =	sld [smem:$0x7BC];
	s24 =	sshll.u32 s22, $0x1;
	s0 =	sor.u32 s20, s21;
	[tilespmem:v39+s8+$0x0] =	vst.idx.add.f32.msk $0xffff, v1  }
0x115: {  	s25 =	sand.u32 $0x70, s22;
	s28 =	sadd.s32 s14, s23;
	s1 =	sand.u32 $0x1FF00, s24;
	v46 =	vld [tilespmem:s0+$0x80]  }
0x116: {  	s9 =	sld [smem:$0x7BE];
	s29 =	sshll.u32 s28, $0x1;
	s0 =	sor.u32 s25, s1;
	[tilespmem:v40+s8+$0x0] =	vst.idx.add.f32.msk $0xffff, v1  }
0x117: {  	s2 =	sadd.s32 s14, s26;
	s1 =	sand.u32 $0x70, s28;
	v47 =	vld [tilespmem:s0+$0x80];
	s0 =	sand.u32 $0x1FF00, s29  }
0x118: {  	s31 =	sand.u32 $0x70, s2;
	s2 =	sshll.u32 s2, $0x1;
	[tilespmem:v41+s8+$0x0] =	vst.idx.add.f32.msk $0xffff, v1;
	s0 =	sor.u32 s1, s0  }
0x119: {  	s4 =	sadd.s32 s14, s30;
	s30 =	sld [smem:$0x7C3];
	s2 =	sand.u32 $0x1FF00, s2;
	v48 =	vld [tilespmem:s0+$0x80]  }
0x11a: {  	s10 =	sshll.u32 s4, $0x1;
	s16 =	sld [smem:$0x7BF];
	s0 =	sor.u32 s31, s2;
	[tilespmem:v42+s8+$0x0] =	vst.idx.add.f32.msk $0xffff, v1  }
0x11b: {  	s15 =	sand.u32 $0x70, s4;
	s17 =	sadd.s32 s14, s9;
	s1 =	sand.u32 $0x1FF00, s10;
	v49 =	vld [tilespmem:s0+$0x80]  }
0x11c: {  	s23 =	sld [smem:$0x7C1];
	s18 =	sshll.u32 s17, $0x1;
	s0 =	sor.u32 s15, s1;
	[tilespmem:v43+s8+$0x0] =	vst.idx.add.f32.msk $0xffff, v1  }
0x11d: {  	s2 =	sadd.s32 s14, s16;
	s1 =	sand.u32 $0x70, s17;
	v50 =	vld [tilespmem:s0+$0x80];
	s0 =	sand.u32 $0x1FF00, s18  }
0x11e: {  	s20 =	sand.u32 $0x70, s2;
	s2 =	sshll.u32 s2, $0x1;
	[tilespmem:v44+s8+$0x0] =	vst.idx.add.f32.msk $0xffff, v1;
	s0 =	sor.u32 s1, s0  }
0x11f: {  	s22 =	sadd.s32 s14, s19;
	s19 =	sld [smem:$0x7C6];
	s21 =	sand.u32 $0x1FF00, s2;
	v51 =	vld [tilespmem:s0+$0x80]  }
0x120: {  	s26 =	sld [smem:$0x7C2];
	s24 =	sshll.u32 s22, $0x1;
	s0 =	sor.u32 s20, s21;
	[tilespmem:v45+s8+$0x0] =	vst.idx.add.f32.msk $0xffff, v1  }
0x121: {  	s25 =	sand.u32 $0x70, s22;
	s28 =	sadd.s32 s14, s23;
	s1 =	sand.u32 $0x1FF00, s24;
	v52 =	vld [tilespmem:s0+$0x80]  }
0x122: {  	s9 =	sld [smem:$0x7C4];
	s29 =	sshll.u32 s28, $0x1;
	s0 =	sor.u32 s25, s1;
	[tilespmem:v46+s8+$0x0] =	vst.idx.add.f32.msk $0xffff, v1  }
0x123: {  	s2 =	sadd.s32 s14, s26;
	s1 =	sand.u32 $0x70, s28;
	v2 =	vld [tilespmem:s0+$0x80];
	s0 =	sand.u32 $0x1FF00, s29  }
0x124: {  	s31 =	sand.u32 $0x70, s2;
	s2 =	sshll.u32 s2, $0x1;
	[tilespmem:v47+s8+$0x0] =	vst.idx.add.f32.msk $0xffff, v1;
	s0 =	sor.u32 s1, s0  }
0x125: {  	s4 =	sadd.s32 s14, s30;
	s30 =	sld [smem:$0x7C9];
	s2 =	sand.u32 $0x1FF00, s2;
	v3 =	vld [tilespmem:s0+$0x80]  }
0x126: {  	s10 =	sshll.u32 s4, $0x1;
	s16 =	sld [smem:$0x7C5];
	s0 =	sor.u32 s31, s2;
	[tilespmem:v48+s8+$0x0] =	vst.idx.add.f32.msk $0xffff, v1  }
0x127: {  	s15 =	sand.u32 $0x70, s4;
	s17 =	sadd.s32 s14, s9;
	s1 =	sand.u32 $0x1FF00, s10;
	v53 =	vld [tilespmem:s0+$0x80]  }
0x128: {  	s23 =	sld [smem:$0x7C7];
	s18 =	sshll.u32 s17, $0x1;
	s0 =	sor.u32 s15, s1;
	[tilespmem:v49+s8+$0x0] =	vst.idx.add.f32.msk $0xffff, v1  }
0x129: {  	s2 =	sadd.s32 s14, s16;
	s1 =	sand.u32 $0x70, s17;
	v54 =	vld [tilespmem:s0+$0x80];
	s0 =	sand.u32 $0x1FF00, s18  }
0x12a: {  	s20 =	sand.u32 $0x70, s2;
	s2 =	sshll.u32 s2, $0x1;
	[tilespmem:v50+s8+$0x0] =	vst.idx.add.f32.msk $0xffff, v1;
	s0 =	sor.u32 s1, s0  }
0x12b: {  	s22 =	sadd.s32 s14, s19;
	s19 =	sld [smem:$0x7CC];
	s21 =	sand.u32 $0x1FF00, s2;
	v55 =	vld [tilespmem:s0+$0x80]  }
0x12c: {  	s26 =	sld [smem:$0x7C8];
	s24 =	sshll.u32 s22, $0x1;
	s0 =	sor.u32 s20, s21;
	[tilespmem:v51+s8+$0x0] =	vst.idx.add.f32.msk $0xffff, v1  }
0x12d: {  	s25 =	sand.u32 $0x70, s22;
	s28 =	sadd.s32 s14, s23;
	s1 =	sand.u32 $0x1FF00, s24;
	v56 =	vld [tilespmem:s0+$0x80]  }
0x12e: {  	s9 =	sld [smem:$0x7CA];
	s29 =	sshll.u32 s28, $0x1;
	s0 =	sor.u32 s25, s1;
	[tilespmem:v52+s8+$0x0] =	vst.idx.add.f32.msk $0xffff, v1  }
0x12f: {  	s2 =	sadd.s32 s14, s26;
	s1 =	sand.u32 $0x70, s28;
	v57 =	vld [tilespmem:s0+$0x80];
	s0 =	sand.u32 $0x1FF00, s29  }
0x130: {  	s31 =	sand.u32 $0x70, s2;
	s2 =	sshll.u32 s2, $0x1;
	[tilespmem:v2+s8+$0x0] =	vst.idx.add.f32.msk $0xffff, v1;
	s0 =	sor.u32 s1, s0  }
0x131: {  	s4 =	sadd.s32 s14, s30;
	s30 =	sld [smem:$0x7CF];
	s2 =	sand.u32 $0x1FF00, s2;
	v58 =	vld [tilespmem:s0+$0x80]  }
0x132: {  	s10 =	sshll.u32 s4, $0x1;
	s16 =	sld [smem:$0x7CB];
	s0 =	sor.u32 s31, s2;
	[tilespmem:v3+s8+$0x0] =	vst.idx.add.f32.msk $0xffff, v1  }
0x133: {  	s15 =	sand.u32 $0x70, s4;
	s17 =	sadd.s32 s14, s9;
	s1 =	sand.u32 $0x1FF00, s10;
	v59 =	vld [tilespmem:s0+$0x80]  }
0x134: {  	s23 =	sld [smem:$0x7CD];
	s18 =	sshll.u32 s17, $0x1;
	s0 =	sor.u32 s15, s1;
	[tilespmem:v53+s8+$0x0] =	vst.idx.add.f32.msk $0xffff, v1  }
0x135: {  	s2 =	sadd.s32 s14, s16;
	s1 =	sand.u32 $0x70, s17;
	v60 =	vld [tilespmem:s0+$0x80];
	s0 =	sand.u32 $0x1FF00, s18  }
0x136: {  	s20 =	sand.u32 $0x70, s2;
	s2 =	sshll.u32 s2, $0x1;
	[tilespmem:v54+s8+$0x0] =	vst.idx.add.f32.msk $0xffff, v1;
	s0 =	sor.u32 s1, s0  }
0x137: {  	s22 =	sadd.s32 s14, s19;
	s19 =	sld [smem:$0x7D2];
	s21 =	sand.u32 $0x1FF00, s2;
	v61 =	vld [tilespmem:s0+$0x80]  }
0x138: {  	s26 =	sld [smem:$0x7CE];
	s24 =	sshll.u32 s22, $0x1;
	s0 =	sor.u32 s20, s21;
	[tilespmem:v55+s8+$0x0] =	vst.idx.add.f32.msk $0xffff, v1  }
0x139: {  	s25 =	sand.u32 $0x70, s22;
	s28 =	sadd.s32 s14, s23;
	s1 =	sand.u32 $0x1FF00, s24;
	v62 =	vld [tilespmem:s0+$0x80]  }
0x13a: {  	s9 =	sld [smem:$0x7D0];
	s29 =	sshll.u32 s28, $0x1;
	s0 =	sor.u32 s25, s1;
	[tilespmem:v56+s8+$0x0] =	vst.idx.add.f32.msk $0xffff, v1  }
0x13b: {  	s2 =	sadd.s32 s14, s26;
	s1 =	sand.u32 $0x70, s28;
	v63 =	vld [tilespmem:s0+$0x80];
	s0 =	sand.u32 $0x1FF00, s29  }
0x13c: {  	s31 =	sand.u32 $0x70, s2;
	s2 =	sshll.u32 s2, $0x1;
	[tilespmem:v57+s8+$0x0] =	vst.idx.add.f32.msk $0xffff, v1;
	s0 =	sor.u32 s1, s0  }
0x13d: {  	s4 =	sadd.s32 s14, s30;
	s30 =	sld [smem:$0x7D5];
	s2 =	sand.u32 $0x1FF00, s2;
	v24 =	vld [tilespmem:s0+$0x80]  }
0x13e: {  	s10 =	sshll.u32 s4, $0x1;
	s16 =	sld [smem:$0x7D1];
	s0 =	sor.u32 s31, s2;
	[tilespmem:v58+s8+$0x0] =	vst.idx.add.f32.msk $0xffff, v1  }
0x13f: {  	s15 =	sand.u32 $0x70, s4;
	s17 =	sadd.s32 s14, s9;
	s1 =	sand.u32 $0x1FF00, s10;
	v25 =	vld [tilespmem:s0+$0x80]  }
0x140: {  	s23 =	sld [smem:$0x7D3];
	s18 =	sshll.u32 s17, $0x1;
	s0 =	sor.u32 s15, s1;
	[tilespmem:v59+s8+$0x0] =	vst.idx.add.f32.msk $0xffff, v1  }
0x141: {  	s2 =	sadd.s32 s14, s16;
	s1 =	sand.u32 $0x70, s17;
	v26 =	vld [tilespmem:s0+$0x80];
	s0 =	sand.u32 $0x1FF00, s18  }
0x142: {  	s20 =	sand.u32 $0x70, s2;
	s2 =	sshll.u32 s2, $0x1;
	[tilespmem:v60+s8+$0x0] =	vst.idx.add.f32.msk $0xffff, v1;
	s0 =	sor.u32 s1, s0  }
0x143: {  	s22 =	sadd.s32 s14, s19;
	s19 =	sld [smem:$0x7D8];
	s21 =	sand.u32 $0x1FF00, s2;
	v27 =	vld [tilespmem:s0+$0x80]  }
0x144: {  	s26 =	sld [smem:$0x7D4];
	s24 =	sshll.u32 s22, $0x1;
	s0 =	sor.u32 s20, s21;
	[tilespmem:v61+s8+$0x0] =	vst.idx.add.f32.msk $0xffff, v1  }
0x145: {  	s25 =	sand.u32 $0x70, s22;
	s28 =	sadd.s32 s14, s23;
	s1 =	sand.u32 $0x1FF00, s24;
	v28 =	vld [tilespmem:s0+$0x80]  }
0x146: {  	s9 =	sld [smem:$0x7D6];
	s29 =	sshll.u32 s28, $0x1;
	s0 =	sor.u32 s25, s1;
	[tilespmem:v62+s8+$0x0] =	vst.idx.add.f32.msk $0xffff, v1  }
0x147: {  	s2 =	sadd.s32 s14, s26;
	s1 =	sand.u32 $0x70, s28;
	v29 =	vld [tilespmem:s0+$0x80];
	s0 =	sand.u32 $0x1FF00, s29  }
0x148: {  	s31 =	sand.u32 $0x70, s2;
	s2 =	sshll.u32 s2, $0x1;
	[tilespmem:v63+s8+$0x0] =	vst.idx.add.f32.msk $0xffff, v1;
	s0 =	sor.u32 s1, s0  }
0x149: {  	s4 =	sadd.s32 s14, s30;
	s30 =	sld [smem:$0x7DB];
	s2 =	sand.u32 $0x1FF00, s2;
	v30 =	vld [tilespmem:s0+$0x80]  }
0x14a: {  	s10 =	sshll.u32 s4, $0x1;
	s16 =	sld [smem:$0x7D7];
	s0 =	sor.u32 s31, s2;
	[tilespmem:v24+s8+$0x0] =	vst.idx.add.f32.msk $0xffff, v1  }
0x14b: {  	s15 =	sand.u32 $0x70, s4;
	s17 =	sadd.s32 s14, s9;
	s1 =	sand.u32 $0x1FF00, s10;
	v2 =	vld [tilespmem:s0+$0x80]  }
0x14c: {  	s23 =	sld [smem:$0x7D9];
	s18 =	sshll.u32 s17, $0x1;
	s0 =	sor.u32 s15, s1;
	[tilespmem:v25+s8+$0x0] =	vst.idx.add.f32.msk $0xffff, v1  }
0x14d: {  	s2 =	sadd.s32 s14, s16;
	s1 =	sand.u32 $0x70, s17;
	v3 =	vld [tilespmem:s0+$0x80];
	s0 =	sand.u32 $0x1FF00, s18  }
0x14e: {  	s20 =	sand.u32 $0x70, s2;
	s2 =	sshll.u32 s2, $0x1;
	[tilespmem:v26+s8+$0x0] =	vst.idx.add.f32.msk $0xffff, v1;
	s0 =	sor.u32 s1, s0  }
0x14f: {  	s22 =	sadd.s32 s14, s19;
	s19 =	sld [smem:$0x7DE];
	s21 =	sand.u32 $0x1FF00, s2;
	v31 =	vld [tilespmem:s0+$0x80]  }
0x150: {  	s26 =	sld [smem:$0x7DA];
	s24 =	sshll.u32 s22, $0x1;
	s0 =	sor.u32 s20, s21;
	[tilespmem:v27+s8+$0x0] =	vst.idx.add.f32.msk $0xffff, v1  }
0x151: {  	s25 =	sand.u32 $0x70, s22;
	s28 =	sadd.s32 s14, s23;
	s1 =	sand.u32 $0x1FF00, s24;
	v32 =	vld [tilespmem:s0+$0x80]  }
0x152: {  	s9 =	sld [smem:$0x7DC];
	s29 =	sshll.u32 s28, $0x1;
	s0 =	sor.u32 s25, s1;
	[tilespmem:v28+s8+$0x0] =	vst.idx.add.f32.msk $0xffff, v1  }
0x153: {  	s2 =	sadd.s32 s14, s26;
	s1 =	sand.u32 $0x70, s28;
	v33 =	vld [tilespmem:s0+$0x80];
	s0 =	sand.u32 $0x1FF00, s29  }
0x154: {  	s31 =	sand.u32 $0x70, s2;
	s2 =	sshll.u32 s2, $0x1;
	[tilespmem:v29+s8+$0x0] =	vst.idx.add.f32.msk $0xffff, v1;
	s0 =	sor.u32 s1, s0  }
0x155: {  	s4 =	sadd.s32 s14, s30;
	s30 =	sld [smem:$0x7E1];
	s2 =	sand.u32 $0x1FF00, s2;
	v34 =	vld [tilespmem:s0+$0x80]  }
0x156: {  	s10 =	sshll.u32 s4, $0x1;
	s16 =	sld [smem:$0x7DD];
	s0 =	sor.u32 s31, s2;
	[tilespmem:v30+s8+$0x0] =	vst.idx.add.f32.msk $0xffff, v1  }
0x157: {  	s15 =	sand.u32 $0x70, s4;
	s17 =	sadd.s32 s14, s9;
	s1 =	sand.u32 $0x1FF00, s10;
	v35 =	vld [tilespmem:s0+$0x80]  }
0x158: {  	s23 =	sld [smem:$0x7DF];
	s18 =	sshll.u32 s17, $0x1;
	s0 =	sor.u32 s15, s1;
	[tilespmem:v2+s8+$0x0] =	vst.idx.add.f32.msk $0xffff, v1  }
0x159: {  	s2 =	sadd.s32 s14, s16;
	s1 =	sand.u32 $0x70, s17;
	v36 =	vld [tilespmem:s0+$0x80];
	s0 =	sand.u32 $0x1FF00, s18  }
0x15a: {  	s20 =	sand.u32 $0x70, s2;
	s2 =	sshll.u32 s2, $0x1;
	[tilespmem:v3+s8+$0x0] =	vst.idx.add.f32.msk $0xffff, v1;
	s0 =	sor.u32 s1, s0  }
0x15b: {  	s22 =	sadd.s32 s14, s19;
	s19 =	sld [smem:$0x7E4];
	s21 =	sand.u32 $0x1FF00, s2;
	v37 =	vld [tilespmem:s0+$0x80]  }
0x15c: {  	s26 =	sld [smem:$0x7E0];
	s24 =	sshll.u32 s22, $0x1;
	s0 =	sor.u32 s20, s21;
	[tilespmem:v31+s8+$0x0] =	vst.idx.add.f32.msk $0xffff, v1  }
0x15d: {  	s25 =	sand.u32 $0x70, s22;
	s28 =	sadd.s32 s14, s23;
	s1 =	sand.u32 $0x1FF00, s24;
	v38 =	vld [tilespmem:s0+$0x80]  }
0x15e: {  	s9 =	sld [smem:$0x7E2];
	s29 =	sshll.u32 s28, $0x1;
	s0 =	sor.u32 s25, s1;
	[tilespmem:v32+s8+$0x0] =	vst.idx.add.f32.msk $0xffff, v1  }
0x15f: {  	s2 =	sadd.s32 s14, s26;
	s1 =	sand.u32 $0x70, s28;
	v39 =	vld [tilespmem:s0+$0x80];
	s0 =	sand.u32 $0x1FF00, s29  }
0x160: {  	s31 =	sand.u32 $0x70, s2;
	s2 =	sshll.u32 s2, $0x1;
	[tilespmem:v33+s8+$0x0] =	vst.idx.add.f32.msk $0xffff, v1;
	s0 =	sor.u32 s1, s0  }
0x161: {  	s4 =	sadd.s32 s14, s30;
	s30 =	sld [smem:$0x7E7];
	s2 =	sand.u32 $0x1FF00, s2;
	v40 =	vld [tilespmem:s0+$0x80]  }
0x162: {  	s10 =	sshll.u32 s4, $0x1;
	s16 =	sld [smem:$0x7E3];
	s0 =	sor.u32 s31, s2;
	[tilespmem:v34+s8+$0x0] =	vst.idx.add.f32.msk $0xffff, v1  }
0x163: {  	s15 =	sand.u32 $0x70, s4;
	s17 =	sadd.s32 s14, s9;
	s1 =	sand.u32 $0x1FF00, s10;
	v41 =	vld [tilespmem:s0+$0x80]  }
0x164: {  	s23 =	sld [smem:$0x7E5];
	s18 =	sshll.u32 s17, $0x1;
	s0 =	sor.u32 s15, s1;
	[tilespmem:v35+s8+$0x0] =	vst.idx.add.f32.msk $0xffff, v1  }
0x165: {  	s2 =	sadd.s32 s14, s16;
	s1 =	sand.u32 $0x70, s17;
	v42 =	vld [tilespmem:s0+$0x80];
	s0 =	sand.u32 $0x1FF00, s18  }
0x166: {  	s20 =	sand.u32 $0x70, s2;
	s2 =	sshll.u32 s2, $0x1;
	[tilespmem:v36+s8+$0x0] =	vst.idx.add.f32.msk $0xffff, v1;
	s0 =	sor.u32 s1, s0  }
0x167: {  	s22 =	sadd.s32 s14, s19;
	s19 =	sld [smem:$0x7EA];
	s21 =	sand.u32 $0x1FF00, s2;
	v43 =	vld [tilespmem:s0+$0x80]  }
0x168: {  	s26 =	sld [smem:$0x7E6];
	s24 =	sshll.u32 s22, $0x1;
	s0 =	sor.u32 s20, s21;
	[tilespmem:v37+s8+$0x0] =	vst.idx.add.f32.msk $0xffff, v1  }
0x169: {  	s25 =	sand.u32 $0x70, s22;
	s28 =	sadd.s32 s14, s23;
	s1 =	sand.u32 $0x1FF00, s24;
	v2 =	vld [tilespmem:s0+$0x80]  }
0x16a: {  	s9 =	sld [smem:$0x7E8];
	s29 =	sshll.u32 s28, $0x1;
	s0 =	sor.u32 s25, s1;
	[tilespmem:v38+s8+$0x0] =	vst.idx.add.f32.msk $0xffff, v1  }
0x16b: {  	s2 =	sadd.s32 s14, s26;
	s1 =	sand.u32 $0x70, s28;
	v3 =	vld [tilespmem:s0+$0x80];
	s0 =	sand.u32 $0x1FF00, s29  }
0x16c: {  	s31 =	sand.u32 $0x70, s2;
	s2 =	sshll.u32 s2, $0x1;
	[tilespmem:v39+s8+$0x0] =	vst.idx.add.f32.msk $0xffff, v1;
	s0 =	sor.u32 s1, s0  }
0x16d: {  	s4 =	sadd.s32 s14, s30;
	s30 =	sld [smem:$0x7ED];
	s2 =	sand.u32 $0x1FF00, s2;
	v44 =	vld [tilespmem:s0+$0x80]  }
0x16e: {  	s10 =	sshll.u32 s4, $0x1;
	s16 =	sld [smem:$0x7E9];
	s0 =	sor.u32 s31, s2;
	[tilespmem:v40+s8+$0x0] =	vst.idx.add.f32.msk $0xffff, v1  }
0x16f: {  	s15 =	sand.u32 $0x70, s4;
	s17 =	sadd.s32 s14, s9;
	s1 =	sand.u32 $0x1FF00, s10;
	v45 =	vld [tilespmem:s0+$0x80]  }
0x170: {  	s23 =	sld [smem:$0x7EB];
	s18 =	sshll.u32 s17, $0x1;
	s0 =	sor.u32 s15, s1;
	[tilespmem:v41+s8+$0x0] =	vst.idx.add.f32.msk $0xffff, v1  }
0x171: {  	s2 =	sadd.s32 s14, s16;
	s1 =	sand.u32 $0x70, s17;
	v46 =	vld [tilespmem:s0+$0x80];
	s0 =	sand.u32 $0x1FF00, s18  }
0x172: {  	s20 =	sand.u32 $0x70, s2;
	s2 =	sshll.u32 s2, $0x1;
	[tilespmem:v42+s8+$0x0] =	vst.idx.add.f32.msk $0xffff, v1;
	s0 =	sor.u32 s1, s0  }
0x173: {  	s22 =	sadd.s32 s14, s19;
	s19 =	sld [smem:$0x7F0];
	s21 =	sand.u32 $0x1FF00, s2;
	v47 =	vld [tilespmem:s0+$0x80]  }
0x174: {  	s26 =	sld [smem:$0x7EC];
	s24 =	sshll.u32 s22, $0x1;
	s0 =	sor.u32 s20, s21;
	[tilespmem:v43+s8+$0x0] =	vst.idx.add.f32.msk $0xffff, v1  }
0x175: {  	s25 =	sand.u32 $0x70, s22;
	s28 =	sadd.s32 s14, s23;
	s1 =	sand.u32 $0x1FF00, s24;
	v48 =	vld [tilespmem:s0+$0x80]  }
0x176: {  	s9 =	sld [smem:$0x7EE];
	s29 =	sshll.u32 s28, $0x1;
	s0 =	sor.u32 s25, s1;
	[tilespmem:v2+s8+$0x0] =	vst.idx.add.f32.msk $0xffff, v1  }
0x177: {  	s2 =	sadd.s32 s14, s26;
	s1 =	sand.u32 $0x70, s28;
	v49 =	vld [tilespmem:s0+$0x80];
	s0 =	sand.u32 $0x1FF00, s29  }
0x178: {  	s31 =	sand.u32 $0x70, s2;
	s2 =	sshll.u32 s2, $0x1;
	[tilespmem:v3+s8+$0x0] =	vst.idx.add.f32.msk $0xffff, v1;
	s0 =	sor.u32 s1, s0  }
0x179: {  	s4 =	sadd.s32 s14, s30;
	s30 =	sld [smem:$0x7F3];
	s2 =	sand.u32 $0x1FF00, s2;
	v50 =	vld [tilespmem:s0+$0x80]  }
0x17a: {  	s10 =	sshll.u32 s4, $0x1;
	s16 =	sld [smem:$0x7EF];
	s0 =	sor.u32 s31, s2;
	[tilespmem:v44+s8+$0x0] =	vst.idx.add.f32.msk $0xffff, v1  }
0x17b: {  	s15 =	sand.u32 $0x70, s4;
	s17 =	sadd.s32 s14, s9;
	s1 =	sand.u32 $0x1FF00, s10;
	v51 =	vld [tilespmem:s0+$0x80]  }
0x17c: {  	s23 =	sld [smem:$0x7F1];
	s18 =	sshll.u32 s17, $0x1;
	s0 =	sor.u32 s15, s1;
	[tilespmem:v45+s8+$0x0] =	vst.idx.add.f32.msk $0xffff, v1  }
0x17d: {  	s2 =	sadd.s32 s14, s16;
	s1 =	sand.u32 $0x70, s17;
	v52 =	vld [tilespmem:s0+$0x80];
	s0 =	sand.u32 $0x1FF00, s18  }
0x17e: {  	s20 =	sand.u32 $0x70, s2;
	s2 =	sshll.u32 s2, $0x1;
	[tilespmem:v46+s8+$0x0] =	vst.idx.add.f32.msk $0xffff, v1;
	s0 =	sor.u32 s1, s0  }
0x17f: {  	s22 =	sadd.s32 s14, s19;
	s9 =	sadd.s32 s14, s30;
	s21 =	sand.u32 $0x1FF00, s2;
	v2 =	vld [tilespmem:s0+$0x80]  }
0x180: {  	s26 =	sld [smem:$0x7F2];
	s24 =	sshll.u32 s22, $0x1;
	s0 =	sor.u32 s20, s21;
	[tilespmem:v47+s8+$0x0] =	vst.idx.add.f32.msk $0xffff, v1  }
0x181: {  	s25 =	sand.u32 $0x70, s22;
	s28 =	sadd.s32 s14, s23;
	s1 =	sand.u32 $0x1FF00, s24;
	v3 =	vld [tilespmem:s0+$0x80]  }
0x182: {  	s29 =	sshll.u32 s28, $0x1;
	s10 =	sld [smem:$0x7F4];
	s0 =	sor.u32 s25, s1;
	[tilespmem:v48+s8+$0x0] =	vst.idx.add.f32.msk $0xffff, v1  }
0x183: {  	s2 =	sadd.s32 s14, s26;
	s1 =	sand.u32 $0x70, s28;
	v53 =	vld [tilespmem:s0+$0x80];
	s0 =	sand.u32 $0x1FF00, s29  }
0x184: {  	s31 =	sand.u32 $0x70, s2;
	s2 =	sshll.u32 s2, $0x1;
	[tilespmem:v49+s8+$0x0] =	vst.idx.add.f32.msk $0xffff, v1;
	s0 =	sor.u32 s1, s0  }
0x185: {  	s16 =	sand.u32 $0x70, s9;
	s2 =	sand.u32 $0x1FF00, s2;
	v54 =	vld [tilespmem:s0+$0x80]  }
0x186: {  	s15 =	sshll.u32 s9, $0x1;
	s17 =	sld [smem:$0x7F5];
	s0 =	sor.u32 s31, s2;
	[tilespmem:v50+s8+$0x0] =	vst.idx.add.f32.msk $0xffff, v1  }
0x187: {  	s18 =	sadd.s32 s14, s10;
	s24 =	sld [smem:$0x7F7];
	s1 =	sand.u32 $0x1FF00, s15;
	v55 =	vld [tilespmem:s0+$0x80]  }
0x188: {  	s19 =	sshll.u32 s18, $0x1;
	s20 =	sld [smem:$0x7F6];
	s0 =	sor.u32 s16, s1;
	[tilespmem:v51+s8+$0x0] =	vst.idx.add.f32.msk $0xffff, v1  }
0x189: {  	s2 =	sadd.s32 s14, s17;
	s1 =	sand.u32 $0x70, s18;
	v56 =	vld [tilespmem:s0+$0x80];
	s0 =	sand.u32 $0x1FF00, s19  }
0x18a: {  	s21 =	sand.u32 $0x70, s2;
	s2 =	sshll.u32 s2, $0x1;
	[tilespmem:v52+s8+$0x0] =	vst.idx.add.f32.msk $0xffff, v1;
	s0 =	sor.u32 s1, s0  }
0x18b: {  	s28 =	sld [smem:$0x7F8];
	s23 =	sadd.s32 s14, s20;
	s22 =	sand.u32 $0x1FF00, s2;
	v57 =	vld [tilespmem:s0+$0x80]  }
0x18c: {  	s29 =	sadd.s32 s14, s24;
	s25 =	sshll.u32 s23, $0x1;
	s0 =	sor.u32 s21, s22;
	[tilespmem:v2+s8+$0x0] =	vst.idx.add.f32.msk $0xffff, v1  }
0x18d: {  	s26 =	sand.u32 $0x70, s23;
	s31 =	sld [smem:$0x7F9];
	s1 =	sand.u32 $0x1FF00, s25;
	v58 =	vld [tilespmem:s0+$0x80]  }
0x18e: {  	s30 =	sshll.u32 s29, $0x1;
	s16 =	sld [smem:$0x7FA];
	s0 =	sor.u32 s26, s1;
	[tilespmem:v3+s8+$0x0] =	vst.idx.add.f32.msk $0xffff, v1  }
0x18f: {  	s2 =	sadd.s32 s14, s28;
	s1 =	sand.u32 $0x70, s29;
	v59 =	vld [tilespmem:s0+$0x80];
	s0 =	sand.u32 $0x1FF00, s30  }
0x190: {  	s9 =	sand.u32 $0x70, s2;
	s2 =	sshll.u32 s2, $0x1;
	[tilespmem:v53+s8+$0x0] =	vst.idx.add.f32.msk $0xffff, v1;
	s0 =	sor.u32 s1, s0  }
0x191: {  	s19 =	sld [smem:$0x7FC];
	s15 =	sadd.s32 s14, s31;
	s10 =	sand.u32 $0x1FF00, s2;
	v2 =	vld [tilespmem:s0+$0x80]  }
0x192: {  	s17 =	sshll.u32 s15, $0x1;
	s18 =	sand.u32 $0x70, s15;
	s0 =	sor.u32 s9, s10;
	[tilespmem:v54+s8+$0x0] =	vst.idx.add.f32.msk $0xffff, v1  }
0x193: {  	s20 =	sadd.s32 s14, s16;
	s21 =	sld [smem:$0x7FD];
	s1 =	sand.u32 $0x1FF00, s17;
	v3 =	vld [tilespmem:s0+$0x80]  }
0x194: {  	s22 =	sshll.u32 s20, $0x1;
	s0 =	sor.u32 s18, s1;
	[tilespmem:v55+s8+$0x0] =	vst.idx.add.f32.msk $0xffff, v1  }
0x195: {  	s2 =	sadd.s32 s14, s19;
	s1 =	sand.u32 $0x70, s20;
	v60 =	vld [tilespmem:s0+$0x80];
	s0 =	sand.u32 $0x1FF00, s22  }
0x196: {  	s24 =	sshll.u32 s2, $0x1;
	s23 =	sadd.s32 s14, s21;
	[tilespmem:v56+s8+$0x0] =	vst.idx.add.f32.msk $0xffff, v1;
	s0 =	sor.u32 s1, s0  }
0x197: {  	s25 =	sand.u32 $0x70, s2;
	s26 =	sand.u32 $0x1FF00, s24;
	s28 =	sshll.u32 s23, $0x1;
	v61 =	vld [tilespmem:s0+$0x80]  }
0x198: {  	s29 =	sand.u32 $0x1FF00, s28;
	s1 =	sand.u32 $0x70, s23;
	s0 =	sor.u32 s25, s26;
	[tilespmem:v57+s8+$0x0] =	vst.idx.add.f32.msk $0xffff, v1  }
0x199: {  	s30 =	sor.u32 s1, s29;
	v62 =	vld [tilespmem:s0+$0x80]  }
0x19a: {  	v63 =	vld [tilespmem:s30+$0x80]  }
0x19b: {  	[tilespmem:v58+s8+$0x0] =	vst.idx.add.f32.msk $0xffff, v1  }
0x19c: {  	[tilespmem:v59+s8+$0x0] =	vst.idx.add.f32.msk $0xffff, v1  }
0x19d: {  	p0 =	slt.u32 s13, $0x1F4;
	[tilespmem:v2+s8+$0x0] =	vst.idx.add.f32.msk $0xffff, v1  }
.Ltmp1:
0x19e: {  	[tilespmem:v3+s8+$0x0] =	vst.idx.add.f32.msk $0xffff, v1;
	(pc) =	sbr.rel @p0 .LBB2_4-.Ltmp1, $4  }
0x19f: {  	[tilespmem:v60+s8+$0x0] =	vst.idx.add.f32.msk $0xffff, v1  }
0x1a0: {  	[tilespmem:v61+s8+$0x0] =	vst.idx.add.f32.msk $0xffff, v1  }
0x1a1: {  	s31 =	sadd.s32 $0x7D, s13;
	[tilespmem:v62+s8+$0x0] =	vst.idx.add.f32.msk $0xffff, v1  }
0x1a2: {  	s13 =	smov.u32 s31;
	[tilespmem:v63+s8+$0x0] =	vst.idx.add.f32.msk $0xffff, v1  }
0x1a3: {  	s12 =	sadd.s32 $0x1, s12  }
0x1a4: {  	p0 =	sne.s32 s12, s6  }
.Ltmp2:
0x1a5: {  	s0 =	simm.s32 $0x80;
	s1 =	simm.s32 $0x400;
	(pc) =	sbr.rel @p0 .LBB2_1-.Ltmp2, $4  }
0x1a6: {  	[hbm4b:s5+s0] =	stream.strided.scatter [tilespmem:s8], [sflag:$0x2], $0x2780, s1, s0, $0x38;
	[tilespmem:$0x7680] =	vst v63  }
0x1a7: {  	_ =	swait.ge [sflag:s11], $0x2780  }
0x1a8: {  	[sflag:s11] =	ssyncset.done $0x0  }
0x1a9: {  	[sflag:s11] =	ssyncadd.s32 $0xFFFFD880  }
0x1aa: {  	_ =	sfence.sel $0x180000  }
0x1ab: {  	[bflag:$0x0] =	sbarrier.arrive $0xFFFF  }
0x1ac: {  	_ =	strace $0x90000047  }
0x1ad: {  	s0 =	stileid.u32;
	[bflag:$0x2] =	sbarrier.arrive $0xFFFF  }
0x1ae: {  	p0 =	sne.s32 s0, $0x0;
	s0 =	rddreg [dreg:$0x2]  }
0x1af: {  	s0 =	sadd.s32 @!p0 $0x100000, s0  }
0x1b0: {  	[sflag:s0] =	ssyncadd.tile.s32 @!p0 $0x1;
	_ =	shalt  }
.Lfunc_end2:
_tile_overlayer_lowered:
.L_overlay_start_2:
0x1b1: {  	(tag) =	ssettag $0x2  }
0x1b2: {  	s0 =	rddreg [dreg:$0x0];
	s2 =	stileid.u32  }
0x1b3: {  	s1 =	rddreg [dreg:$0x1];
	p0 =	sne.s32 s2, $0x0  }
0x1b4: {  	s3 =	rddreg [dreg:$0x2];
	[bflag:$0x3] =	sbarrier.arrive $0xFFFF;
	s2 =	simm.s32 @!p0 $0x1C02  }
0x1b5: {  	[timem:s3], [sflag:s2] =	dma.local @!p0 [hbm:s0], s1  }
0x1b6: {  	s0 =	simm.s32 @!p0 $0x2  }
0x1b7: {  	_ =	swait.ge @!p0 [sflag:s0], s1  }
0x1b8: {  	s1 =	ssub.s32 @!p0 $0x0, s1;
	[sflag:s0] =	ssyncset.done @!p0 $0x0  }
0x1b9: {  	[sflag:s0] =	ssyncadd.s32 @!p0 s1  }
0x1ba: {  	[bflag:$0x3] =	sbarrier.arrive $0xFFFF  }
0x1bb: {  	_ =	shalt  }

</sc_bundles>
